<compile_context>
chip_gen: v7x
topology: tpu7x:2x2x1
jax: 0.10.2.dev20260603
libtpu: 0.0.44.dev20260713+nightly
codegen_flags: <defaults>
</compile_context>

<pallas_src>
import functools

import jax
import jax.numpy as jnp
from jax import lax
from jax.experimental import pallas as pl
from jax.experimental.pallas import tpu as pltpu
from jax.experimental.pallas import tpu_sc as plsc

NUM_HEROES = 1000000
EMBED_DIM = 32
BATCH = 16384
SEQ = 10

_info = plsc.get_sparse_core_info()
NC, NS, NL = _info.num_cores, _info.num_subcores, _info.num_lanes
NW = NC * NS
NBT = BATCH // 128
BT_PER_W = NBT // NW
SEQ_PAD = 16


def _body(x4_hbm, table_hbm, out3, idx_c, buf0, buf1, g0, g1, w0, w1):
    wid = lax.axis_index("s") * NC + lax.axis_index("c")
    bufs = (buf0, buf1)
    gsems = (g0, g1)
    wsems = (w0, w1)

    def stage_idx(c):
        bt = BT_PER_W * wid + c
        pltpu.sync_copy(x4_hbm.at[0, bt], idx_c.at[c, pl.ds(0, 8)])
        pltpu.sync_copy(x4_hbm.at[1, bt, pl.ds(0, 2)], idx_c.at[c, pl.ds(8, 2)])

    def fire_gathers(c, b):
        return [
            pltpu.async_copy(table_hbm.at[idx_c.at[c, s]], bufs[b].at[s],
                             gsems[b])
            for s in range(SEQ)
        ]

    for c in range(BT_PER_W):
        stage_idx(c)

    gd = {}
    wd = {}
    for c in range(BT_PER_W + 1):
        if c < BT_PER_W:
            b = c % 2
            if c >= 2:
                wd[c - 2].wait()
            gd[c] = fire_gathers(c, b)
        if c >= 1:
            k = c - 1
            b = k % 2
            for d in gd[k]:
                d.wait()
            wd[k] = pltpu.async_copy(
                bufs[b],
                out3.at[:, pl.ds((BT_PER_W * wid + k) * 128, 128)],
                wsems[b])
    wd[BT_PER_W - 1].wait()
    wd[BT_PER_W - 2].wait()


@jax.jit
def kernel(x, table):
    xp = jnp.pad(x.T, ((0, SEQ_PAD - SEQ), (0, 0)))
    x4 = xp.reshape(2, 8, NBT, 128).transpose(0, 2, 1, 3)

    run = pl.kernel(
        _body,
        out_type=jax.ShapeDtypeStruct((SEQ, BATCH, EMBED_DIM), jnp.float32),
        mesh=plsc.VectorSubcoreMesh(core_axis_name="c", subcore_axis_name="s"),
        scratch_types=[
            pltpu.VMEM((BT_PER_W, SEQ, 128), jnp.int32),
            pltpu.VMEM((SEQ, 128, EMBED_DIM), jnp.float32),
            pltpu.VMEM((SEQ, 128, EMBED_DIM), jnp.float32),
            pltpu.SemaphoreType.DMA,
            pltpu.SemaphoreType.DMA,
            pltpu.SemaphoreType.DMA,
            pltpu.SemaphoreType.DMA,
        ],
        compiler_params=pltpu.CompilerParams(use_tc_tiling_on_sc=False),
    )
    out3 = run(x4, table)
    return out3.transpose(1, 0, 2)

# --- scband reference (transcript-rebuilt; emitter-appended) ---
"""Pipeline reference for scband-embedding-31860067402197 (READ-ONLY COPY).

The authoritative reference and input builder live on the scoring server;
editing this copy changes nothing except your own understanding.
"""

import jax, jax.numpy as jnp
import numpy as np

NUM_HEROES = 1000000
EMBED_DIM = 32
BATCH = 16384
SEQ = 10

def setup_inputs(seed: int = 0) -> dict:
    key = jax.random.key(seed)
    k1, k2 = jax.random.split(key)
    x = jax.random.randint(k1, (BATCH, SEQ), 0, NUM_HEROES, dtype=jnp.int64) if jax.config.jax_enable_x64 else jax.random.randint(k1, (BATCH, SEQ), 0, NUM_HEROES, dtype=jnp.int32)
    table = jax.random.normal(k2, (NUM_HEROES, EMBED_DIM), dtype=jnp.float32)
    # padding_idx=0: row 0 is initialized to zeros in torch nn.Embedding
    table = table.at[0].set(0.0)
    return {"x": x, "table": table}

def reference(x, table):
    # nn.Embedding lookup: gather rows of the embedding table
    return jnp.take(table, x, axis=0)

if __name__ == "__main__":
    import jax
    _d = setup_inputs()
    print(jax.jit(kernel)(*tuple(_d.values())))

</pallas_src>

<mosaic_0001>
#map = affine_map<(d0, d1) -> (0, 0, 0, 0)>
#map1 = affine_map<(d0, d1) -> (0, 0)>
#map2 = affine_map<(d0, d1) -> (0, 0, 0)>
module attributes {stable_mosaic.version = 14 : i64} {
  func.func @_body(%arg0: i32, %arg1: i32, %arg2: memref<2x128x8x128xi32, #tpu.memory_space<hbm>>, %arg3: memref<1000000x32xf32, #tpu.memory_space<hbm>>, %arg4: memref<10x16384x32xf32, #tpu.memory_space<hbm>>, %arg5: memref<4x10x128xi32, #tpu.memory_space<vmem>>, %arg6: memref<10x128x32xf32, #tpu.memory_space<vmem>>, %arg7: memref<10x128x32xf32, #tpu.memory_space<vmem>>, %arg8: memref<!tpu.dma_semaphore, #tpu.memory_space<semaphore_mem>>, %arg9: memref<!tpu.dma_semaphore, #tpu.memory_space<semaphore_mem>>, %arg10: memref<!tpu.dma_semaphore, #tpu.memory_space<semaphore_mem>>, %arg11: memref<!tpu.dma_semaphore, #tpu.memory_space<semaphore_mem>>) attributes {dimension_semantics = [#tpu.dimension_semantics<core_parallel>, #tpu.dimension_semantics<subcore_parallel>], iteration_bounds = array<i64: 2, 16>, scalar_prefetch = 0 : i64, scratch_operands = 7 : i64, tpu.core_type = #tpu.core_type<sc_vector_subcore>, window_params = [{transform_indices = #map}, {transform_indices = #map1}, {transform_indices = #map2}]} {
    %mul3A = arith.constant 2 : i32
    %mul3A_0 = arith.muli %arg1, %mul3A : i32
    %add3A = arith.addi %mul3A_0, %arg0 : i32
    %mul3A_1 = arith.constant 4 : i32
    %mul3A_2 = arith.muli %mul3A_1, %add3A : i32
    %add3A_3 = arith.constant 0 : i32
    %add3A_4 = arith.addi %mul3A_2, %add3A_3 : i32
    %run_scoped3A = arith.constant 0 : i32
    %run_scoped3A_5 = arith.constant 0 : i32
    "tpu.region"() ({
      %run_scoped3A_1142 = tpu.sem_alloc : memref<!tpu.dma_semaphore, #tpu.memory_space<semaphore_mem>>
      %dma_start3A_1143 = arith.constant 0 : i32
      %dma_start3A_1144 = arith.constant 0 : i32
      %dma_start3A_1145 = tpu.memref_slice %arg5[%run_scoped3A_5, %dma_start3A_1143, %dma_start3A_1144] : memref<4x10x128xi32, #tpu.memory_space<vmem>> -> memref<1x8x128xi32, #tpu.memory_space<vmem>>
      %dma_start3A_1146 = tpu.memref_squeeze %dma_start3A_1145 : memref<1x8x128xi32, #tpu.memory_space<vmem>> -> memref<8x128xi32, #tpu.memory_space<vmem>>
      %dma_start3A_1147 = arith.constant 0 : i32
      %dma_start3A_1148 = arith.constant 0 : i32
      %dma_start3A_1149 = tpu.memref_slice %arg2[%run_scoped3A, %add3A_4, %dma_start3A_1147, %dma_start3A_1148] : memref<2x128x8x128xi32, #tpu.memory_space<hbm>> -> memref<1x1x8x128xi32, #tpu.memory_space<hbm>>
      %dma_start3A_1150 = tpu.memref_squeeze %dma_start3A_1149 : memref<1x1x8x128xi32, #tpu.memory_space<hbm>> -> memref<8x128xi32, #tpu.memory_space<hbm>>
      %dma_start3A_1151 = arith.constant 0 : i32
      %dma_start3A_1152 = arith.constant 0 : i32
      %dma_start3A_1153 = tpu.memref_slice %arg5[%run_scoped3A_5, %dma_start3A_1151, %dma_start3A_1152] : memref<4x10x128xi32, #tpu.memory_space<vmem>> -> memref<1x8x128xi32, #tpu.memory_space<vmem>>
      %dma_start3A_1154 = tpu.memref_squeeze %dma_start3A_1153 : memref<1x8x128xi32, #tpu.memory_space<vmem>> -> memref<8x128xi32, #tpu.memory_space<vmem>>
      %dma_start3A_1155 = arith.constant 0 : i32
      %dma_start3A_1156 = arith.constant 0 : i32
      %dma_start3A_1157 = tpu.memref_slice %arg2[%run_scoped3A, %add3A_4, %dma_start3A_1155, %dma_start3A_1156] : memref<2x128x8x128xi32, #tpu.memory_space<hbm>> -> memref<1x1x8x128xi32, #tpu.memory_space<hbm>>
      %dma_start3A_1158 = tpu.memref_squeeze %dma_start3A_1157 : memref<1x1x8x128xi32, #tpu.memory_space<hbm>> -> memref<8x128xi32, #tpu.memory_space<hbm>>
      tpu.enqueue_dma source(%dma_start3A_1158 : memref<8x128xi32, #tpu.memory_space<hbm>>) target(%dma_start3A_1154 : memref<8x128xi32, #tpu.memory_space<vmem>>) target_semaphore(%run_scoped3A_1142 : memref<!tpu.dma_semaphore, #tpu.memory_space<semaphore_mem>>)
      %dma_wait3A_1159 = arith.constant 0 : i32
      %dma_wait3A_1160 = arith.constant 0 : i32
      %dma_wait3A_1161 = tpu.memref_slice %arg5[%run_scoped3A_5, %dma_wait3A_1159, %dma_wait3A_1160] : memref<4x10x128xi32, #tpu.memory_space<vmem>> -> memref<1x8x128xi32, #tpu.memory_space<vmem>>
      %dma_wait3A_1162 = tpu.memref_squeeze %dma_wait3A_1161 : memref<1x8x128xi32, #tpu.memory_space<vmem>> -> memref<8x128xi32, #tpu.memory_space<vmem>>
      %dma_wait3A_1163 = arith.constant 0 : i32
      %dma_wait3A_1164 = arith.constant 0 : i32
      %dma_wait3A_1165 = tpu.memref_slice %arg2[%run_scoped3A, %add3A_4, %dma_wait3A_1163, %dma_wait3A_1164] : memref<2x128x8x128xi32, #tpu.memory_space<hbm>> -> memref<1x1x8x128xi32, #tpu.memory_space<hbm>>
      %dma_wait3A_1166 = tpu.memref_squeeze %dma_wait3A_1165 : memref<1x1x8x128xi32, #tpu.memory_space<hbm>> -> memref<8x128xi32, #tpu.memory_space<hbm>>
      %dma_wait3A_1167 = arith.constant 0 : i32
      %dma_wait3A_1168 = arith.constant 0 : i32
      %dma_wait3A_1169 = tpu.memref_slice %arg5[%run_scoped3A_5, %dma_wait3A_1167, %dma_wait3A_1168] : memref<4x10x128xi32, #tpu.memory_space<vmem>> -> memref<1x8x128xi32, #tpu.memory_space<vmem>>
      %dma_wait3A_1170 = tpu.memref_squeeze %dma_wait3A_1169 : memref<1x8x128xi32, #tpu.memory_space<vmem>> -> memref<8x128xi32, #tpu.memory_space<vmem>>
      %dma_wait3A_1171 = arith.constant 0 : i32
      %dma_wait3A_1172 = arith.constant 0 : i32
      %dma_wait3A_1173 = tpu.memref_slice %arg2[%run_scoped3A, %add3A_4, %dma_wait3A_1171, %dma_wait3A_1172] : memref<2x128x8x128xi32, #tpu.memory_space<hbm>> -> memref<1x1x8x128xi32, #tpu.memory_space<hbm>>
      %dma_wait3A_1174 = tpu.memref_squeeze %dma_wait3A_1173 : memref<1x1x8x128xi32, #tpu.memory_space<hbm>> -> memref<8x128xi32, #tpu.memory_space<hbm>>
      tpu.wait_dma2 semaphore(%run_scoped3A_1142 : memref<!tpu.dma_semaphore, #tpu.memory_space<semaphore_mem>>) src(%dma_wait3A_1174 : memref<8x128xi32, #tpu.memory_space<hbm>>) dst(%dma_wait3A_1170 : memref<8x128xi32, #tpu.memory_space<vmem>>)
      tpu.yield
    }) : () -> ()
    %run_scoped3A_6 = arith.constant 1 : i32
    %run_scoped3A_7 = arith.constant 0 : i32
    "tpu.region"() ({
      %run_scoped3A_1142 = tpu.sem_alloc : memref<!tpu.dma_semaphore, #tpu.memory_space<semaphore_mem>>
      %dma_start3A_1143 = arith.constant 8 : i32
      %dma_start3A_1144 = arith.constant 0 : i32
      %dma_start3A_1145 = tpu.memref_slice %arg5[%run_scoped3A_7, %dma_start3A_1143, %dma_start3A_1144] : memref<4x10x128xi32, #tpu.memory_space<vmem>> -> memref<1x2x128xi32, #tpu.memory_space<vmem>>
      %dma_start3A_1146 = tpu.memref_squeeze %dma_start3A_1145 : memref<1x2x128xi32, #tpu.memory_space<vmem>> -> memref<2x128xi32, #tpu.memory_space<vmem>>
      %dma_start3A_1147 = arith.constant 0 : i32
      %dma_start3A_1148 = arith.constant 0 : i32
      %dma_start3A_1149 = tpu.memref_slice %arg2[%run_scoped3A_6, %add3A_4, %dma_start3A_1147, %dma_start3A_1148] : memref<2x128x8x128xi32, #tpu.memory_space<hbm>> -> memref<1x1x2x128xi32, #tpu.memory_space<hbm>>
      %dma_start3A_1150 = tpu.memref_squeeze %dma_start3A_1149 : memref<1x1x2x128xi32, #tpu.memory_space<hbm>> -> memref<2x128xi32, #tpu.memory_space<hbm>>
      %dma_start3A_1151 = arith.constant 8 : i32
      %dma_start3A_1152 = arith.constant 0 : i32
      %dma_start3A_1153 = tpu.memref_slice %arg5[%run_scoped3A_7, %dma_start3A_1151, %dma_start3A_1152] : memref<4x10x128xi32, #tpu.memory_space<vmem>> -> memref<1x2x128xi32, #tpu.memory_space<vmem>>
      %dma_start3A_1154 = tpu.memref_squeeze %dma_start3A_1153 : memref<1x2x128xi32, #tpu.memory_space<vmem>> -> memref<2x128xi32, #tpu.memory_space<vmem>>
      %dma_start3A_1155 = arith.constant 0 : i32
      %dma_start3A_1156 = arith.constant 0 : i32
      %dma_start3A_1157 = tpu.memref_slice %arg2[%run_scoped3A_6, %add3A_4, %dma_start3A_1155, %dma_start3A_1156] : memref<2x128x8x128xi32, #tpu.memory_space<hbm>> -> memref<1x1x2x128xi32, #tpu.memory_space<hbm>>
      %dma_start3A_1158 = tpu.memref_squeeze %dma_start3A_1157 : memref<1x1x2x128xi32, #tpu.memory_space<hbm>> -> memref<2x128xi32, #tpu.memory_space<hbm>>
      tpu.enqueue_dma source(%dma_start3A_1158 : memref<2x128xi32, #tpu.memory_space<hbm>>) target(%dma_start3A_1154 : memref<2x128xi32, #tpu.memory_space<vmem>>) target_semaphore(%run_scoped3A_1142 : memref<!tpu.dma_semaphore, #tpu.memory_space<semaphore_mem>>)
      %dma_wait3A_1159 = arith.constant 8 : i32
      %dma_wait3A_1160 = arith.constant 0 : i32
      %dma_wait3A_1161 = tpu.memref_slice %arg5[%run_scoped3A_7, %dma_wait3A_1159, %dma_wait3A_1160] : memref<4x10x128xi32, #tpu.memory_space<vmem>> -> memref<1x2x128xi32, #tpu.memory_space<vmem>>
      %dma_wait3A_1162 = tpu.memref_squeeze %dma_wait3A_1161 : memref<1x2x128xi32, #tpu.memory_space<vmem>> -> memref<2x128xi32, #tpu.memory_space<vmem>>
      %dma_wait3A_1163 = arith.constant 0 : i32
      %dma_wait3A_1164 = arith.constant 0 : i32
      %dma_wait3A_1165 = tpu.memref_slice %arg2[%run_scoped3A_6, %add3A_4, %dma_wait3A_1163, %dma_wait3A_1164] : memref<2x128x8x128xi32, #tpu.memory_space<hbm>> -> memref<1x1x2x128xi32, #tpu.memory_space<hbm>>
      %dma_wait3A_1166 = tpu.memref_squeeze %dma_wait3A_1165 : memref<1x1x2x128xi32, #tpu.memory_space<hbm>> -> memref<2x128xi32, #tpu.memory_space<hbm>>
      %dma_wait3A_1167 = arith.constant 8 : i32
      %dma_wait3A_1168 = arith.constant 0 : i32
      %dma_wait3A_1169 = tpu.memref_slice %arg5[%run_scoped3A_7, %dma_wait3A_1167, %dma_wait3A_1168] : memref<4x10x128xi32, #tpu.memory_space<vmem>> -> memref<1x2x128xi32, #tpu.memory_space<vmem>>
      %dma_wait3A_1170 = tpu.memref_squeeze %dma_wait3A_1169 : memref<1x2x128xi32, #tpu.memory_space<vmem>> -> memref<2x128xi32, #tpu.memory_space<vmem>>
      %dma_wait3A_1171 = arith.constant 0 : i32
      %dma_wait3A_1172 = arith.constant 0 : i32
      %dma_wait3A_1173 = tpu.memref_slice %arg2[%run_scoped3A_6, %add3A_4, %dma_wait3A_1171, %dma_wait3A_1172] : memref<2x128x8x128xi32, #tpu.memory_space<hbm>> -> memref<1x1x2x128xi32, #tpu.memory_space<hbm>>
      %dma_wait3A_1174 = tpu.memref_squeeze %dma_wait3A_1173 : memref<1x1x2x128xi32, #tpu.memory_space<hbm>> -> memref<2x128xi32, #tpu.memory_space<hbm>>
      tpu.wait_dma2 semaphore(%run_scoped3A_1142 : memref<!tpu.dma_semaphore, #tpu.memory_space<semaphore_mem>>) src(%dma_wait3A_1174 : memref<2x128xi32, #tpu.memory_space<hbm>>) dst(%dma_wait3A_1170 : memref<2x128xi32, #tpu.memory_space<vmem>>)
      tpu.yield
    }) : () -> ()
    %mul3A_8 = arith.constant 4 : i32
    %mul3A_9 = arith.muli %mul3A_8, %add3A : i32
    %add3A_10 = arith.constant 1 : i32
    %add3A_11 = arith.addi %mul3A_9, %add3A_10 : i32
    %run_scoped3A_12 = arith.constant 0 : i32
    %run_scoped3A_13 = arith.constant 1 : i32
    "tpu.region"() ({
      %run_scoped3A_1142 = tpu.sem_alloc : memref<!tpu.dma_semaphore, #tpu.memory_space<semaphore_mem>>
      %dma_start3A_1143 = arith.constant 0 : i32
      %dma_start3A_1144 = arith.constant 0 : i32
      %dma_start3A_1145 = tpu.memref_slice %arg5[%run_scoped3A_13, %dma_start3A_1143, %dma_start3A_1144] : memref<4x10x128xi32, #tpu.memory_space<vmem>> -> memref<1x8x128xi32, #tpu.memory_space<vmem>>
      %dma_start3A_1146 = tpu.memref_squeeze %dma_start3A_1145 : memref<1x8x128xi32, #tpu.memory_space<vmem>> -> memref<8x128xi32, #tpu.memory_space<vmem>>
      %dma_start3A_1147 = arith.constant 0 : i32
      %dma_start3A_1148 = arith.constant 0 : i32
      %dma_start3A_1149 = tpu.memref_slice %arg2[%run_scoped3A_12, %add3A_11, %dma_start3A_1147, %dma_start3A_1148] : memref<2x128x8x128xi32, #tpu.memory_space<hbm>> -> memref<1x1x8x128xi32, #tpu.memory_space<hbm>>
      %dma_start3A_1150 = tpu.memref_squeeze %dma_start3A_1149 : memref<1x1x8x128xi32, #tpu.memory_space<hbm>> -> memref<8x128xi32, #tpu.memory_space<hbm>>
      %dma_start3A_1151 = arith.constant 0 : i32
      %dma_start3A_1152 = arith.constant 0 : i32
      %dma_start3A_1153 = tpu.memref_slice %arg5[%run_scoped3A_13, %dma_start3A_1151, %dma_start3A_1152] : memref<4x10x128xi32, #tpu.memory_space<vmem>> -> memref<1x8x128xi32, #tpu.memory_space<vmem>>
      %dma_start3A_1154 = tpu.memref_squeeze %dma_start3A_1153 : memref<1x8x128xi32, #tpu.memory_space<vmem>> -> memref<8x128xi32, #tpu.memory_space<vmem>>
      %dma_start3A_1155 = arith.constant 0 : i32
      %dma_start3A_1156 = arith.constant 0 : i32
      %dma_start3A_1157 = tpu.memref_slice %arg2[%run_scoped3A_12, %add3A_11, %dma_start3A_1155, %dma_start3A_1156] : memref<2x128x8x128xi32, #tpu.memory_space<hbm>> -> memref<1x1x8x128xi32, #tpu.memory_space<hbm>>
      %dma_start3A_1158 = tpu.memref_squeeze %dma_start3A_1157 : memref<1x1x8x128xi32, #tpu.memory_space<hbm>> -> memref<8x128xi32, #tpu.memory_space<hbm>>
      tpu.enqueue_dma source(%dma_start3A_1158 : memref<8x128xi32, #tpu.memory_space<hbm>>) target(%dma_start3A_1154 : memref<8x128xi32, #tpu.memory_space<vmem>>) target_semaphore(%run_scoped3A_1142 : memref<!tpu.dma_semaphore, #tpu.memory_space<semaphore_mem>>)
      %dma_wait3A_1159 = arith.constant 0 : i32
      %dma_wait3A_1160 = arith.constant 0 : i32
      %dma_wait3A_1161 = tpu.memref_slice %arg5[%run_scoped3A_13, %dma_wait3A_1159, %dma_wait3A_1160] : memref<4x10x128xi32, #tpu.memory_space<vmem>> -> memref<1x8x128xi32, #tpu.memory_space<vmem>>
      %dma_wait3A_1162 = tpu.memref_squeeze %dma_wait3A_1161 : memref<1x8x128xi32, #tpu.memory_space<vmem>> -> memref<8x128xi32, #tpu.memory_space<vmem>>
      %dma_wait3A_1163 = arith.constant 0 : i32
      %dma_wait3A_1164 = arith.constant 0 : i32
      %dma_wait3A_1165 = tpu.memref_slice %arg2[%run_scoped3A_12, %add3A_11, %dma_wait3A_1163, %dma_wait3A_1164] : memref<2x128x8x128xi32, #tpu.memory_space<hbm>> -> memref<1x1x8x128xi32, #tpu.memory_space<hbm>>
      %dma_wait3A_1166 = tpu.memref_squeeze %dma_wait3A_1165 : memref<1x1x8x128xi32, #tpu.memory_space<hbm>> -> memref<8x128xi32, #tpu.memory_space<hbm>>
      %dma_wait3A_1167 = arith.constant 0 : i32
      %dma_wait3A_1168 = arith.constant 0 : i32
      %dma_wait3A_1169 = tpu.memref_slice %arg5[%run_scoped3A_13, %dma_wait3A_1167, %dma_wait3A_1168] : memref<4x10x128xi32, #tpu.memory_space<vmem>> -> memref<1x8x128xi32, #tpu.memory_space<vmem>>
      %dma_wait3A_1170 = tpu.memref_squeeze %dma_wait3A_1169 : memref<1x8x128xi32, #tpu.memory_space<vmem>> -> memref<8x128xi32, #tpu.memory_space<vmem>>
      %dma_wait3A_1171 = arith.constant 0 : i32
      %dma_wait3A_1172 = arith.constant 0 : i32
      %dma_wait3A_1173 = tpu.memref_slice %arg2[%run_scoped3A_12, %add3A_11, %dma_wait3A_1171, %dma_wait3A_1172] : memref<2x128x8x128xi32, #tpu.memory_space<hbm>> -> memref<1x1x8x128xi32, #tpu.memory_space<hbm>>
      %dma_wait3A_1174 = tpu.memref_squeeze %dma_wait3A_1173 : memref<1x1x8x128xi32, #tpu.memory_space<hbm>> -> memref<8x128xi32, #tpu.memory_space<hbm>>
      tpu.wait_dma2 semaphore(%run_scoped3A_1142 : memref<!tpu.dma_semaphore, #tpu.memory_space<semaphore_mem>>) src(%dma_wait3A_1174 : memref<8x128xi32, #tpu.memory_space<hbm>>) dst(%dma_wait3A_1170 : memref<8x128xi32, #tpu.memory_space<vmem>>)
      tpu.yield
    }) : () -> ()
    %run_scoped3A_14 = arith.constant 1 : i32
    %run_scoped3A_15 = arith.constant 1 : i32
    "tpu.region"() ({
      %run_scoped3A_1142 = tpu.sem_alloc : memref<!tpu.dma_semaphore, #tpu.memory_space<semaphore_mem>>
      %dma_start3A_1143 = arith.constant 8 : i32
      %dma_start3A_1144 = arith.constant 0 : i32
      %dma_start3A_1145 = tpu.memref_slice %arg5[%run_scoped3A_15, %dma_start3A_1143, %dma_start3A_1144] : memref<4x10x128xi32, #tpu.memory_space<vmem>> -> memref<1x2x128xi32, #tpu.memory_space<vmem>>
      %dma_start3A_1146 = tpu.memref_squeeze %dma_start3A_1145 : memref<1x2x128xi32, #tpu.memory_space<vmem>> -> memref<2x128xi32, #tpu.memory_space<vmem>>
      %dma_start3A_1147 = arith.constant 0 : i32
      %dma_start3A_1148 = arith.constant 0 : i32
      %dma_start3A_1149 = tpu.memref_slice %arg2[%run_scoped3A_14, %add3A_11, %dma_start3A_1147, %dma_start3A_1148] : memref<2x128x8x128xi32, #tpu.memory_space<hbm>> -> memref<1x1x2x128xi32, #tpu.memory_space<hbm>>
      %dma_start3A_1150 = tpu.memref_squeeze %dma_start3A_1149 : memref<1x1x2x128xi32, #tpu.memory_space<hbm>> -> memref<2x128xi32, #tpu.memory_space<hbm>>
      %dma_start3A_1151 = arith.constant 8 : i32
      %dma_start3A_1152 = arith.constant 0 : i32
      %dma_start3A_1153 = tpu.memref_slice %arg5[%run_scoped3A_15, %dma_start3A_1151, %dma_start3A_1152] : memref<4x10x128xi32, #tpu.memory_space<vmem>> -> memref<1x2x128xi32, #tpu.memory_space<vmem>>
      %dma_start3A_1154 = tpu.memref_squeeze %dma_start3A_1153 : memref<1x2x128xi32, #tpu.memory_space<vmem>> -> memref<2x128xi32, #tpu.memory_space<vmem>>
      %dma_start3A_1155 = arith.constant 0 : i32
      %dma_start3A_1156 = arith.constant 0 : i32
      %dma_start3A_1157 = tpu.memref_slice %arg2[%run_scoped3A_14, %add3A_11, %dma_start3A_1155, %dma_start3A_1156] : memref<2x128x8x128xi32, #tpu.memory_space<hbm>> -> memref<1x1x2x128xi32, #tpu.memory_space<hbm>>
      %dma_start3A_1158 = tpu.memref_squeeze %dma_start3A_1157 : memref<1x1x2x128xi32, #tpu.memory_space<hbm>> -> memref<2x128xi32, #tpu.memory_space<hbm>>
      tpu.enqueue_dma source(%dma_start3A_1158 : memref<2x128xi32, #tpu.memory_space<hbm>>) target(%dma_start3A_1154 : memref<2x128xi32, #tpu.memory_space<vmem>>) target_semaphore(%run_scoped3A_1142 : memref<!tpu.dma_semaphore, #tpu.memory_space<semaphore_mem>>)
      %dma_wait3A_1159 = arith.constant 8 : i32
      %dma_wait3A_1160 = arith.constant 0 : i32
      %dma_wait3A_1161 = tpu.memref_slice %arg5[%run_scoped3A_15, %dma_wait3A_1159, %dma_wait3A_1160] : memref<4x10x128xi32, #tpu.memory_space<vmem>> -> memref<1x2x128xi32, #tpu.memory_space<vmem>>
      %dma_wait3A_1162 = tpu.memref_squeeze %dma_wait3A_1161 : memref<1x2x128xi32, #tpu.memory_space<vmem>> -> memref<2x128xi32, #tpu.memory_space<vmem>>
      %dma_wait3A_1163 = arith.constant 0 : i32
      %dma_wait3A_1164 = arith.constant 0 : i32
      %dma_wait3A_1165 = tpu.memref_slice %arg2[%run_scoped3A_14, %add3A_11, %dma_wait3A_1163, %dma_wait3A_1164] : memref<2x128x8x128xi32, #tpu.memory_space<hbm>> -> memref<1x1x2x128xi32, #tpu.memory_space<hbm>>
      %dma_wait3A_1166 = tpu.memref_squeeze %dma_wait3A_1165 : memref<1x1x2x128xi32, #tpu.memory_space<hbm>> -> memref<2x128xi32, #tpu.memory_space<hbm>>
      %dma_wait3A_1167 = arith.constant 8 : i32
      %dma_wait3A_1168 = arith.constant 0 : i32
      %dma_wait3A_1169 = tpu.memref_slice %arg5[%run_scoped3A_15, %dma_wait3A_1167, %dma_wait3A_1168] : memref<4x10x128xi32, #tpu.memory_space<vmem>> -> memref<1x2x128xi32, #tpu.memory_space<vmem>>
      %dma_wait3A_1170 = tpu.memref_squeeze %dma_wait3A_1169 : memref<1x2x128xi32, #tpu.memory_space<vmem>> -> memref<2x128xi32, #tpu.memory_space<vmem>>
      %dma_wait3A_1171 = arith.constant 0 : i32
      %dma_wait3A_1172 = arith.constant 0 : i32
      %dma_wait3A_1173 = tpu.memref_slice %arg2[%run_scoped3A_14, %add3A_11, %dma_wait3A_1171, %dma_wait3A_1172] : memref<2x128x8x128xi32, #tpu.memory_space<hbm>> -> memref<1x1x2x128xi32, #tpu.memory_space<hbm>>
      %dma_wait3A_1174 = tpu.memref_squeeze %dma_wait3A_1173 : memref<1x1x2x128xi32, #tpu.memory_space<hbm>> -> memref<2x128xi32, #tpu.memory_space<hbm>>
      tpu.wait_dma2 semaphore(%run_scoped3A_1142 : memref<!tpu.dma_semaphore, #tpu.memory_space<semaphore_mem>>) src(%dma_wait3A_1174 : memref<2x128xi32, #tpu.memory_space<hbm>>) dst(%dma_wait3A_1170 : memref<2x128xi32, #tpu.memory_space<vmem>>)
      tpu.yield
    }) : () -> ()
    %mul3A_16 = arith.constant 4 : i32
    %mul3A_17 = arith.muli %mul3A_16, %add3A : i32
    %add3A_18 = arith.constant 2 : i32
    %add3A_19 = arith.addi %mul3A_17, %add3A_18 : i32
    %run_scoped3A_20 = arith.constant 0 : i32
    %run_scoped3A_21 = arith.constant 2 : i32
    "tpu.region"() ({
      %run_scoped3A_1142 = tpu.sem_alloc : memref<!tpu.dma_semaphore, #tpu.memory_space<semaphore_mem>>
      %dma_start3A_1143 = arith.constant 0 : i32
      %dma_start3A_1144 = arith.constant 0 : i32
      %dma_start3A_1145 = tpu.memref_slice %arg5[%run_scoped3A_21, %dma_start3A_1143, %dma_start3A_1144] : memref<4x10x128xi32, #tpu.memory_space<vmem>> -> memref<1x8x128xi32, #tpu.memory_space<vmem>>
      %dma_start3A_1146 = tpu.memref_squeeze %dma_start3A_1145 : memref<1x8x128xi32, #tpu.memory_space<vmem>> -> memref<8x128xi32, #tpu.memory_space<vmem>>
      %dma_start3A_1147 = arith.constant 0 : i32
      %dma_start3A_1148 = arith.constant 0 : i32
      %dma_start3A_1149 = tpu.memref_slice %arg2[%run_scoped3A_20, %add3A_19, %dma_start3A_1147, %dma_start3A_1148] : memref<2x128x8x128xi32, #tpu.memory_space<hbm>> -> memref<1x1x8x128xi32, #tpu.memory_space<hbm>>
      %dma_start3A_1150 = tpu.memref_squeeze %dma_start3A_1149 : memref<1x1x8x128xi32, #tpu.memory_space<hbm>> -> memref<8x128xi32, #tpu.memory_space<hbm>>
      %dma_start3A_1151 = arith.constant 0 : i32
      %dma_start3A_1152 = arith.constant 0 : i32
      %dma_start3A_1153 = tpu.memref_slice %arg5[%run_scoped3A_21, %dma_start3A_1151, %dma_start3A_1152] : memref<4x10x128xi32, #tpu.memory_space<vmem>> -> memref<1x8x128xi32, #tpu.memory_space<vmem>>
      %dma_start3A_1154 = tpu.memref_squeeze %dma_start3A_1153 : memref<1x8x128xi32, #tpu.memory_space<vmem>> -> memref<8x128xi32, #tpu.memory_space<vmem>>
      %dma_start3A_1155 = arith.constant 0 : i32
      %dma_start3A_1156 = arith.constant 0 : i32
      %dma_start3A_1157 = tpu.memref_slice %arg2[%run_scoped3A_20, %add3A_19, %dma_start3A_1155, %dma_start3A_1156] : memref<2x128x8x128xi32, #tpu.memory_space<hbm>> -> memref<1x1x8x128xi32, #tpu.memory_space<hbm>>
      %dma_start3A_1158 = tpu.memref_squeeze %dma_start3A_1157 : memref<1x1x8x128xi32, #tpu.memory_space<hbm>> -> memref<8x128xi32, #tpu.memory_space<hbm>>
      tpu.enqueue_dma source(%dma_start3A_1158 : memref<8x128xi32, #tpu.memory_space<hbm>>) target(%dma_start3A_1154 : memref<8x128xi32, #tpu.memory_space<vmem>>) target_semaphore(%run_scoped3A_1142 : memref<!tpu.dma_semaphore, #tpu.memory_space<semaphore_mem>>)
      %dma_wait3A_1159 = arith.constant 0 : i32
      %dma_wait3A_1160 = arith.constant 0 : i32
      %dma_wait3A_1161 = tpu.memref_slice %arg5[%run_scoped3A_21, %dma_wait3A_1159, %dma_wait3A_1160] : memref<4x10x128xi32, #tpu.memory_space<vmem>> -> memref<1x8x128xi32, #tpu.memory_space<vmem>>
      %dma_wait3A_1162 = tpu.memref_squeeze %dma_wait3A_1161 : memref<1x8x128xi32, #tpu.memory_space<vmem>> -> memref<8x128xi32, #tpu.memory_space<vmem>>
      %dma_wait3A_1163 = arith.constant 0 : i32
      %dma_wait3A_1164 = arith.constant 0 : i32
      %dma_wait3A_1165 = tpu.memref_slice %arg2[%run_scoped3A_20, %add3A_19, %dma_wait3A_1163, %dma_wait3A_1164] : memref<2x128x8x128xi32, #tpu.memory_space<hbm>> -> memref<1x1x8x128xi32, #tpu.memory_space<hbm>>
      %dma_wait3A_1166 = tpu.memref_squeeze %dma_wait3A_1165 : memref<1x1x8x128xi32, #tpu.memory_space<hbm>> -> memref<8x128xi32, #tpu.memory_space<hbm>>
      %dma_wait3A_1167 = arith.constant 0 : i32
      %dma_wait3A_1168 = arith.constant 0 : i32
      %dma_wait3A_1169 = tpu.memref_slice %arg5[%run_scoped3A_21, %dma_wait3A_1167, %dma_wait3A_1168] : memref<4x10x128xi32, #tpu.memory_space<vmem>> -> memref<1x8x128xi32, #tpu.memory_space<vmem>>
      %dma_wait3A_1170 = tpu.memref_squeeze %dma_wait3A_1169 : memref<1x8x128xi32, #tpu.memory_space<vmem>> -> memref<8x128xi32, #tpu.memory_space<vmem>>
      %dma_wait3A_1171 = arith.constant 0 : i32
      %dma_wait3A_1172 = arith.constant 0 : i32
      %dma_wait3A_1173 = tpu.memref_slice %arg2[%run_scoped3A_20, %add3A_19, %dma_wait3A_1171, %dma_wait3A_1172] : memref<2x128x8x128xi32, #tpu.memory_space<hbm>> -> memref<1x1x8x128xi32, #tpu.memory_space<hbm>>
      %dma_wait3A_1174 = tpu.memref_squeeze %dma_wait3A_1173 : memref<1x1x8x128xi32, #tpu.memory_space<hbm>> -> memref<8x128xi32, #tpu.memory_space<hbm>>
      tpu.wait_dma2 semaphore(%run_scoped3A_1142 : memref<!tpu.dma_semaphore, #tpu.memory_space<semaphore_mem>>) src(%dma_wait3A_1174 : memref<8x128xi32, #tpu.memory_space<hbm>>) dst(%dma_wait3A_1170 : memref<8x128xi32, #tpu.memory_space<vmem>>)
      tpu.yield
    }) : () -> ()
    %run_scoped3A_22 = arith.constant 1 : i32
    %run_scoped3A_23 = arith.constant 2 : i32
    "tpu.region"() ({
      %run_scoped3A_1142 = tpu.sem_alloc : memref<!tpu.dma_semaphore, #tpu.memory_space<semaphore_mem>>
      %dma_start3A_1143 = arith.constant 8 : i32
      %dma_start3A_1144 = arith.constant 0 : i32
      %dma_start3A_1145 = tpu.memref_slice %arg5[%run_scoped3A_23, %dma_start3A_1143, %dma_start3A_1144] : memref<4x10x128xi32, #tpu.memory_space<vmem>> -> memref<1x2x128xi32, #tpu.memory_space<vmem>>
      %dma_start3A_1146 = tpu.memref_squeeze %dma_start3A_1145 : memref<1x2x128xi32, #tpu.memory_space<vmem>> -> memref<2x128xi32, #tpu.memory_space<vmem>>
      %dma_start3A_1147 = arith.constant 0 : i32
      %dma_start3A_1148 = arith.constant 0 : i32
      %dma_start3A_1149 = tpu.memref_slice %arg2[%run_scoped3A_22, %add3A_19, %dma_start3A_1147, %dma_start3A_1148] : memref<2x128x8x128xi32, #tpu.memory_space<hbm>> -> memref<1x1x2x128xi32, #tpu.memory_space<hbm>>
      %dma_start3A_1150 = tpu.memref_squeeze %dma_start3A_1149 : memref<1x1x2x128xi32, #tpu.memory_space<hbm>> -> memref<2x128xi32, #tpu.memory_space<hbm>>
      %dma_start3A_1151 = arith.constant 8 : i32
      %dma_start3A_1152 = arith.constant 0 : i32
      %dma_start3A_1153 = tpu.memref_slice %arg5[%run_scoped3A_23, %dma_start3A_1151, %dma_start3A_1152] : memref<4x10x128xi32, #tpu.memory_space<vmem>> -> memref<1x2x128xi32, #tpu.memory_space<vmem>>
      %dma_start3A_1154 = tpu.memref_squeeze %dma_start3A_1153 : memref<1x2x128xi32, #tpu.memory_space<vmem>> -> memref<2x128xi32, #tpu.memory_space<vmem>>
      %dma_start3A_1155 = arith.constant 0 : i32
      %dma_start3A_1156 = arith.constant 0 : i32
      %dma_start3A_1157 = tpu.memref_slice %arg2[%run_scoped3A_22, %add3A_19, %dma_start3A_1155, %dma_start3A_1156] : memref<2x128x8x128xi32, #tpu.memory_space<hbm>> -> memref<1x1x2x128xi32, #tpu.memory_space<hbm>>
      %dma_start3A_1158 = tpu.memref_squeeze %dma_start3A_1157 : memref<1x1x2x128xi32, #tpu.memory_space<hbm>> -> memref<2x128xi32, #tpu.memory_space<hbm>>
      tpu.enqueue_dma source(%dma_start3A_1158 : memref<2x128xi32, #tpu.memory_space<hbm>>) target(%dma_start3A_1154 : memref<2x128xi32, #tpu.memory_space<vmem>>) target_semaphore(%run_scoped3A_1142 : memref<!tpu.dma_semaphore, #tpu.memory_space<semaphore_mem>>)
      %dma_wait3A_1159 = arith.constant 8 : i32
      %dma_wait3A_1160 = arith.constant 0 : i32
      %dma_wait3A_1161 = tpu.memref_slice %arg5[%run_scoped3A_23, %dma_wait3A_1159, %dma_wait3A_1160] : memref<4x10x128xi32, #tpu.memory_space<vmem>> -> memref<1x2x128xi32, #tpu.memory_space<vmem>>
      %dma_wait3A_1162 = tpu.memref_squeeze %dma_wait3A_1161 : memref<1x2x128xi32, #tpu.memory_space<vmem>> -> memref<2x128xi32, #tpu.memory_space<vmem>>
      %dma_wait3A_1163 = arith.constant 0 : i32
      %dma_wait3A_1164 = arith.constant 0 : i32
      %dma_wait3A_1165 = tpu.memref_slice %arg2[%run_scoped3A_22, %add3A_19, %dma_wait3A_1163, %dma_wait3A_1164] : memref<2x128x8x128xi32, #tpu.memory_space<hbm>> -> memref<1x1x2x128xi32, #tpu.memory_space<hbm>>
      %dma_wait3A_1166 = tpu.memref_squeeze %dma_wait3A_1165 : memref<1x1x2x128xi32, #tpu.memory_space<hbm>> -> memref<2x128xi32, #tpu.memory_space<hbm>>
      %dma_wait3A_1167 = arith.constant 8 : i32
      %dma_wait3A_1168 = arith.constant 0 : i32
      %dma_wait3A_1169 = tpu.memref_slice %arg5[%run_scoped3A_23, %dma_wait3A_1167, %dma_wait3A_1168] : memref<4x10x128xi32, #tpu.memory_space<vmem>> -> memref<1x2x128xi32, #tpu.memory_space<vmem>>
      %dma_wait3A_1170 = tpu.memref_squeeze %dma_wait3A_1169 : memref<1x2x128xi32, #tpu.memory_space<vmem>> -> memref<2x128xi32, #tpu.memory_space<vmem>>
      %dma_wait3A_1171 = arith.constant 0 : i32
      %dma_wait3A_1172 = arith.constant 0 : i32
      %dma_wait3A_1173 = tpu.memref_slice %arg2[%run_scoped3A_22, %add3A_19, %dma_wait3A_1171, %dma_wait3A_1172] : memref<2x128x8x128xi32, #tpu.memory_space<hbm>> -> memref<1x1x2x128xi32, #tpu.memory_space<hbm>>
      %dma_wait3A_1174 = tpu.memref_squeeze %dma_wait3A_1173 : memref<1x1x2x128xi32, #tpu.memory_space<hbm>> -> memref<2x128xi32, #tpu.memory_space<hbm>>
      tpu.wait_dma2 semaphore(%run_scoped3A_1142 : memref<!tpu.dma_semaphore, #tpu.memory_space<semaphore_mem>>) src(%dma_wait3A_1174 : memref<2x128xi32, #tpu.memory_space<hbm>>) dst(%dma_wait3A_1170 : memref<2x128xi32, #tpu.memory_space<vmem>>)
      tpu.yield
    }) : () -> ()
    %mul3A_24 = arith.constant 4 : i32
    %mul3A_25 = arith.muli %mul3A_24, %add3A : i32
    %add3A_26 = arith.constant 3 : i32
    %add3A_27 = arith.addi %mul3A_25, %add3A_26 : i32
    %run_scoped3A_28 = arith.constant 0 : i32
    %run_scoped3A_29 = arith.constant 3 : i32
    "tpu.region"() ({
      %run_scoped3A_1142 = tpu.sem_alloc : memref<!tpu.dma_semaphore, #tpu.memory_space<semaphore_mem>>
      %dma_start3A_1143 = arith.constant 0 : i32
      %dma_start3A_1144 = arith.constant 0 : i32
      %dma_start3A_1145 = tpu.memref_slice %arg5[%run_scoped3A_29, %dma_start3A_1143, %dma_start3A_1144] : memref<4x10x128xi32, #tpu.memory_space<vmem>> -> memref<1x8x128xi32, #tpu.memory_space<vmem>>
      %dma_start3A_1146 = tpu.memref_squeeze %dma_start3A_1145 : memref<1x8x128xi32, #tpu.memory_space<vmem>> -> memref<8x128xi32, #tpu.memory_space<vmem>>
      %dma_start3A_1147 = arith.constant 0 : i32
      %dma_start3A_1148 = arith.constant 0 : i32
      %dma_start3A_1149 = tpu.memref_slice %arg2[%run_scoped3A_28, %add3A_27, %dma_start3A_1147, %dma_start3A_1148] : memref<2x128x8x128xi32, #tpu.memory_space<hbm>> -> memref<1x1x8x128xi32, #tpu.memory_space<hbm>>
      %dma_start3A_1150 = tpu.memref_squeeze %dma_start3A_1149 : memref<1x1x8x128xi32, #tpu.memory_space<hbm>> -> memref<8x128xi32, #tpu.memory_space<hbm>>
      %dma_start3A_1151 = arith.constant 0 : i32
      %dma_start3A_1152 = arith.constant 0 : i32
      %dma_start3A_1153 = tpu.memref_slice %arg5[%run_scoped3A_29, %dma_start3A_1151, %dma_start3A_1152] : memref<4x10x128xi32, #tpu.memory_space<vmem>> -> memref<1x8x128xi32, #tpu.memory_space<vmem>>
      %dma_start3A_1154 = tpu.memref_squeeze %dma_start3A_1153 : memref<1x8x128xi32, #tpu.memory_space<vmem>> -> memref<8x128xi32, #tpu.memory_space<vmem>>
      %dma_start3A_1155 = arith.constant 0 : i32
      %dma_start3A_1156 = arith.constant 0 : i32
      %dma_start3A_1157 = tpu.memref_slice %arg2[%run_scoped3A_28, %add3A_27, %dma_start3A_1155, %dma_start3A_1156] : memref<2x128x8x128xi32, #tpu.memory_space<hbm>> -> memref<1x1x8x128xi32, #tpu.memory_space<hbm>>
      %dma_start3A_1158 = tpu.memref_squeeze %dma_start3A_1157 : memref<1x1x8x128xi32, #tpu.memory_space<hbm>> -> memref<8x128xi32, #tpu.memory_space<hbm>>
      tpu.enqueue_dma source(%dma_start3A_1158 : memref<8x128xi32, #tpu.memory_space<hbm>>) target(%dma_start3A_1154 : memref<8x128xi32, #tpu.memory_space<vmem>>) target_semaphore(%run_scoped3A_1142 : memref<!tpu.dma_semaphore, #tpu.memory_space<semaphore_mem>>)
      %dma_wait3A_1159 = arith.constant 0 : i32
      %dma_wait3A_1160 = arith.constant 0 : i32
      %dma_wait3A_1161 = tpu.memref_slice %arg5[%run_scoped3A_29, %dma_wait3A_1159, %dma_wait3A_1160] : memref<4x10x128xi32, #tpu.memory_space<vmem>> -> memref<1x8x128xi32, #tpu.memory_space<vmem>>
      %dma_wait3A_1162 = tpu.memref_squeeze %dma_wait3A_1161 : memref<1x8x128xi32, #tpu.memory_space<vmem>> -> memref<8x128xi32, #tpu.memory_space<vmem>>
      %dma_wait3A_1163 = arith.constant 0 : i32
      %dma_wait3A_1164 = arith.constant 0 : i32
      %dma_wait3A_1165 = tpu.memref_slice %arg2[%run_scoped3A_28, %add3A_27, %dma_wait3A_1163, %dma_wait3A_1164] : memref<2x128x8x128xi32, #tpu.memory_space<hbm>> -> memref<1x1x8x128xi32, #tpu.memory_space<hbm>>
      %dma_wait3A_1166 = tpu.memref_squeeze %dma_wait3A_1165 : memref<1x1x8x128xi32, #tpu.memory_space<hbm>> -> memref<8x128xi32, #tpu.memory_space<hbm>>
      %dma_wait3A_1167 = arith.constant 0 : i32
      %dma_wait3A_1168 = arith.constant 0 : i32
      %dma_wait3A_1169 = tpu.memref_slice %arg5[%run_scoped3A_29, %dma_wait3A_1167, %dma_wait3A_1168] : memref<4x10x128xi32, #tpu.memory_space<vmem>> -> memref<1x8x128xi32, #tpu.memory_space<vmem>>
      %dma_wait3A_1170 = tpu.memref_squeeze %dma_wait3A_1169 : memref<1x8x128xi32, #tpu.memory_space<vmem>> -> memref<8x128xi32, #tpu.memory_space<vmem>>
      %dma_wait3A_1171 = arith.constant 0 : i32
      %dma_wait3A_1172 = arith.constant 0 : i32
      %dma_wait3A_1173 = tpu.memref_slice %arg2[%run_scoped3A_28, %add3A_27, %dma_wait3A_1171, %dma_wait3A_1172] : memref<2x128x8x128xi32, #tpu.memory_space<hbm>> -> memref<1x1x8x128xi32, #tpu.memory_space<hbm>>
      %dma_wait3A_1174 = tpu.memref_squeeze %dma_wait3A_1173 : memref<1x1x8x128xi32, #tpu.memory_space<hbm>> -> memref<8x128xi32, #tpu.memory_space<hbm>>
      tpu.wait_dma2 semaphore(%run_scoped3A_1142 : memref<!tpu.dma_semaphore, #tpu.memory_space<semaphore_mem>>) src(%dma_wait3A_1174 : memref<8x128xi32, #tpu.memory_space<hbm>>) dst(%dma_wait3A_1170 : memref<8x128xi32, #tpu.memory_space<vmem>>)
      tpu.yield
    }) : () -> ()
    %run_scoped3A_30 = arith.constant 1 : i32
    %run_scoped3A_31 = arith.constant 3 : i32
    "tpu.region"() ({
      %run_scoped3A_1142 = tpu.sem_alloc : memref<!tpu.dma_semaphore, #tpu.memory_space<semaphore_mem>>
      %dma_start3A_1143 = arith.constant 8 : i32
      %dma_start3A_1144 = arith.constant 0 : i32
      %dma_start3A_1145 = tpu.memref_slice %arg5[%run_scoped3A_31, %dma_start3A_1143, %dma_start3A_1144] : memref<4x10x128xi32, #tpu.memory_space<vmem>> -> memref<1x2x128xi32, #tpu.memory_space<vmem>>
      %dma_start3A_1146 = tpu.memref_squeeze %dma_start3A_1145 : memref<1x2x128xi32, #tpu.memory_space<vmem>> -> memref<2x128xi32, #tpu.memory_space<vmem>>
      %dma_start3A_1147 = arith.constant 0 : i32
      %dma_start3A_1148 = arith.constant 0 : i32
      %dma_start3A_1149 = tpu.memref_slice %arg2[%run_scoped3A_30, %add3A_27, %dma_start3A_1147, %dma_start3A_1148] : memref<2x128x8x128xi32, #tpu.memory_space<hbm>> -> memref<1x1x2x128xi32, #tpu.memory_space<hbm>>
      %dma_start3A_1150 = tpu.memref_squeeze %dma_start3A_1149 : memref<1x1x2x128xi32, #tpu.memory_space<hbm>> -> memref<2x128xi32, #tpu.memory_space<hbm>>
      %dma_start3A_1151 = arith.constant 8 : i32
      %dma_start3A_1152 = arith.constant 0 : i32
      %dma_start3A_1153 = tpu.memref_slice %arg5[%run_scoped3A_31, %dma_start3A_1151, %dma_start3A_1152] : memref<4x10x128xi32, #tpu.memory_space<vmem>> -> memref<1x2x128xi32, #tpu.memory_space<vmem>>
      %dma_start3A_1154 = tpu.memref_squeeze %dma_start3A_1153 : memref<1x2x128xi32, #tpu.memory_space<vmem>> -> memref<2x128xi32, #tpu.memory_space<vmem>>
      %dma_start3A_1155 = arith.constant 0 : i32
      %dma_start3A_1156 = arith.constant 0 : i32
      %dma_start3A_1157 = tpu.memref_slice %arg2[%run_scoped3A_30, %add3A_27, %dma_start3A_1155, %dma_start3A_1156] : memref<2x128x8x128xi32, #tpu.memory_space<hbm>> -> memref<1x1x2x128xi32, #tpu.memory_space<hbm>>
      %dma_start3A_1158 = tpu.memref_squeeze %dma_start3A_1157 : memref<1x1x2x128xi32, #tpu.memory_space<hbm>> -> memref<2x128xi32, #tpu.memory_space<hbm>>
      tpu.enqueue_dma source(%dma_start3A_1158 : memref<2x128xi32, #tpu.memory_space<hbm>>) target(%dma_start3A_1154 : memref<2x128xi32, #tpu.memory_space<vmem>>) target_semaphore(%run_scoped3A_1142 : memref<!tpu.dma_semaphore, #tpu.memory_space<semaphore_mem>>)
      %dma_wait3A_1159 = arith.constant 8 : i32
      %dma_wait3A_1160 = arith.constant 0 : i32
      %dma_wait3A_1161 = tpu.memref_slice %arg5[%run_scoped3A_31, %dma_wait3A_1159, %dma_wait3A_1160] : memref<4x10x128xi32, #tpu.memory_space<vmem>> -> memref<1x2x128xi32, #tpu.memory_space<vmem>>
      %dma_wait3A_1162 = tpu.memref_squeeze %dma_wait3A_1161 : memref<1x2x128xi32, #tpu.memory_space<vmem>> -> memref<2x128xi32, #tpu.memory_space<vmem>>
      %dma_wait3A_1163 = arith.constant 0 : i32
      %dma_wait3A_1164 = arith.constant 0 : i32
      %dma_wait3A_1165 = tpu.memref_slice %arg2[%run_scoped3A_30, %add3A_27, %dma_wait3A_1163, %dma_wait3A_1164] : memref<2x128x8x128xi32, #tpu.memory_space<hbm>> -> memref<1x1x2x128xi32, #tpu.memory_space<hbm>>
      %dma_wait3A_1166 = tpu.memref_squeeze %dma_wait3A_1165 : memref<1x1x2x128xi32, #tpu.memory_space<hbm>> -> memref<2x128xi32, #tpu.memory_space<hbm>>
      %dma_wait3A_1167 = arith.constant 8 : i32
      %dma_wait3A_1168 = arith.constant 0 : i32
      %dma_wait3A_1169 = tpu.memref_slice %arg5[%run_scoped3A_31, %dma_wait3A_1167, %dma_wait3A_1168] : memref<4x10x128xi32, #tpu.memory_space<vmem>> -> memref<1x2x128xi32, #tpu.memory_space<vmem>>
      %dma_wait3A_1170 = tpu.memref_squeeze %dma_wait3A_1169 : memref<1x2x128xi32, #tpu.memory_space<vmem>> -> memref<2x128xi32, #tpu.memory_space<vmem>>
      %dma_wait3A_1171 = arith.constant 0 : i32
      %dma_wait3A_1172 = arith.constant 0 : i32
      %dma_wait3A_1173 = tpu.memref_slice %arg2[%run_scoped3A_30, %add3A_27, %dma_wait3A_1171, %dma_wait3A_1172] : memref<2x128x8x128xi32, #tpu.memory_space<hbm>> -> memref<1x1x2x128xi32, #tpu.memory_space<hbm>>
      %dma_wait3A_1174 = tpu.memref_squeeze %dma_wait3A_1173 : memref<1x1x2x128xi32, #tpu.memory_space<hbm>> -> memref<2x128xi32, #tpu.memory_space<hbm>>
      tpu.wait_dma2 semaphore(%run_scoped3A_1142 : memref<!tpu.dma_semaphore, #tpu.memory_space<semaphore_mem>>) src(%dma_wait3A_1174 : memref<2x128xi32, #tpu.memory_space<hbm>>) dst(%dma_wait3A_1170 : memref<2x128xi32, #tpu.memory_space<vmem>>)
      tpu.yield
    }) : () -> ()
    %dma_start3A = arith.constant 0 : i32
    %dma_start3A_32 = arith.constant 0 : i32
    %dma_start3A_33 = arith.constant 0 : i32
    %dma_start3A_34 = arith.constant 0 : i32
    %dma_start3A_35 = arith.constant 0 : i32
    %dma_start3A_36 = tpu.memref_slice %arg6[%dma_start3A_33, %dma_start3A_34, %dma_start3A_35] : memref<10x128x32xf32, #tpu.memory_space<vmem>> -> memref<1x128x32xf32, #tpu.memory_space<vmem>>
    %dma_start3A_37 = tpu.memref_squeeze %dma_start3A_36 : memref<1x128x32xf32, #tpu.memory_space<vmem>> -> memref<128x32xf32, #tpu.memory_space<vmem>>
    %dma_start3A_38 = arith.constant 0 : i32
    %dma_start3A_39 = tpu.memref_slice %arg5[%dma_start3A, %dma_start3A_32, %dma_start3A_38] : memref<4x10x128xi32, #tpu.memory_space<vmem>> -> memref<1x1x128xi32, #tpu.memory_space<vmem>>
    %dma_start3A_40 = tpu.memref_squeeze %dma_start3A_39 : memref<1x1x128xi32, #tpu.memory_space<vmem>> -> memref<128xi32, #tpu.memory_space<vmem>>
    %dma_start3A_41 = arith.constant 0 : i32
    %dma_start3A_42 = arith.constant 0 : i32
    %dma_start3A_43 = tpu.memref_slice %arg3[%dma_start3A_41, %dma_start3A_42] : memref<1000000x32xf32, #tpu.memory_space<hbm>> -> memref<1000000x32xf32, #tpu.memory_space<hbm>>
    tpu.enqueue_indirect_dma source(%dma_start3A_43 : memref<1000000x32xf32, #tpu.memory_space<hbm>>) target(%dma_start3A_37 : memref<128x32xf32, #tpu.memory_space<vmem>>) offsets(%dma_start3A_40 : memref<128xi32, #tpu.memory_space<vmem>>) semaphore(%arg8 : memref<!tpu.dma_semaphore, #tpu.memory_space<semaphore_mem>>)
    %dma_start3A_44 = arith.constant 0 : i32
    %dma_start3A_45 = arith.constant 1 : i32
    %dma_start3A_46 = arith.constant 1 : i32
    %dma_start3A_47 = arith.constant 0 : i32
    %dma_start3A_48 = arith.constant 0 : i32
    %dma_start3A_49 = tpu.memref_slice %arg6[%dma_start3A_46, %dma_start3A_47, %dma_start3A_48] : memref<10x128x32xf32, #tpu.memory_space<vmem>> -> memref<1x128x32xf32, #tpu.memory_space<vmem>>
    %dma_start3A_50 = tpu.memref_squeeze %dma_start3A_49 : memref<1x128x32xf32, #tpu.memory_space<vmem>> -> memref<128x32xf32, #tpu.memory_space<vmem>>
    %dma_start3A_51 = arith.constant 0 : i32
    %dma_start3A_52 = tpu.memref_slice %arg5[%dma_start3A_44, %dma_start3A_45, %dma_start3A_51] : memref<4x10x128xi32, #tpu.memory_space<vmem>> -> memref<1x1x128xi32, #tpu.memory_space<vmem>>
    %dma_start3A_53 = tpu.memref_squeeze %dma_start3A_52 : memref<1x1x128xi32, #tpu.memory_space<vmem>> -> memref<128xi32, #tpu.memory_space<vmem>>
    %dma_start3A_54 = arith.constant 0 : i32
    %dma_start3A_55 = arith.constant 0 : i32
    %dma_start3A_56 = tpu.memref_slice %arg3[%dma_start3A_54, %dma_start3A_55] : memref<1000000x32xf32, #tpu.memory_space<hbm>> -> memref<1000000x32xf32, #tpu.memory_space<hbm>>
    tpu.enqueue_indirect_dma source(%dma_start3A_56 : memref<1000000x32xf32, #tpu.memory_space<hbm>>) target(%dma_start3A_50 : memref<128x32xf32, #tpu.memory_space<vmem>>) offsets(%dma_start3A_53 : memref<128xi32, #tpu.memory_space<vmem>>) semaphore(%arg8 : memref<!tpu.dma_semaphore, #tpu.memory_space<semaphore_mem>>)
    %dma_start3A_57 = arith.constant 0 : i32
    %dma_start3A_58 = arith.constant 2 : i32
    %dma_start3A_59 = arith.constant 2 : i32
    %dma_start3A_60 = arith.constant 0 : i32
    %dma_start3A_61 = arith.constant 0 : i32
    %dma_start3A_62 = tpu.memref_slice %arg6[%dma_start3A_59, %dma_start3A_60, %dma_start3A_61] : memref<10x128x32xf32, #tpu.memory_space<vmem>> -> memref<1x128x32xf32, #tpu.memory_space<vmem>>
    %dma_start3A_63 = tpu.memref_squeeze %dma_start3A_62 : memref<1x128x32xf32, #tpu.memory_space<vmem>> -> memref<128x32xf32, #tpu.memory_space<vmem>>
    %dma_start3A_64 = arith.constant 0 : i32
    %dma_start3A_65 = tpu.memref_slice %arg5[%dma_start3A_57, %dma_start3A_58, %dma_start3A_64] : memref<4x10x128xi32, #tpu.memory_space<vmem>> -> memref<1x1x128xi32, #tpu.memory_space<vmem>>
    %dma_start3A_66 = tpu.memref_squeeze %dma_start3A_65 : memref<1x1x128xi32, #tpu.memory_space<vmem>> -> memref<128xi32, #tpu.memory_space<vmem>>
    %dma_start3A_67 = arith.constant 0 : i32
    %dma_start3A_68 = arith.constant 0 : i32
    %dma_start3A_69 = tpu.memref_slice %arg3[%dma_start3A_67, %dma_start3A_68] : memref<1000000x32xf32, #tpu.memory_space<hbm>> -> memref<1000000x32xf32, #tpu.memory_space<hbm>>
    tpu.enqueue_indirect_dma source(%dma_start3A_69 : memref<1000000x32xf32, #tpu.memory_space<hbm>>) target(%dma_start3A_63 : memref<128x32xf32, #tpu.memory_space<vmem>>) offsets(%dma_start3A_66 : memref<128xi32, #tpu.memory_space<vmem>>) semaphore(%arg8 : memref<!tpu.dma_semaphore, #tpu.memory_space<semaphore_mem>>)
    %dma_start3A_70 = arith.constant 0 : i32
    %dma_start3A_71 = arith.constant 3 : i32
    %dma_start3A_72 = arith.constant 3 : i32
    %dma_start3A_73 = arith.constant 0 : i32
    %dma_start3A_74 = arith.constant 0 : i32
    %dma_start3A_75 = tpu.memref_slice %arg6[%dma_start3A_72, %dma_start3A_73, %dma_start3A_74] : memref<10x128x32xf32, #tpu.memory_space<vmem>> -> memref<1x128x32xf32, #tpu.memory_space<vmem>>
    %dma_start3A_76 = tpu.memref_squeeze %dma_start3A_75 : memref<1x128x32xf32, #tpu.memory_space<vmem>> -> memref<128x32xf32, #tpu.memory_space<vmem>>
    %dma_start3A_77 = arith.constant 0 : i32
    %dma_start3A_78 = tpu.memref_slice %arg5[%dma_start3A_70, %dma_start3A_71, %dma_start3A_77] : memref<4x10x128xi32, #tpu.memory_space<vmem>> -> memref<1x1x128xi32, #tpu.memory_space<vmem>>
    %dma_start3A_79 = tpu.memref_squeeze %dma_start3A_78 : memref<1x1x128xi32, #tpu.memory_space<vmem>> -> memref<128xi32, #tpu.memory_space<vmem>>
    %dma_start3A_80 = arith.constant 0 : i32
    %dma_start3A_81 = arith.constant 0 : i32
    %dma_start3A_82 = tpu.memref_slice %arg3[%dma_start3A_80, %dma_start3A_81] : memref<1000000x32xf32, #tpu.memory_space<hbm>> -> memref<1000000x32xf32, #tpu.memory_space<hbm>>
    tpu.enqueue_indirect_dma source(%dma_start3A_82 : memref<1000000x32xf32, #tpu.memory_space<hbm>>) target(%dma_start3A_76 : memref<128x32xf32, #tpu.memory_space<vmem>>) offsets(%dma_start3A_79 : memref<128xi32, #tpu.memory_space<vmem>>) semaphore(%arg8 : memref<!tpu.dma_semaphore, #tpu.memory_space<semaphore_mem>>)
    %dma_start3A_83 = arith.constant 0 : i32
    %dma_start3A_84 = arith.constant 4 : i32
    %dma_start3A_85 = arith.constant 4 : i32
    %dma_start3A_86 = arith.constant 0 : i32
    %dma_start3A_87 = arith.constant 0 : i32
    %dma_start3A_88 = tpu.memref_slice %arg6[%dma_start3A_85, %dma_start3A_86, %dma_start3A_87] : memref<10x128x32xf32, #tpu.memory_space<vmem>> -> memref<1x128x32xf32, #tpu.memory_space<vmem>>
    %dma_start3A_89 = tpu.memref_squeeze %dma_start3A_88 : memref<1x128x32xf32, #tpu.memory_space<vmem>> -> memref<128x32xf32, #tpu.memory_space<vmem>>
    %dma_start3A_90 = arith.constant 0 : i32
    %dma_start3A_91 = tpu.memref_slice %arg5[%dma_start3A_83, %dma_start3A_84, %dma_start3A_90] : memref<4x10x128xi32, #tpu.memory_space<vmem>> -> memref<1x1x128xi32, #tpu.memory_space<vmem>>
    %dma_start3A_92 = tpu.memref_squeeze %dma_start3A_91 : memref<1x1x128xi32, #tpu.memory_space<vmem>> -> memref<128xi32, #tpu.memory_space<vmem>>
    %dma_start3A_93 = arith.constant 0 : i32
    %dma_start3A_94 = arith.constant 0 : i32
    %dma_start3A_95 = tpu.memref_slice %arg3[%dma_start3A_93, %dma_start3A_94] : memref<1000000x32xf32, #tpu.memory_space<hbm>> -> memref<1000000x32xf32, #tpu.memory_space<hbm>>
    tpu.enqueue_indirect_dma source(%dma_start3A_95 : memref<1000000x32xf32, #tpu.memory_space<hbm>>) target(%dma_start3A_89 : memref<128x32xf32, #tpu.memory_space<vmem>>) offsets(%dma_start3A_92 : memref<128xi32, #tpu.memory_space<vmem>>) semaphore(%arg8 : memref<!tpu.dma_semaphore, #tpu.memory_space<semaphore_mem>>)
    %dma_start3A_96 = arith.constant 0 : i32
    %dma_start3A_97 = arith.constant 5 : i32
    %dma_start3A_98 = arith.constant 5 : i32
    %dma_start3A_99 = arith.constant 0 : i32
    %dma_start3A_100 = arith.constant 0 : i32
    %dma_start3A_101 = tpu.memref_slice %arg6[%dma_start3A_98, %dma_start3A_99, %dma_start3A_100] : memref<10x128x32xf32, #tpu.memory_space<vmem>> -> memref<1x128x32xf32, #tpu.memory_space<vmem>>
    %dma_start3A_102 = tpu.memref_squeeze %dma_start3A_101 : memref<1x128x32xf32, #tpu.memory_space<vmem>> -> memref<128x32xf32, #tpu.memory_space<vmem>>
    %dma_start3A_103 = arith.constant 0 : i32
    %dma_start3A_104 = tpu.memref_slice %arg5[%dma_start3A_96, %dma_start3A_97, %dma_start3A_103] : memref<4x10x128xi32, #tpu.memory_space<vmem>> -> memref<1x1x128xi32, #tpu.memory_space<vmem>>
    %dma_start3A_105 = tpu.memref_squeeze %dma_start3A_104 : memref<1x1x128xi32, #tpu.memory_space<vmem>> -> memref<128xi32, #tpu.memory_space<vmem>>
    %dma_start3A_106 = arith.constant 0 : i32
    %dma_start3A_107 = arith.constant 0 : i32
    %dma_start3A_108 = tpu.memref_slice %arg3[%dma_start3A_106, %dma_start3A_107] : memref<1000000x32xf32, #tpu.memory_space<hbm>> -> memref<1000000x32xf32, #tpu.memory_space<hbm>>
    tpu.enqueue_indirect_dma source(%dma_start3A_108 : memref<1000000x32xf32, #tpu.memory_space<hbm>>) target(%dma_start3A_102 : memref<128x32xf32, #tpu.memory_space<vmem>>) offsets(%dma_start3A_105 : memref<128xi32, #tpu.memory_space<vmem>>) semaphore(%arg8 : memref<!tpu.dma_semaphore, #tpu.memory_space<semaphore_mem>>)
    %dma_start3A_109 = arith.constant 0 : i32
    %dma_start3A_110 = arith.constant 6 : i32
    %dma_start3A_111 = arith.constant 6 : i32
    %dma_start3A_112 = arith.constant 0 : i32
    %dma_start3A_113 = arith.constant 0 : i32
    %dma_start3A_114 = tpu.memref_slice %arg6[%dma_start3A_111, %dma_start3A_112, %dma_start3A_113] : memref<10x128x32xf32, #tpu.memory_space<vmem>> -> memref<1x128x32xf32, #tpu.memory_space<vmem>>
    %dma_start3A_115 = tpu.memref_squeeze %dma_start3A_114 : memref<1x128x32xf32, #tpu.memory_space<vmem>> -> memref<128x32xf32, #tpu.memory_space<vmem>>
    %dma_start3A_116 = arith.constant 0 : i32
    %dma_start3A_117 = tpu.memref_slice %arg5[%dma_start3A_109, %dma_start3A_110, %dma_start3A_116] : memref<4x10x128xi32, #tpu.memory_space<vmem>> -> memref<1x1x128xi32, #tpu.memory_space<vmem>>
    %dma_start3A_118 = tpu.memref_squeeze %dma_start3A_117 : memref<1x1x128xi32, #tpu.memory_space<vmem>> -> memref<128xi32, #tpu.memory_space<vmem>>
    %dma_start3A_119 = arith.constant 0 : i32
    %dma_start3A_120 = arith.constant 0 : i32
    %dma_start3A_121 = tpu.memref_slice %arg3[%dma_start3A_119, %dma_start3A_120] : memref<1000000x32xf32, #tpu.memory_space<hbm>> -> memref<1000000x32xf32, #tpu.memory_space<hbm>>
    tpu.enqueue_indirect_dma source(%dma_start3A_121 : memref<1000000x32xf32, #tpu.memory_space<hbm>>) target(%dma_start3A_115 : memref<128x32xf32, #tpu.memory_space<vmem>>) offsets(%dma_start3A_118 : memref<128xi32, #tpu.memory_space<vmem>>) semaphore(%arg8 : memref<!tpu.dma_semaphore, #tpu.memory_space<semaphore_mem>>)
    %dma_start3A_122 = arith.constant 0 : i32
    %dma_start3A_123 = arith.constant 7 : i32
    %dma_start3A_124 = arith.constant 7 : i32
    %dma_start3A_125 = arith.constant 0 : i32
    %dma_start3A_126 = arith.constant 0 : i32
    %dma_start3A_127 = tpu.memref_slice %arg6[%dma_start3A_124, %dma_start3A_125, %dma_start3A_126] : memref<10x128x32xf32, #tpu.memory_space<vmem>> -> memref<1x128x32xf32, #tpu.memory_space<vmem>>
    %dma_start3A_128 = tpu.memref_squeeze %dma_start3A_127 : memref<1x128x32xf32, #tpu.memory_space<vmem>> -> memref<128x32xf32, #tpu.memory_space<vmem>>
    %dma_start3A_129 = arith.constant 0 : i32
    %dma_start3A_130 = tpu.memref_slice %arg5[%dma_start3A_122, %dma_start3A_123, %dma_start3A_129] : memref<4x10x128xi32, #tpu.memory_space<vmem>> -> memref<1x1x128xi32, #tpu.memory_space<vmem>>
    %dma_start3A_131 = tpu.memref_squeeze %dma_start3A_130 : memref<1x1x128xi32, #tpu.memory_space<vmem>> -> memref<128xi32, #tpu.memory_space<vmem>>
    %dma_start3A_132 = arith.constant 0 : i32
    %dma_start3A_133 = arith.constant 0 : i32
    %dma_start3A_134 = tpu.memref_slice %arg3[%dma_start3A_132, %dma_start3A_133] : memref<1000000x32xf32, #tpu.memory_space<hbm>> -> memref<1000000x32xf32, #tpu.memory_space<hbm>>
    tpu.enqueue_indirect_dma source(%dma_start3A_134 : memref<1000000x32xf32, #tpu.memory_space<hbm>>) target(%dma_start3A_128 : memref<128x32xf32, #tpu.memory_space<vmem>>) offsets(%dma_start3A_131 : memref<128xi32, #tpu.memory_space<vmem>>) semaphore(%arg8 : memref<!tpu.dma_semaphore, #tpu.memory_space<semaphore_mem>>)
    %dma_start3A_135 = arith.constant 0 : i32
    %dma_start3A_136 = arith.constant 8 : i32
    %dma_start3A_137 = arith.constant 8 : i32
    %dma_start3A_138 = arith.constant 0 : i32
    %dma_start3A_139 = arith.constant 0 : i32
    %dma_start3A_140 = tpu.memref_slice %arg6[%dma_start3A_137, %dma_start3A_138, %dma_start3A_139] : memref<10x128x32xf32, #tpu.memory_space<vmem>> -> memref<1x128x32xf32, #tpu.memory_space<vmem>>
    %dma_start3A_141 = tpu.memref_squeeze %dma_start3A_140 : memref<1x128x32xf32, #tpu.memory_space<vmem>> -> memref<128x32xf32, #tpu.memory_space<vmem>>
    %dma_start3A_142 = arith.constant 0 : i32
    %dma_start3A_143 = tpu.memref_slice %arg5[%dma_start3A_135, %dma_start3A_136, %dma_start3A_142] : memref<4x10x128xi32, #tpu.memory_space<vmem>> -> memref<1x1x128xi32, #tpu.memory_space<vmem>>
    %dma_start3A_144 = tpu.memref_squeeze %dma_start3A_143 : memref<1x1x128xi32, #tpu.memory_space<vmem>> -> memref<128xi32, #tpu.memory_space<vmem>>
    %dma_start3A_145 = arith.constant 0 : i32
    %dma_start3A_146 = arith.constant 0 : i32
    %dma_start3A_147 = tpu.memref_slice %arg3[%dma_start3A_145, %dma_start3A_146] : memref<1000000x32xf32, #tpu.memory_space<hbm>> -> memref<1000000x32xf32, #tpu.memory_space<hbm>>
    tpu.enqueue_indirect_dma source(%dma_start3A_147 : memref<1000000x32xf32, #tpu.memory_space<hbm>>) target(%dma_start3A_141 : memref<128x32xf32, #tpu.memory_space<vmem>>) offsets(%dma_start3A_144 : memref<128xi32, #tpu.memory_space<vmem>>) semaphore(%arg8 : memref<!tpu.dma_semaphore, #tpu.memory_space<semaphore_mem>>)
    %dma_start3A_148 = arith.constant 0 : i32
    %dma_start3A_149 = arith.constant 9 : i32
    %dma_start3A_150 = arith.constant 9 : i32
    %dma_start3A_151 = arith.constant 0 : i32
    %dma_start3A_152 = arith.constant 0 : i32
    %dma_start3A_153 = tpu.memref_slice %arg6[%dma_start3A_150, %dma_start3A_151, %dma_start3A_152] : memref<10x128x32xf32, #tpu.memory_space<vmem>> -> memref<1x128x32xf32, #tpu.memory_space<vmem>>
    %dma_start3A_154 = tpu.memref_squeeze %dma_start3A_153 : memref<1x128x32xf32, #tpu.memory_space<vmem>> -> memref<128x32xf32, #tpu.memory_space<vmem>>
    %dma_start3A_155 = arith.constant 0 : i32
    %dma_start3A_156 = tpu.memref_slice %arg5[%dma_start3A_148, %dma_start3A_149, %dma_start3A_155] : memref<4x10x128xi32, #tpu.memory_space<vmem>> -> memref<1x1x128xi32, #tpu.memory_space<vmem>>
    %dma_start3A_157 = tpu.memref_squeeze %dma_start3A_156 : memref<1x1x128xi32, #tpu.memory_space<vmem>> -> memref<128xi32, #tpu.memory_space<vmem>>
    %dma_start3A_158 = arith.constant 0 : i32
    %dma_start3A_159 = arith.constant 0 : i32
    %dma_start3A_160 = tpu.memref_slice %arg3[%dma_start3A_158, %dma_start3A_159] : memref<1000000x32xf32, #tpu.memory_space<hbm>> -> memref<1000000x32xf32, #tpu.memory_space<hbm>>
    tpu.enqueue_indirect_dma source(%dma_start3A_160 : memref<1000000x32xf32, #tpu.memory_space<hbm>>) target(%dma_start3A_154 : memref<128x32xf32, #tpu.memory_space<vmem>>) offsets(%dma_start3A_157 : memref<128xi32, #tpu.memory_space<vmem>>) semaphore(%arg8 : memref<!tpu.dma_semaphore, #tpu.memory_space<semaphore_mem>>)
    %dma_start3A_161 = arith.constant 1 : i32
    %dma_start3A_162 = arith.constant 0 : i32
    %dma_start3A_163 = arith.constant 0 : i32
    %dma_start3A_164 = arith.constant 0 : i32
    %dma_start3A_165 = arith.constant 0 : i32
    %dma_start3A_166 = tpu.memref_slice %arg7[%dma_start3A_163, %dma_start3A_164, %dma_start3A_165] : memref<10x128x32xf32, #tpu.memory_space<vmem>> -> memref<1x128x32xf32, #tpu.memory_space<vmem>>
    %dma_start3A_167 = tpu.memref_squeeze %dma_start3A_166 : memref<1x128x32xf32, #tpu.memory_space<vmem>> -> memref<128x32xf32, #tpu.memory_space<vmem>>
    %dma_start3A_168 = arith.constant 0 : i32
    %dma_start3A_169 = tpu.memref_slice %arg5[%dma_start3A_161, %dma_start3A_162, %dma_start3A_168] : memref<4x10x128xi32, #tpu.memory_space<vmem>> -> memref<1x1x128xi32, #tpu.memory_space<vmem>>
    %dma_start3A_170 = tpu.memref_squeeze %dma_start3A_169 : memref<1x1x128xi32, #tpu.memory_space<vmem>> -> memref<128xi32, #tpu.memory_space<vmem>>
    %dma_start3A_171 = arith.constant 0 : i32
    %dma_start3A_172 = arith.constant 0 : i32
    %dma_start3A_173 = tpu.memref_slice %arg3[%dma_start3A_171, %dma_start3A_172] : memref<1000000x32xf32, #tpu.memory_space<hbm>> -> memref<1000000x32xf32, #tpu.memory_space<hbm>>
    tpu.enqueue_indirect_dma source(%dma_start3A_173 : memref<1000000x32xf32, #tpu.memory_space<hbm>>) target(%dma_start3A_167 : memref<128x32xf32, #tpu.memory_space<vmem>>) offsets(%dma_start3A_170 : memref<128xi32, #tpu.memory_space<vmem>>) semaphore(%arg9 : memref<!tpu.dma_semaphore, #tpu.memory_space<semaphore_mem>>)
    %dma_start3A_174 = arith.constant 1 : i32
    %dma_start3A_175 = arith.constant 1 : i32
    %dma_start3A_176 = arith.constant 1 : i32
    %dma_start3A_177 = arith.constant 0 : i32
    %dma_start3A_178 = arith.constant 0 : i32
    %dma_start3A_179 = tpu.memref_slice %arg7[%dma_start3A_176, %dma_start3A_177, %dma_start3A_178] : memref<10x128x32xf32, #tpu.memory_space<vmem>> -> memref<1x128x32xf32, #tpu.memory_space<vmem>>
    %dma_start3A_180 = tpu.memref_squeeze %dma_start3A_179 : memref<1x128x32xf32, #tpu.memory_space<vmem>> -> memref<128x32xf32, #tpu.memory_space<vmem>>
    %dma_start3A_181 = arith.constant 0 : i32
    %dma_start3A_182 = tpu.memref_slice %arg5[%dma_start3A_174, %dma_start3A_175, %dma_start3A_181] : memref<4x10x128xi32, #tpu.memory_space<vmem>> -> memref<1x1x128xi32, #tpu.memory_space<vmem>>
    %dma_start3A_183 = tpu.memref_squeeze %dma_start3A_182 : memref<1x1x128xi32, #tpu.memory_space<vmem>> -> memref<128xi32, #tpu.memory_space<vmem>>
    %dma_start3A_184 = arith.constant 0 : i32
    %dma_start3A_185 = arith.constant 0 : i32
    %dma_start3A_186 = tpu.memref_slice %arg3[%dma_start3A_184, %dma_start3A_185] : memref<1000000x32xf32, #tpu.memory_space<hbm>> -> memref<1000000x32xf32, #tpu.memory_space<hbm>>
    tpu.enqueue_indirect_dma source(%dma_start3A_186 : memref<1000000x32xf32, #tpu.memory_space<hbm>>) target(%dma_start3A_180 : memref<128x32xf32, #tpu.memory_space<vmem>>) offsets(%dma_start3A_183 : memref<128xi32, #tpu.memory_space<vmem>>) semaphore(%arg9 : memref<!tpu.dma_semaphore, #tpu.memory_space<semaphore_mem>>)
    %dma_start3A_187 = arith.constant 1 : i32
    %dma_start3A_188 = arith.constant 2 : i32
    %dma_start3A_189 = arith.constant 2 : i32
    %dma_start3A_190 = arith.constant 0 : i32
    %dma_start3A_191 = arith.constant 0 : i32
    %dma_start3A_192 = tpu.memref_slice %arg7[%dma_start3A_189, %dma_start3A_190, %dma_start3A_191] : memref<10x128x32xf32, #tpu.memory_space<vmem>> -> memref<1x128x32xf32, #tpu.memory_space<vmem>>
    %dma_start3A_193 = tpu.memref_squeeze %dma_start3A_192 : memref<1x128x32xf32, #tpu.memory_space<vmem>> -> memref<128x32xf32, #tpu.memory_space<vmem>>
    %dma_start3A_194 = arith.constant 0 : i32
    %dma_start3A_195 = tpu.memref_slice %arg5[%dma_start3A_187, %dma_start3A_188, %dma_start3A_194] : memref<4x10x128xi32, #tpu.memory_space<vmem>> -> memref<1x1x128xi32, #tpu.memory_space<vmem>>
    %dma_start3A_196 = tpu.memref_squeeze %dma_start3A_195 : memref<1x1x128xi32, #tpu.memory_space<vmem>> -> memref<128xi32, #tpu.memory_space<vmem>>
    %dma_start3A_197 = arith.constant 0 : i32
    %dma_start3A_198 = arith.constant 0 : i32
    %dma_start3A_199 = tpu.memref_slice %arg3[%dma_start3A_197, %dma_start3A_198] : memref<1000000x32xf32, #tpu.memory_space<hbm>> -> memref<1000000x32xf32, #tpu.memory_space<hbm>>
    tpu.enqueue_indirect_dma source(%dma_start3A_199 : memref<1000000x32xf32, #tpu.memory_space<hbm>>) target(%dma_start3A_193 : memref<128x32xf32, #tpu.memory_space<vmem>>) offsets(%dma_start3A_196 : memref<128xi32, #tpu.memory_space<vmem>>) semaphore(%arg9 : memref<!tpu.dma_semaphore, #tpu.memory_space<semaphore_mem>>)
    %dma_start3A_200 = arith.constant 1 : i32
    %dma_start3A_201 = arith.constant 3 : i32
    %dma_start3A_202 = arith.constant 3 : i32
    %dma_start3A_203 = arith.constant 0 : i32
    %dma_start3A_204 = arith.constant 0 : i32
    %dma_start3A_205 = tpu.memref_slice %arg7[%dma_start3A_202, %dma_start3A_203, %dma_start3A_204] : memref<10x128x32xf32, #tpu.memory_space<vmem>> -> memref<1x128x32xf32, #tpu.memory_space<vmem>>
    %dma_start3A_206 = tpu.memref_squeeze %dma_start3A_205 : memref<1x128x32xf32, #tpu.memory_space<vmem>> -> memref<128x32xf32, #tpu.memory_space<vmem>>
    %dma_start3A_207 = arith.constant 0 : i32
    %dma_start3A_208 = tpu.memref_slice %arg5[%dma_start3A_200, %dma_start3A_201, %dma_start3A_207] : memref<4x10x128xi32, #tpu.memory_space<vmem>> -> memref<1x1x128xi32, #tpu.memory_space<vmem>>
    %dma_start3A_209 = tpu.memref_squeeze %dma_start3A_208 : memref<1x1x128xi32, #tpu.memory_space<vmem>> -> memref<128xi32, #tpu.memory_space<vmem>>
    %dma_start3A_210 = arith.constant 0 : i32
    %dma_start3A_211 = arith.constant 0 : i32
    %dma_start3A_212 = tpu.memref_slice %arg3[%dma_start3A_210, %dma_start3A_211] : memref<1000000x32xf32, #tpu.memory_space<hbm>> -> memref<1000000x32xf32, #tpu.memory_space<hbm>>
    tpu.enqueue_indirect_dma source(%dma_start3A_212 : memref<1000000x32xf32, #tpu.memory_space<hbm>>) target(%dma_start3A_206 : memref<128x32xf32, #tpu.memory_space<vmem>>) offsets(%dma_start3A_209 : memref<128xi32, #tpu.memory_space<vmem>>) semaphore(%arg9 : memref<!tpu.dma_semaphore, #tpu.memory_space<semaphore_mem>>)
    %dma_start3A_213 = arith.constant 1 : i32
    %dma_start3A_214 = arith.constant 4 : i32
    %dma_start3A_215 = arith.constant 4 : i32
    %dma_start3A_216 = arith.constant 0 : i32
    %dma_start3A_217 = arith.constant 0 : i32
    %dma_start3A_218 = tpu.memref_slice %arg7[%dma_start3A_215, %dma_start3A_216, %dma_start3A_217] : memref<10x128x32xf32, #tpu.memory_space<vmem>> -> memref<1x128x32xf32, #tpu.memory_space<vmem>>
    %dma_start3A_219 = tpu.memref_squeeze %dma_start3A_218 : memref<1x128x32xf32, #tpu.memory_space<vmem>> -> memref<128x32xf32, #tpu.memory_space<vmem>>
    %dma_start3A_220 = arith.constant 0 : i32
    %dma_start3A_221 = tpu.memref_slice %arg5[%dma_start3A_213, %dma_start3A_214, %dma_start3A_220] : memref<4x10x128xi32, #tpu.memory_space<vmem>> -> memref<1x1x128xi32, #tpu.memory_space<vmem>>
    %dma_start3A_222 = tpu.memref_squeeze %dma_start3A_221 : memref<1x1x128xi32, #tpu.memory_space<vmem>> -> memref<128xi32, #tpu.memory_space<vmem>>
    %dma_start3A_223 = arith.constant 0 : i32
    %dma_start3A_224 = arith.constant 0 : i32
    %dma_start3A_225 = tpu.memref_slice %arg3[%dma_start3A_223, %dma_start3A_224] : memref<1000000x32xf32, #tpu.memory_space<hbm>> -> memref<1000000x32xf32, #tpu.memory_space<hbm>>
    tpu.enqueue_indirect_dma source(%dma_start3A_225 : memref<1000000x32xf32, #tpu.memory_space<hbm>>) target(%dma_start3A_219 : memref<128x32xf32, #tpu.memory_space<vmem>>) offsets(%dma_start3A_222 : memref<128xi32, #tpu.memory_space<vmem>>) semaphore(%arg9 : memref<!tpu.dma_semaphore, #tpu.memory_space<semaphore_mem>>)
    %dma_start3A_226 = arith.constant 1 : i32
    %dma_start3A_227 = arith.constant 5 : i32
    %dma_start3A_228 = arith.constant 5 : i32
    %dma_start3A_229 = arith.constant 0 : i32
    %dma_start3A_230 = arith.constant 0 : i32
    %dma_start3A_231 = tpu.memref_slice %arg7[%dma_start3A_228, %dma_start3A_229, %dma_start3A_230] : memref<10x128x32xf32, #tpu.memory_space<vmem>> -> memref<1x128x32xf32, #tpu.memory_space<vmem>>
    %dma_start3A_232 = tpu.memref_squeeze %dma_start3A_231 : memref<1x128x32xf32, #tpu.memory_space<vmem>> -> memref<128x32xf32, #tpu.memory_space<vmem>>
    %dma_start3A_233 = arith.constant 0 : i32
    %dma_start3A_234 = tpu.memref_slice %arg5[%dma_start3A_226, %dma_start3A_227, %dma_start3A_233] : memref<4x10x128xi32, #tpu.memory_space<vmem>> -> memref<1x1x128xi32, #tpu.memory_space<vmem>>
    %dma_start3A_235 = tpu.memref_squeeze %dma_start3A_234 : memref<1x1x128xi32, #tpu.memory_space<vmem>> -> memref<128xi32, #tpu.memory_space<vmem>>
    %dma_start3A_236 = arith.constant 0 : i32
    %dma_start3A_237 = arith.constant 0 : i32
    %dma_start3A_238 = tpu.memref_slice %arg3[%dma_start3A_236, %dma_start3A_237] : memref<1000000x32xf32, #tpu.memory_space<hbm>> -> memref<1000000x32xf32, #tpu.memory_space<hbm>>
    tpu.enqueue_indirect_dma source(%dma_start3A_238 : memref<1000000x32xf32, #tpu.memory_space<hbm>>) target(%dma_start3A_232 : memref<128x32xf32, #tpu.memory_space<vmem>>) offsets(%dma_start3A_235 : memref<128xi32, #tpu.memory_space<vmem>>) semaphore(%arg9 : memref<!tpu.dma_semaphore, #tpu.memory_space<semaphore_mem>>)
    %dma_start3A_239 = arith.constant 1 : i32
    %dma_start3A_240 = arith.constant 6 : i32
    %dma_start3A_241 = arith.constant 6 : i32
    %dma_start3A_242 = arith.constant 0 : i32
    %dma_start3A_243 = arith.constant 0 : i32
    %dma_start3A_244 = tpu.memref_slice %arg7[%dma_start3A_241, %dma_start3A_242, %dma_start3A_243] : memref<10x128x32xf32, #tpu.memory_space<vmem>> -> memref<1x128x32xf32, #tpu.memory_space<vmem>>
    %dma_start3A_245 = tpu.memref_squeeze %dma_start3A_244 : memref<1x128x32xf32, #tpu.memory_space<vmem>> -> memref<128x32xf32, #tpu.memory_space<vmem>>
    %dma_start3A_246 = arith.constant 0 : i32
    %dma_start3A_247 = tpu.memref_slice %arg5[%dma_start3A_239, %dma_start3A_240, %dma_start3A_246] : memref<4x10x128xi32, #tpu.memory_space<vmem>> -> memref<1x1x128xi32, #tpu.memory_space<vmem>>
    %dma_start3A_248 = tpu.memref_squeeze %dma_start3A_247 : memref<1x1x128xi32, #tpu.memory_space<vmem>> -> memref<128xi32, #tpu.memory_space<vmem>>
    %dma_start3A_249 = arith.constant 0 : i32
    %dma_start3A_250 = arith.constant 0 : i32
    %dma_start3A_251 = tpu.memref_slice %arg3[%dma_start3A_249, %dma_start3A_250] : memref<1000000x32xf32, #tpu.memory_space<hbm>> -> memref<1000000x32xf32, #tpu.memory_space<hbm>>
    tpu.enqueue_indirect_dma source(%dma_start3A_251 : memref<1000000x32xf32, #tpu.memory_space<hbm>>) target(%dma_start3A_245 : memref<128x32xf32, #tpu.memory_space<vmem>>) offsets(%dma_start3A_248 : memref<128xi32, #tpu.memory_space<vmem>>) semaphore(%arg9 : memref<!tpu.dma_semaphore, #tpu.memory_space<semaphore_mem>>)
    %dma_start3A_252 = arith.constant 1 : i32
    %dma_start3A_253 = arith.constant 7 : i32
    %dma_start3A_254 = arith.constant 7 : i32
    %dma_start3A_255 = arith.constant 0 : i32
    %dma_start3A_256 = arith.constant 0 : i32
    %dma_start3A_257 = tpu.memref_slice %arg7[%dma_start3A_254, %dma_start3A_255, %dma_start3A_256] : memref<10x128x32xf32, #tpu.memory_space<vmem>> -> memref<1x128x32xf32, #tpu.memory_space<vmem>>
    %dma_start3A_258 = tpu.memref_squeeze %dma_start3A_257 : memref<1x128x32xf32, #tpu.memory_space<vmem>> -> memref<128x32xf32, #tpu.memory_space<vmem>>
    %dma_start3A_259 = arith.constant 0 : i32
    %dma_start3A_260 = tpu.memref_slice %arg5[%dma_start3A_252, %dma_start3A_253, %dma_start3A_259] : memref<4x10x128xi32, #tpu.memory_space<vmem>> -> memref<1x1x128xi32, #tpu.memory_space<vmem>>
    %dma_start3A_261 = tpu.memref_squeeze %dma_start3A_260 : memref<1x1x128xi32, #tpu.memory_space<vmem>> -> memref<128xi32, #tpu.memory_space<vmem>>
    %dma_start3A_262 = arith.constant 0 : i32
    %dma_start3A_263 = arith.constant 0 : i32
    %dma_start3A_264 = tpu.memref_slice %arg3[%dma_start3A_262, %dma_start3A_263] : memref<1000000x32xf32, #tpu.memory_space<hbm>> -> memref<1000000x32xf32, #tpu.memory_space<hbm>>
    tpu.enqueue_indirect_dma source(%dma_start3A_264 : memref<1000000x32xf32, #tpu.memory_space<hbm>>) target(%dma_start3A_258 : memref<128x32xf32, #tpu.memory_space<vmem>>) offsets(%dma_start3A_261 : memref<128xi32, #tpu.memory_space<vmem>>) semaphore(%arg9 : memref<!tpu.dma_semaphore, #tpu.memory_space<semaphore_mem>>)
    %dma_start3A_265 = arith.constant 1 : i32
    %dma_start3A_266 = arith.constant 8 : i32
    %dma_start3A_267 = arith.constant 8 : i32
    %dma_start3A_268 = arith.constant 0 : i32
    %dma_start3A_269 = arith.constant 0 : i32
    %dma_start3A_270 = tpu.memref_slice %arg7[%dma_start3A_267, %dma_start3A_268, %dma_start3A_269] : memref<10x128x32xf32, #tpu.memory_space<vmem>> -> memref<1x128x32xf32, #tpu.memory_space<vmem>>
    %dma_start3A_271 = tpu.memref_squeeze %dma_start3A_270 : memref<1x128x32xf32, #tpu.memory_space<vmem>> -> memref<128x32xf32, #tpu.memory_space<vmem>>
    %dma_start3A_272 = arith.constant 0 : i32
    %dma_start3A_273 = tpu.memref_slice %arg5[%dma_start3A_265, %dma_start3A_266, %dma_start3A_272] : memref<4x10x128xi32, #tpu.memory_space<vmem>> -> memref<1x1x128xi32, #tpu.memory_space<vmem>>
    %dma_start3A_274 = tpu.memref_squeeze %dma_start3A_273 : memref<1x1x128xi32, #tpu.memory_space<vmem>> -> memref<128xi32, #tpu.memory_space<vmem>>
    %dma_start3A_275 = arith.constant 0 : i32
    %dma_start3A_276 = arith.constant 0 : i32
    %dma_start3A_277 = tpu.memref_slice %arg3[%dma_start3A_275, %dma_start3A_276] : memref<1000000x32xf32, #tpu.memory_space<hbm>> -> memref<1000000x32xf32, #tpu.memory_space<hbm>>
    tpu.enqueue_indirect_dma source(%dma_start3A_277 : memref<1000000x32xf32, #tpu.memory_space<hbm>>) target(%dma_start3A_271 : memref<128x32xf32, #tpu.memory_space<vmem>>) offsets(%dma_start3A_274 : memref<128xi32, #tpu.memory_space<vmem>>) semaphore(%arg9 : memref<!tpu.dma_semaphore, #tpu.memory_space<semaphore_mem>>)
    %dma_start3A_278 = arith.constant 1 : i32
    %dma_start3A_279 = arith.constant 9 : i32
    %dma_start3A_280 = arith.constant 9 : i32
    %dma_start3A_281 = arith.constant 0 : i32
    %dma_start3A_282 = arith.constant 0 : i32
    %dma_start3A_283 = tpu.memref_slice %arg7[%dma_start3A_280, %dma_start3A_281, %dma_start3A_282] : memref<10x128x32xf32, #tpu.memory_space<vmem>> -> memref<1x128x32xf32, #tpu.memory_space<vmem>>
    %dma_start3A_284 = tpu.memref_squeeze %dma_start3A_283 : memref<1x128x32xf32, #tpu.memory_space<vmem>> -> memref<128x32xf32, #tpu.memory_space<vmem>>
    %dma_start3A_285 = arith.constant 0 : i32
    %dma_start3A_286 = tpu.memref_slice %arg5[%dma_start3A_278, %dma_start3A_279, %dma_start3A_285] : memref<4x10x128xi32, #tpu.memory_space<vmem>> -> memref<1x1x128xi32, #tpu.memory_space<vmem>>
    %dma_start3A_287 = tpu.memref_squeeze %dma_start3A_286 : memref<1x1x128xi32, #tpu.memory_space<vmem>> -> memref<128xi32, #tpu.memory_space<vmem>>
    %dma_start3A_288 = arith.constant 0 : i32
    %dma_start3A_289 = arith.constant 0 : i32
    %dma_start3A_290 = tpu.memref_slice %arg3[%dma_start3A_288, %dma_start3A_289] : memref<1000000x32xf32, #tpu.memory_space<hbm>> -> memref<1000000x32xf32, #tpu.memory_space<hbm>>
    tpu.enqueue_indirect_dma source(%dma_start3A_290 : memref<1000000x32xf32, #tpu.memory_space<hbm>>) target(%dma_start3A_284 : memref<128x32xf32, #tpu.memory_space<vmem>>) offsets(%dma_start3A_287 : memref<128xi32, #tpu.memory_space<vmem>>) semaphore(%arg9 : memref<!tpu.dma_semaphore, #tpu.memory_space<semaphore_mem>>)
    %dma_wait3A = arith.constant 0 : i32
    %dma_wait3A_291 = arith.constant 0 : i32
    %dma_wait3A_292 = arith.constant 0 : i32
    %dma_wait3A_293 = arith.constant 0 : i32
    %dma_wait3A_294 = arith.constant 0 : i32
    %dma_wait3A_295 = tpu.memref_slice %arg6[%dma_wait3A_292, %dma_wait3A_293, %dma_wait3A_294] : memref<10x128x32xf32, #tpu.memory_space<vmem>> -> memref<1x128x32xf32, #tpu.memory_space<vmem>>
    %dma_wait3A_296 = tpu.memref_squeeze %dma_wait3A_295 : memref<1x128x32xf32, #tpu.memory_space<vmem>> -> memref<128x32xf32, #tpu.memory_space<vmem>>
    %dma_wait3A_297 = arith.constant 0 : i32
    %dma_wait3A_298 = tpu.memref_slice %arg5[%dma_wait3A, %dma_wait3A_291, %dma_wait3A_297] : memref<4x10x128xi32, #tpu.memory_space<vmem>> -> memref<1x1x128xi32, #tpu.memory_space<vmem>>
    %dma_wait3A_299 = tpu.memref_squeeze %dma_wait3A_298 : memref<1x1x128xi32, #tpu.memory_space<vmem>> -> memref<128xi32, #tpu.memory_space<vmem>>
    %dma_wait3A_300 = arith.constant 0 : i32
    %dma_wait3A_301 = arith.constant 0 : i32
    %dma_wait3A_302 = tpu.memref_slice %arg3[%dma_wait3A_300, %dma_wait3A_301] : memref<1000000x32xf32, #tpu.memory_space<hbm>> -> memref<1000000x32xf32, #tpu.memory_space<hbm>>
    tpu.wait_indirect_dma semaphore(%arg8 : memref<!tpu.dma_semaphore, #tpu.memory_space<semaphore_mem>>) src(%dma_wait3A_302 : memref<1000000x32xf32, #tpu.memory_space<hbm>>) dst(%dma_wait3A_296 : memref<128x32xf32, #tpu.memory_space<vmem>>)
    %dma_wait3A_303 = arith.constant 0 : i32
    %dma_wait3A_304 = arith.constant 1 : i32
    %dma_wait3A_305 = arith.constant 1 : i32
    %dma_wait3A_306 = arith.constant 0 : i32
    %dma_wait3A_307 = arith.constant 0 : i32
    %dma_wait3A_308 = tpu.memref_slice %arg6[%dma_wait3A_305, %dma_wait3A_306, %dma_wait3A_307] : memref<10x128x32xf32, #tpu.memory_space<vmem>> -> memref<1x128x32xf32, #tpu.memory_space<vmem>>
    %dma_wait3A_309 = tpu.memref_squeeze %dma_wait3A_308 : memref<1x128x32xf32, #tpu.memory_space<vmem>> -> memref<128x32xf32, #tpu.memory_space<vmem>>
    %dma_wait3A_310 = arith.constant 0 : i32
    %dma_wait3A_311 = tpu.memref_slice %arg5[%dma_wait3A_303, %dma_wait3A_304, %dma_wait3A_310] : memref<4x10x128xi32, #tpu.memory_space<vmem>> -> memref<1x1x128xi32, #tpu.memory_space<vmem>>
    %dma_wait3A_312 = tpu.memref_squeeze %dma_wait3A_311 : memref<1x1x128xi32, #tpu.memory_space<vmem>> -> memref<128xi32, #tpu.memory_space<vmem>>
    %dma_wait3A_313 = arith.constant 0 : i32
    %dma_wait3A_314 = arith.constant 0 : i32
    %dma_wait3A_315 = tpu.memref_slice %arg3[%dma_wait3A_313, %dma_wait3A_314] : memref<1000000x32xf32, #tpu.memory_space<hbm>> -> memref<1000000x32xf32, #tpu.memory_space<hbm>>
    tpu.wait_indirect_dma semaphore(%arg8 : memref<!tpu.dma_semaphore, #tpu.memory_space<semaphore_mem>>) src(%dma_wait3A_315 : memref<1000000x32xf32, #tpu.memory_space<hbm>>) dst(%dma_wait3A_309 : memref<128x32xf32, #tpu.memory_space<vmem>>)
    %dma_wait3A_316 = arith.constant 0 : i32
    %dma_wait3A_317 = arith.constant 2 : i32
    %dma_wait3A_318 = arith.constant 2 : i32
    %dma_wait3A_319 = arith.constant 0 : i32
    %dma_wait3A_320 = arith.constant 0 : i32
    %dma_wait3A_321 = tpu.memref_slice %arg6[%dma_wait3A_318, %dma_wait3A_319, %dma_wait3A_320] : memref<10x128x32xf32, #tpu.memory_space<vmem>> -> memref<1x128x32xf32, #tpu.memory_space<vmem>>
    %dma_wait3A_322 = tpu.memref_squeeze %dma_wait3A_321 : memref<1x128x32xf32, #tpu.memory_space<vmem>> -> memref<128x32xf32, #tpu.memory_space<vmem>>
    %dma_wait3A_323 = arith.constant 0 : i32
    %dma_wait3A_324 = tpu.memref_slice %arg5[%dma_wait3A_316, %dma_wait3A_317, %dma_wait3A_323] : memref<4x10x128xi32, #tpu.memory_space<vmem>> -> memref<1x1x128xi32, #tpu.memory_space<vmem>>
    %dma_wait3A_325 = tpu.memref_squeeze %dma_wait3A_324 : memref<1x1x128xi32, #tpu.memory_space<vmem>> -> memref<128xi32, #tpu.memory_space<vmem>>
    %dma_wait3A_326 = arith.constant 0 : i32
    %dma_wait3A_327 = arith.constant 0 : i32
    %dma_wait3A_328 = tpu.memref_slice %arg3[%dma_wait3A_326, %dma_wait3A_327] : memref<1000000x32xf32, #tpu.memory_space<hbm>> -> memref<1000000x32xf32, #tpu.memory_space<hbm>>
    tpu.wait_indirect_dma semaphore(%arg8 : memref<!tpu.dma_semaphore, #tpu.memory_space<semaphore_mem>>) src(%dma_wait3A_328 : memref<1000000x32xf32, #tpu.memory_space<hbm>>) dst(%dma_wait3A_322 : memref<128x32xf32, #tpu.memory_space<vmem>>)
    %dma_wait3A_329 = arith.constant 0 : i32
    %dma_wait3A_330 = arith.constant 3 : i32
    %dma_wait3A_331 = arith.constant 3 : i32
    %dma_wait3A_332 = arith.constant 0 : i32
    %dma_wait3A_333 = arith.constant 0 : i32
    %dma_wait3A_334 = tpu.memref_slice %arg6[%dma_wait3A_331, %dma_wait3A_332, %dma_wait3A_333] : memref<10x128x32xf32, #tpu.memory_space<vmem>> -> memref<1x128x32xf32, #tpu.memory_space<vmem>>
    %dma_wait3A_335 = tpu.memref_squeeze %dma_wait3A_334 : memref<1x128x32xf32, #tpu.memory_space<vmem>> -> memref<128x32xf32, #tpu.memory_space<vmem>>
    %dma_wait3A_336 = arith.constant 0 : i32
    %dma_wait3A_337 = tpu.memref_slice %arg5[%dma_wait3A_329, %dma_wait3A_330, %dma_wait3A_336] : memref<4x10x128xi32, #tpu.memory_space<vmem>> -> memref<1x1x128xi32, #tpu.memory_space<vmem>>
    %dma_wait3A_338 = tpu.memref_squeeze %dma_wait3A_337 : memref<1x1x128xi32, #tpu.memory_space<vmem>> -> memref<128xi32, #tpu.memory_space<vmem>>
    %dma_wait3A_339 = arith.constant 0 : i32
    %dma_wait3A_340 = arith.constant 0 : i32
    %dma_wait3A_341 = tpu.memref_slice %arg3[%dma_wait3A_339, %dma_wait3A_340] : memref<1000000x32xf32, #tpu.memory_space<hbm>> -> memref<1000000x32xf32, #tpu.memory_space<hbm>>
    tpu.wait_indirect_dma semaphore(%arg8 : memref<!tpu.dma_semaphore, #tpu.memory_space<semaphore_mem>>) src(%dma_wait3A_341 : memref<1000000x32xf32, #tpu.memory_space<hbm>>) dst(%dma_wait3A_335 : memref<128x32xf32, #tpu.memory_space<vmem>>)
    %dma_wait3A_342 = arith.constant 0 : i32
    %dma_wait3A_343 = arith.constant 4 : i32
    %dma_wait3A_344 = arith.constant 4 : i32
    %dma_wait3A_345 = arith.constant 0 : i32
    %dma_wait3A_346 = arith.constant 0 : i32
    %dma_wait3A_347 = tpu.memref_slice %arg6[%dma_wait3A_344, %dma_wait3A_345, %dma_wait3A_346] : memref<10x128x32xf32, #tpu.memory_space<vmem>> -> memref<1x128x32xf32, #tpu.memory_space<vmem>>
    %dma_wait3A_348 = tpu.memref_squeeze %dma_wait3A_347 : memref<1x128x32xf32, #tpu.memory_space<vmem>> -> memref<128x32xf32, #tpu.memory_space<vmem>>
    %dma_wait3A_349 = arith.constant 0 : i32
    %dma_wait3A_350 = tpu.memref_slice %arg5[%dma_wait3A_342, %dma_wait3A_343, %dma_wait3A_349] : memref<4x10x128xi32, #tpu.memory_space<vmem>> -> memref<1x1x128xi32, #tpu.memory_space<vmem>>
    %dma_wait3A_351 = tpu.memref_squeeze %dma_wait3A_350 : memref<1x1x128xi32, #tpu.memory_space<vmem>> -> memref<128xi32, #tpu.memory_space<vmem>>
    %dma_wait3A_352 = arith.constant 0 : i32
    %dma_wait3A_353 = arith.constant 0 : i32
    %dma_wait3A_354 = tpu.memref_slice %arg3[%dma_wait3A_352, %dma_wait3A_353] : memref<1000000x32xf32, #tpu.memory_space<hbm>> -> memref<1000000x32xf32, #tpu.memory_space<hbm>>
    tpu.wait_indirect_dma semaphore(%arg8 : memref<!tpu.dma_semaphore, #tpu.memory_space<semaphore_mem>>) src(%dma_wait3A_354 : memref<1000000x32xf32, #tpu.memory_space<hbm>>) dst(%dma_wait3A_348 : memref<128x32xf32, #tpu.memory_space<vmem>>)
    %dma_wait3A_355 = arith.constant 0 : i32
    %dma_wait3A_356 = arith.constant 5 : i32
    %dma_wait3A_357 = arith.constant 5 : i32
    %dma_wait3A_358 = arith.constant 0 : i32
    %dma_wait3A_359 = arith.constant 0 : i32
    %dma_wait3A_360 = tpu.memref_slice %arg6[%dma_wait3A_357, %dma_wait3A_358, %dma_wait3A_359] : memref<10x128x32xf32, #tpu.memory_space<vmem>> -> memref<1x128x32xf32, #tpu.memory_space<vmem>>
    %dma_wait3A_361 = tpu.memref_squeeze %dma_wait3A_360 : memref<1x128x32xf32, #tpu.memory_space<vmem>> -> memref<128x32xf32, #tpu.memory_space<vmem>>
    %dma_wait3A_362 = arith.constant 0 : i32
    %dma_wait3A_363 = tpu.memref_slice %arg5[%dma_wait3A_355, %dma_wait3A_356, %dma_wait3A_362] : memref<4x10x128xi32, #tpu.memory_space<vmem>> -> memref<1x1x128xi32, #tpu.memory_space<vmem>>
    %dma_wait3A_364 = tpu.memref_squeeze %dma_wait3A_363 : memref<1x1x128xi32, #tpu.memory_space<vmem>> -> memref<128xi32, #tpu.memory_space<vmem>>
    %dma_wait3A_365 = arith.constant 0 : i32
    %dma_wait3A_366 = arith.constant 0 : i32
    %dma_wait3A_367 = tpu.memref_slice %arg3[%dma_wait3A_365, %dma_wait3A_366] : memref<1000000x32xf32, #tpu.memory_space<hbm>> -> memref<1000000x32xf32, #tpu.memory_space<hbm>>
    tpu.wait_indirect_dma semaphore(%arg8 : memref<!tpu.dma_semaphore, #tpu.memory_space<semaphore_mem>>) src(%dma_wait3A_367 : memref<1000000x32xf32, #tpu.memory_space<hbm>>) dst(%dma_wait3A_361 : memref<128x32xf32, #tpu.memory_space<vmem>>)
    %dma_wait3A_368 = arith.constant 0 : i32
    %dma_wait3A_369 = arith.constant 6 : i32
    %dma_wait3A_370 = arith.constant 6 : i32
    %dma_wait3A_371 = arith.constant 0 : i32
    %dma_wait3A_372 = arith.constant 0 : i32
    %dma_wait3A_373 = tpu.memref_slice %arg6[%dma_wait3A_370, %dma_wait3A_371, %dma_wait3A_372] : memref<10x128x32xf32, #tpu.memory_space<vmem>> -> memref<1x128x32xf32, #tpu.memory_space<vmem>>
    %dma_wait3A_374 = tpu.memref_squeeze %dma_wait3A_373 : memref<1x128x32xf32, #tpu.memory_space<vmem>> -> memref<128x32xf32, #tpu.memory_space<vmem>>
    %dma_wait3A_375 = arith.constant 0 : i32
    %dma_wait3A_376 = tpu.memref_slice %arg5[%dma_wait3A_368, %dma_wait3A_369, %dma_wait3A_375] : memref<4x10x128xi32, #tpu.memory_space<vmem>> -> memref<1x1x128xi32, #tpu.memory_space<vmem>>
    %dma_wait3A_377 = tpu.memref_squeeze %dma_wait3A_376 : memref<1x1x128xi32, #tpu.memory_space<vmem>> -> memref<128xi32, #tpu.memory_space<vmem>>
    %dma_wait3A_378 = arith.constant 0 : i32
    %dma_wait3A_379 = arith.constant 0 : i32
    %dma_wait3A_380 = tpu.memref_slice %arg3[%dma_wait3A_378, %dma_wait3A_379] : memref<1000000x32xf32, #tpu.memory_space<hbm>> -> memref<1000000x32xf32, #tpu.memory_space<hbm>>
    tpu.wait_indirect_dma semaphore(%arg8 : memref<!tpu.dma_semaphore, #tpu.memory_space<semaphore_mem>>) src(%dma_wait3A_380 : memref<1000000x32xf32, #tpu.memory_space<hbm>>) dst(%dma_wait3A_374 : memref<128x32xf32, #tpu.memory_space<vmem>>)
    %dma_wait3A_381 = arith.constant 0 : i32
    %dma_wait3A_382 = arith.constant 7 : i32
    %dma_wait3A_383 = arith.constant 7 : i32
    %dma_wait3A_384 = arith.constant 0 : i32
    %dma_wait3A_385 = arith.constant 0 : i32
    %dma_wait3A_386 = tpu.memref_slice %arg6[%dma_wait3A_383, %dma_wait3A_384, %dma_wait3A_385] : memref<10x128x32xf32, #tpu.memory_space<vmem>> -> memref<1x128x32xf32, #tpu.memory_space<vmem>>
    %dma_wait3A_387 = tpu.memref_squeeze %dma_wait3A_386 : memref<1x128x32xf32, #tpu.memory_space<vmem>> -> memref<128x32xf32, #tpu.memory_space<vmem>>
    %dma_wait3A_388 = arith.constant 0 : i32
    %dma_wait3A_389 = tpu.memref_slice %arg5[%dma_wait3A_381, %dma_wait3A_382, %dma_wait3A_388] : memref<4x10x128xi32, #tpu.memory_space<vmem>> -> memref<1x1x128xi32, #tpu.memory_space<vmem>>
    %dma_wait3A_390 = tpu.memref_squeeze %dma_wait3A_389 : memref<1x1x128xi32, #tpu.memory_space<vmem>> -> memref<128xi32, #tpu.memory_space<vmem>>
    %dma_wait3A_391 = arith.constant 0 : i32
    %dma_wait3A_392 = arith.constant 0 : i32
    %dma_wait3A_393 = tpu.memref_slice %arg3[%dma_wait3A_391, %dma_wait3A_392] : memref<1000000x32xf32, #tpu.memory_space<hbm>> -> memref<1000000x32xf32, #tpu.memory_space<hbm>>
    tpu.wait_indirect_dma semaphore(%arg8 : memref<!tpu.dma_semaphore, #tpu.memory_space<semaphore_mem>>) src(%dma_wait3A_393 : memref<1000000x32xf32, #tpu.memory_space<hbm>>) dst(%dma_wait3A_387 : memref<128x32xf32, #tpu.memory_space<vmem>>)
    %dma_wait3A_394 = arith.constant 0 : i32
    %dma_wait3A_395 = arith.constant 8 : i32
    %dma_wait3A_396 = arith.constant 8 : i32
    %dma_wait3A_397 = arith.constant 0 : i32
    %dma_wait3A_398 = arith.constant 0 : i32
    %dma_wait3A_399 = tpu.memref_slice %arg6[%dma_wait3A_396, %dma_wait3A_397, %dma_wait3A_398] : memref<10x128x32xf32, #tpu.memory_space<vmem>> -> memref<1x128x32xf32, #tpu.memory_space<vmem>>
    %dma_wait3A_400 = tpu.memref_squeeze %dma_wait3A_399 : memref<1x128x32xf32, #tpu.memory_space<vmem>> -> memref<128x32xf32, #tpu.memory_space<vmem>>
    %dma_wait3A_401 = arith.constant 0 : i32
    %dma_wait3A_402 = tpu.memref_slice %arg5[%dma_wait3A_394, %dma_wait3A_395, %dma_wait3A_401] : memref<4x10x128xi32, #tpu.memory_space<vmem>> -> memref<1x1x128xi32, #tpu.memory_space<vmem>>
    %dma_wait3A_403 = tpu.memref_squeeze %dma_wait3A_402 : memref<1x1x128xi32, #tpu.memory_space<vmem>> -> memref<128xi32, #tpu.memory_space<vmem>>
    %dma_wait3A_404 = arith.constant 0 : i32
    %dma_wait3A_405 = arith.constant 0 : i32
    %dma_wait3A_406 = tpu.memref_slice %arg3[%dma_wait3A_404, %dma_wait3A_405] : memref<1000000x32xf32, #tpu.memory_space<hbm>> -> memref<1000000x32xf32, #tpu.memory_space<hbm>>
    tpu.wait_indirect_dma semaphore(%arg8 : memref<!tpu.dma_semaphore, #tpu.memory_space<semaphore_mem>>) src(%dma_wait3A_406 : memref<1000000x32xf32, #tpu.memory_space<hbm>>) dst(%dma_wait3A_400 : memref<128x32xf32, #tpu.memory_space<vmem>>)
    %dma_wait3A_407 = arith.constant 0 : i32
    %dma_wait3A_408 = arith.constant 9 : i32
    %dma_wait3A_409 = arith.constant 9 : i32
    %dma_wait3A_410 = arith.constant 0 : i32
    %dma_wait3A_411 = arith.constant 0 : i32
    %dma_wait3A_412 = tpu.memref_slice %arg6[%dma_wait3A_409, %dma_wait3A_410, %dma_wait3A_411] : memref<10x128x32xf32, #tpu.memory_space<vmem>> -> memref<1x128x32xf32, #tpu.memory_space<vmem>>
    %dma_wait3A_413 = tpu.memref_squeeze %dma_wait3A_412 : memref<1x128x32xf32, #tpu.memory_space<vmem>> -> memref<128x32xf32, #tpu.memory_space<vmem>>
    %dma_wait3A_414 = arith.constant 0 : i32
    %dma_wait3A_415 = tpu.memref_slice %arg5[%dma_wait3A_407, %dma_wait3A_408, %dma_wait3A_414] : memref<4x10x128xi32, #tpu.memory_space<vmem>> -> memref<1x1x128xi32, #tpu.memory_space<vmem>>
    %dma_wait3A_416 = tpu.memref_squeeze %dma_wait3A_415 : memref<1x1x128xi32, #tpu.memory_space<vmem>> -> memref<128xi32, #tpu.memory_space<vmem>>
    %dma_wait3A_417 = arith.constant 0 : i32
    %dma_wait3A_418 = arith.constant 0 : i32
    %dma_wait3A_419 = tpu.memref_slice %arg3[%dma_wait3A_417, %dma_wait3A_418] : memref<1000000x32xf32, #tpu.memory_space<hbm>> -> memref<1000000x32xf32, #tpu.memory_space<hbm>>
    tpu.wait_indirect_dma semaphore(%arg8 : memref<!tpu.dma_semaphore, #tpu.memory_space<semaphore_mem>>) src(%dma_wait3A_419 : memref<1000000x32xf32, #tpu.memory_space<hbm>>) dst(%dma_wait3A_413 : memref<128x32xf32, #tpu.memory_space<vmem>>)
    %mul3A_420 = arith.constant 4 : i32
    %mul3A_421 = arith.muli %mul3A_420, %add3A : i32
    %add3A_422 = arith.constant 0 : i32
    %add3A_423 = arith.addi %mul3A_421, %add3A_422 : i32
    %mul3A_424 = arith.constant 128 : i32
    %mul3A_425 = arith.muli %add3A_423, %mul3A_424 : i32
    %dma_start3A_426 = arith.constant 0 : i32
    %dma_start3A_427 = arith.constant 0 : i32
    %dma_start3A_428 = tpu.memref_slice %arg4[%dma_start3A_426, %mul3A_425, %dma_start3A_427] : memref<10x16384x32xf32, #tpu.memory_space<hbm>> -> memref<10x128x32xf32, #tpu.memory_space<hbm>>
    %dma_start3A_429 = arith.constant 0 : i32
    %dma_start3A_430 = arith.constant 0 : i32
    %dma_start3A_431 = tpu.memref_slice %arg4[%dma_start3A_429, %mul3A_425, %dma_start3A_430] : memref<10x16384x32xf32, #tpu.memory_space<hbm>> -> memref<10x128x32xf32, #tpu.memory_space<hbm>>
    tpu.enqueue_dma source(%arg6 : memref<10x128x32xf32, #tpu.memory_space<vmem>>) target(%dma_start3A_431 : memref<10x128x32xf32, #tpu.memory_space<hbm>>) target_semaphore(%arg10 : memref<!tpu.dma_semaphore, #tpu.memory_space<semaphore_mem>>)
    %dma_wait3A_432 = arith.constant 0 : i32
    %dma_wait3A_433 = arith.constant 0 : i32
    %dma_wait3A_434 = tpu.memref_slice %arg4[%dma_wait3A_432, %mul3A_425, %dma_wait3A_433] : memref<10x16384x32xf32, #tpu.memory_space<hbm>> -> memref<10x128x32xf32, #tpu.memory_space<hbm>>
    %dma_wait3A_435 = arith.constant 0 : i32
    %dma_wait3A_436 = arith.constant 0 : i32
    %dma_wait3A_437 = tpu.memref_slice %arg4[%dma_wait3A_435, %mul3A_425, %dma_wait3A_436] : memref<10x16384x32xf32, #tpu.memory_space<hbm>> -> memref<10x128x32xf32, #tpu.memory_space<hbm>>
    tpu.wait_dma2 semaphore(%arg10 : memref<!tpu.dma_semaphore, #tpu.memory_space<semaphore_mem>>) src(%arg6 : memref<10x128x32xf32, #tpu.memory_space<vmem>>) dst(%dma_wait3A_437 : memref<10x128x32xf32, #tpu.memory_space<hbm>>)
    %dma_start3A_438 = arith.constant 2 : i32
    %dma_start3A_439 = arith.constant 0 : i32
    %dma_start3A_440 = arith.constant 0 : i32
    %dma_start3A_441 = arith.constant 0 : i32
    %dma_start3A_442 = arith.constant 0 : i32
    %dma_start3A_443 = tpu.memref_slice %arg6[%dma_start3A_440, %dma_start3A_441, %dma_start3A_442] : memref<10x128x32xf32, #tpu.memory_space<vmem>> -> memref<1x128x32xf32, #tpu.memory_space<vmem>>
    %dma_start3A_444 = tpu.memref_squeeze %dma_start3A_443 : memref<1x128x32xf32, #tpu.memory_space<vmem>> -> memref<128x32xf32, #tpu.memory_space<vmem>>
    %dma_start3A_445 = arith.constant 0 : i32
    %dma_start3A_446 = tpu.memref_slice %arg5[%dma_start3A_438, %dma_start3A_439, %dma_start3A_445] : memref<4x10x128xi32, #tpu.memory_space<vmem>> -> memref<1x1x128xi32, #tpu.memory_space<vmem>>
    %dma_start3A_447 = tpu.memref_squeeze %dma_start3A_446 : memref<1x1x128xi32, #tpu.memory_space<vmem>> -> memref<128xi32, #tpu.memory_space<vmem>>
    %dma_start3A_448 = arith.constant 0 : i32
    %dma_start3A_449 = arith.constant 0 : i32
    %dma_start3A_450 = tpu.memref_slice %arg3[%dma_start3A_448, %dma_start3A_449] : memref<1000000x32xf32, #tpu.memory_space<hbm>> -> memref<1000000x32xf32, #tpu.memory_space<hbm>>
    tpu.enqueue_indirect_dma source(%dma_start3A_450 : memref<1000000x32xf32, #tpu.memory_space<hbm>>) target(%dma_start3A_444 : memref<128x32xf32, #tpu.memory_space<vmem>>) offsets(%dma_start3A_447 : memref<128xi32, #tpu.memory_space<vmem>>) semaphore(%arg8 : memref<!tpu.dma_semaphore, #tpu.memory_space<semaphore_mem>>)
    %dma_start3A_451 = arith.constant 2 : i32
    %dma_start3A_452 = arith.constant 1 : i32
    %dma_start3A_453 = arith.constant 1 : i32
    %dma_start3A_454 = arith.constant 0 : i32
    %dma_start3A_455 = arith.constant 0 : i32
    %dma_start3A_456 = tpu.memref_slice %arg6[%dma_start3A_453, %dma_start3A_454, %dma_start3A_455] : memref<10x128x32xf32, #tpu.memory_space<vmem>> -> memref<1x128x32xf32, #tpu.memory_space<vmem>>
    %dma_start3A_457 = tpu.memref_squeeze %dma_start3A_456 : memref<1x128x32xf32, #tpu.memory_space<vmem>> -> memref<128x32xf32, #tpu.memory_space<vmem>>
    %dma_start3A_458 = arith.constant 0 : i32
    %dma_start3A_459 = tpu.memref_slice %arg5[%dma_start3A_451, %dma_start3A_452, %dma_start3A_458] : memref<4x10x128xi32, #tpu.memory_space<vmem>> -> memref<1x1x128xi32, #tpu.memory_space<vmem>>
    %dma_start3A_460 = tpu.memref_squeeze %dma_start3A_459 : memref<1x1x128xi32, #tpu.memory_space<vmem>> -> memref<128xi32, #tpu.memory_space<vmem>>
    %dma_start3A_461 = arith.constant 0 : i32
    %dma_start3A_462 = arith.constant 0 : i32
    %dma_start3A_463 = tpu.memref_slice %arg3[%dma_start3A_461, %dma_start3A_462] : memref<1000000x32xf32, #tpu.memory_space<hbm>> -> memref<1000000x32xf32, #tpu.memory_space<hbm>>
    tpu.enqueue_indirect_dma source(%dma_start3A_463 : memref<1000000x32xf32, #tpu.memory_space<hbm>>) target(%dma_start3A_457 : memref<128x32xf32, #tpu.memory_space<vmem>>) offsets(%dma_start3A_460 : memref<128xi32, #tpu.memory_space<vmem>>) semaphore(%arg8 : memref<!tpu.dma_semaphore, #tpu.memory_space<semaphore_mem>>)
    %dma_start3A_464 = arith.constant 2 : i32
    %dma_start3A_465 = arith.constant 2 : i32
    %dma_start3A_466 = arith.constant 2 : i32
    %dma_start3A_467 = arith.constant 0 : i32
    %dma_start3A_468 = arith.constant 0 : i32
    %dma_start3A_469 = tpu.memref_slice %arg6[%dma_start3A_466, %dma_start3A_467, %dma_start3A_468] : memref<10x128x32xf32, #tpu.memory_space<vmem>> -> memref<1x128x32xf32, #tpu.memory_space<vmem>>
    %dma_start3A_470 = tpu.memref_squeeze %dma_start3A_469 : memref<1x128x32xf32, #tpu.memory_space<vmem>> -> memref<128x32xf32, #tpu.memory_space<vmem>>
    %dma_start3A_471 = arith.constant 0 : i32
    %dma_start3A_472 = tpu.memref_slice %arg5[%dma_start3A_464, %dma_start3A_465, %dma_start3A_471] : memref<4x10x128xi32, #tpu.memory_space<vmem>> -> memref<1x1x128xi32, #tpu.memory_space<vmem>>
    %dma_start3A_473 = tpu.memref_squeeze %dma_start3A_472 : memref<1x1x128xi32, #tpu.memory_space<vmem>> -> memref<128xi32, #tpu.memory_space<vmem>>
    %dma_start3A_474 = arith.constant 0 : i32
    %dma_start3A_475 = arith.constant 0 : i32
    %dma_start3A_476 = tpu.memref_slice %arg3[%dma_start3A_474, %dma_start3A_475] : memref<1000000x32xf32, #tpu.memory_space<hbm>> -> memref<1000000x32xf32, #tpu.memory_space<hbm>>
    tpu.enqueue_indirect_dma source(%dma_start3A_476 : memref<1000000x32xf32, #tpu.memory_space<hbm>>) target(%dma_start3A_470 : memref<128x32xf32, #tpu.memory_space<vmem>>) offsets(%dma_start3A_473 : memref<128xi32, #tpu.memory_space<vmem>>) semaphore(%arg8 : memref<!tpu.dma_semaphore, #tpu.memory_space<semaphore_mem>>)
    %dma_start3A_477 = arith.constant 2 : i32
    %dma_start3A_478 = arith.constant 3 : i32
    %dma_start3A_479 = arith.constant 3 : i32
    %dma_start3A_480 = arith.constant 0 : i32
    %dma_start3A_481 = arith.constant 0 : i32
    %dma_start3A_482 = tpu.memref_slice %arg6[%dma_start3A_479, %dma_start3A_480, %dma_start3A_481] : memref<10x128x32xf32, #tpu.memory_space<vmem>> -> memref<1x128x32xf32, #tpu.memory_space<vmem>>
    %dma_start3A_483 = tpu.memref_squeeze %dma_start3A_482 : memref<1x128x32xf32, #tpu.memory_space<vmem>> -> memref<128x32xf32, #tpu.memory_space<vmem>>
    %dma_start3A_484 = arith.constant 0 : i32
    %dma_start3A_485 = tpu.memref_slice %arg5[%dma_start3A_477, %dma_start3A_478, %dma_start3A_484] : memref<4x10x128xi32, #tpu.memory_space<vmem>> -> memref<1x1x128xi32, #tpu.memory_space<vmem>>
    %dma_start3A_486 = tpu.memref_squeeze %dma_start3A_485 : memref<1x1x128xi32, #tpu.memory_space<vmem>> -> memref<128xi32, #tpu.memory_space<vmem>>
    %dma_start3A_487 = arith.constant 0 : i32
    %dma_start3A_488 = arith.constant 0 : i32
    %dma_start3A_489 = tpu.memref_slice %arg3[%dma_start3A_487, %dma_start3A_488] : memref<1000000x32xf32, #tpu.memory_space<hbm>> -> memref<1000000x32xf32, #tpu.memory_space<hbm>>
    tpu.enqueue_indirect_dma source(%dma_start3A_489 : memref<1000000x32xf32, #tpu.memory_space<hbm>>) target(%dma_start3A_483 : memref<128x32xf32, #tpu.memory_space<vmem>>) offsets(%dma_start3A_486 : memref<128xi32, #tpu.memory_space<vmem>>) semaphore(%arg8 : memref<!tpu.dma_semaphore, #tpu.memory_space<semaphore_mem>>)
    %dma_start3A_490 = arith.constant 2 : i32
    %dma_start3A_491 = arith.constant 4 : i32
    %dma_start3A_492 = arith.constant 4 : i32
    %dma_start3A_493 = arith.constant 0 : i32
    %dma_start3A_494 = arith.constant 0 : i32
    %dma_start3A_495 = tpu.memref_slice %arg6[%dma_start3A_492, %dma_start3A_493, %dma_start3A_494] : memref<10x128x32xf32, #tpu.memory_space<vmem>> -> memref<1x128x32xf32, #tpu.memory_space<vmem>>
    %dma_start3A_496 = tpu.memref_squeeze %dma_start3A_495 : memref<1x128x32xf32, #tpu.memory_space<vmem>> -> memref<128x32xf32, #tpu.memory_space<vmem>>
    %dma_start3A_497 = arith.constant 0 : i32
    %dma_start3A_498 = tpu.memref_slice %arg5[%dma_start3A_490, %dma_start3A_491, %dma_start3A_497] : memref<4x10x128xi32, #tpu.memory_space<vmem>> -> memref<1x1x128xi32, #tpu.memory_space<vmem>>
    %dma_start3A_499 = tpu.memref_squeeze %dma_start3A_498 : memref<1x1x128xi32, #tpu.memory_space<vmem>> -> memref<128xi32, #tpu.memory_space<vmem>>
    %dma_start3A_500 = arith.constant 0 : i32
    %dma_start3A_501 = arith.constant 0 : i32
    %dma_start3A_502 = tpu.memref_slice %arg3[%dma_start3A_500, %dma_start3A_501] : memref<1000000x32xf32, #tpu.memory_space<hbm>> -> memref<1000000x32xf32, #tpu.memory_space<hbm>>
    tpu.enqueue_indirect_dma source(%dma_start3A_502 : memref<1000000x32xf32, #tpu.memory_space<hbm>>) target(%dma_start3A_496 : memref<128x32xf32, #tpu.memory_space<vmem>>) offsets(%dma_start3A_499 : memref<128xi32, #tpu.memory_space<vmem>>) semaphore(%arg8 : memref<!tpu.dma_semaphore, #tpu.memory_space<semaphore_mem>>)
    %dma_start3A_503 = arith.constant 2 : i32
    %dma_start3A_504 = arith.constant 5 : i32
    %dma_start3A_505 = arith.constant 5 : i32
    %dma_start3A_506 = arith.constant 0 : i32
    %dma_start3A_507 = arith.constant 0 : i32
    %dma_start3A_508 = tpu.memref_slice %arg6[%dma_start3A_505, %dma_start3A_506, %dma_start3A_507] : memref<10x128x32xf32, #tpu.memory_space<vmem>> -> memref<1x128x32xf32, #tpu.memory_space<vmem>>
    %dma_start3A_509 = tpu.memref_squeeze %dma_start3A_508 : memref<1x128x32xf32, #tpu.memory_space<vmem>> -> memref<128x32xf32, #tpu.memory_space<vmem>>
    %dma_start3A_510 = arith.constant 0 : i32
    %dma_start3A_511 = tpu.memref_slice %arg5[%dma_start3A_503, %dma_start3A_504, %dma_start3A_510] : memref<4x10x128xi32, #tpu.memory_space<vmem>> -> memref<1x1x128xi32, #tpu.memory_space<vmem>>
    %dma_start3A_512 = tpu.memref_squeeze %dma_start3A_511 : memref<1x1x128xi32, #tpu.memory_space<vmem>> -> memref<128xi32, #tpu.memory_space<vmem>>
    %dma_start3A_513 = arith.constant 0 : i32
    %dma_start3A_514 = arith.constant 0 : i32
    %dma_start3A_515 = tpu.memref_slice %arg3[%dma_start3A_513, %dma_start3A_514] : memref<1000000x32xf32, #tpu.memory_space<hbm>> -> memref<1000000x32xf32, #tpu.memory_space<hbm>>
    tpu.enqueue_indirect_dma source(%dma_start3A_515 : memref<1000000x32xf32, #tpu.memory_space<hbm>>) target(%dma_start3A_509 : memref<128x32xf32, #tpu.memory_space<vmem>>) offsets(%dma_start3A_512 : memref<128xi32, #tpu.memory_space<vmem>>) semaphore(%arg8 : memref<!tpu.dma_semaphore, #tpu.memory_space<semaphore_mem>>)
    %dma_start3A_516 = arith.constant 2 : i32
    %dma_start3A_517 = arith.constant 6 : i32
    %dma_start3A_518 = arith.constant 6 : i32
    %dma_start3A_519 = arith.constant 0 : i32
    %dma_start3A_520 = arith.constant 0 : i32
    %dma_start3A_521 = tpu.memref_slice %arg6[%dma_start3A_518, %dma_start3A_519, %dma_start3A_520] : memref<10x128x32xf32, #tpu.memory_space<vmem>> -> memref<1x128x32xf32, #tpu.memory_space<vmem>>
    %dma_start3A_522 = tpu.memref_squeeze %dma_start3A_521 : memref<1x128x32xf32, #tpu.memory_space<vmem>> -> memref<128x32xf32, #tpu.memory_space<vmem>>
    %dma_start3A_523 = arith.constant 0 : i32
    %dma_start3A_524 = tpu.memref_slice %arg5[%dma_start3A_516, %dma_start3A_517, %dma_start3A_523] : memref<4x10x128xi32, #tpu.memory_space<vmem>> -> memref<1x1x128xi32, #tpu.memory_space<vmem>>
    %dma_start3A_525 = tpu.memref_squeeze %dma_start3A_524 : memref<1x1x128xi32, #tpu.memory_space<vmem>> -> memref<128xi32, #tpu.memory_space<vmem>>
    %dma_start3A_526 = arith.constant 0 : i32
    %dma_start3A_527 = arith.constant 0 : i32
    %dma_start3A_528 = tpu.memref_slice %arg3[%dma_start3A_526, %dma_start3A_527] : memref<1000000x32xf32, #tpu.memory_space<hbm>> -> memref<1000000x32xf32, #tpu.memory_space<hbm>>
    tpu.enqueue_indirect_dma source(%dma_start3A_528 : memref<1000000x32xf32, #tpu.memory_space<hbm>>) target(%dma_start3A_522 : memref<128x32xf32, #tpu.memory_space<vmem>>) offsets(%dma_start3A_525 : memref<128xi32, #tpu.memory_space<vmem>>) semaphore(%arg8 : memref<!tpu.dma_semaphore, #tpu.memory_space<semaphore_mem>>)
    %dma_start3A_529 = arith.constant 2 : i32
    %dma_start3A_530 = arith.constant 7 : i32
    %dma_start3A_531 = arith.constant 7 : i32
    %dma_start3A_532 = arith.constant 0 : i32
    %dma_start3A_533 = arith.constant 0 : i32
    %dma_start3A_534 = tpu.memref_slice %arg6[%dma_start3A_531, %dma_start3A_532, %dma_start3A_533] : memref<10x128x32xf32, #tpu.memory_space<vmem>> -> memref<1x128x32xf32, #tpu.memory_space<vmem>>
    %dma_start3A_535 = tpu.memref_squeeze %dma_start3A_534 : memref<1x128x32xf32, #tpu.memory_space<vmem>> -> memref<128x32xf32, #tpu.memory_space<vmem>>
    %dma_start3A_536 = arith.constant 0 : i32
    %dma_start3A_537 = tpu.memref_slice %arg5[%dma_start3A_529, %dma_start3A_530, %dma_start3A_536] : memref<4x10x128xi32, #tpu.memory_space<vmem>> -> memref<1x1x128xi32, #tpu.memory_space<vmem>>
    %dma_start3A_538 = tpu.memref_squeeze %dma_start3A_537 : memref<1x1x128xi32, #tpu.memory_space<vmem>> -> memref<128xi32, #tpu.memory_space<vmem>>
    %dma_start3A_539 = arith.constant 0 : i32
    %dma_start3A_540 = arith.constant 0 : i32
    %dma_start3A_541 = tpu.memref_slice %arg3[%dma_start3A_539, %dma_start3A_540] : memref<1000000x32xf32, #tpu.memory_space<hbm>> -> memref<1000000x32xf32, #tpu.memory_space<hbm>>
    tpu.enqueue_indirect_dma source(%dma_start3A_541 : memref<1000000x32xf32, #tpu.memory_space<hbm>>) target(%dma_start3A_535 : memref<128x32xf32, #tpu.memory_space<vmem>>) offsets(%dma_start3A_538 : memref<128xi32, #tpu.memory_space<vmem>>) semaphore(%arg8 : memref<!tpu.dma_semaphore, #tpu.memory_space<semaphore_mem>>)
    %dma_start3A_542 = arith.constant 2 : i32
    %dma_start3A_543 = arith.constant 8 : i32
    %dma_start3A_544 = arith.constant 8 : i32
    %dma_start3A_545 = arith.constant 0 : i32
    %dma_start3A_546 = arith.constant 0 : i32
    %dma_start3A_547 = tpu.memref_slice %arg6[%dma_start3A_544, %dma_start3A_545, %dma_start3A_546] : memref<10x128x32xf32, #tpu.memory_space<vmem>> -> memref<1x128x32xf32, #tpu.memory_space<vmem>>
    %dma_start3A_548 = tpu.memref_squeeze %dma_start3A_547 : memref<1x128x32xf32, #tpu.memory_space<vmem>> -> memref<128x32xf32, #tpu.memory_space<vmem>>
    %dma_start3A_549 = arith.constant 0 : i32
    %dma_start3A_550 = tpu.memref_slice %arg5[%dma_start3A_542, %dma_start3A_543, %dma_start3A_549] : memref<4x10x128xi32, #tpu.memory_space<vmem>> -> memref<1x1x128xi32, #tpu.memory_space<vmem>>
    %dma_start3A_551 = tpu.memref_squeeze %dma_start3A_550 : memref<1x1x128xi32, #tpu.memory_space<vmem>> -> memref<128xi32, #tpu.memory_space<vmem>>
    %dma_start3A_552 = arith.constant 0 : i32
    %dma_start3A_553 = arith.constant 0 : i32
    %dma_start3A_554 = tpu.memref_slice %arg3[%dma_start3A_552, %dma_start3A_553] : memref<1000000x32xf32, #tpu.memory_space<hbm>> -> memref<1000000x32xf32, #tpu.memory_space<hbm>>
    tpu.enqueue_indirect_dma source(%dma_start3A_554 : memref<1000000x32xf32, #tpu.memory_space<hbm>>) target(%dma_start3A_548 : memref<128x32xf32, #tpu.memory_space<vmem>>) offsets(%dma_start3A_551 : memref<128xi32, #tpu.memory_space<vmem>>) semaphore(%arg8 : memref<!tpu.dma_semaphore, #tpu.memory_space<semaphore_mem>>)
    %dma_start3A_555 = arith.constant 2 : i32
    %dma_start3A_556 = arith.constant 9 : i32
    %dma_start3A_557 = arith.constant 9 : i32
    %dma_start3A_558 = arith.constant 0 : i32
    %dma_start3A_559 = arith.constant 0 : i32
    %dma_start3A_560 = tpu.memref_slice %arg6[%dma_start3A_557, %dma_start3A_558, %dma_start3A_559] : memref<10x128x32xf32, #tpu.memory_space<vmem>> -> memref<1x128x32xf32, #tpu.memory_space<vmem>>
    %dma_start3A_561 = tpu.memref_squeeze %dma_start3A_560 : memref<1x128x32xf32, #tpu.memory_space<vmem>> -> memref<128x32xf32, #tpu.memory_space<vmem>>
    %dma_start3A_562 = arith.constant 0 : i32
    %dma_start3A_563 = tpu.memref_slice %arg5[%dma_start3A_555, %dma_start3A_556, %dma_start3A_562] : memref<4x10x128xi32, #tpu.memory_space<vmem>> -> memref<1x1x128xi32, #tpu.memory_space<vmem>>
    %dma_start3A_564 = tpu.memref_squeeze %dma_start3A_563 : memref<1x1x128xi32, #tpu.memory_space<vmem>> -> memref<128xi32, #tpu.memory_space<vmem>>
    %dma_start3A_565 = arith.constant 0 : i32
    %dma_start3A_566 = arith.constant 0 : i32
    %dma_start3A_567 = tpu.memref_slice %arg3[%dma_start3A_565, %dma_start3A_566] : memref<1000000x32xf32, #tpu.memory_space<hbm>> -> memref<1000000x32xf32, #tpu.memory_space<hbm>>
    tpu.enqueue_indirect_dma source(%dma_start3A_567 : memref<1000000x32xf32, #tpu.memory_space<hbm>>) target(%dma_start3A_561 : memref<128x32xf32, #tpu.memory_space<vmem>>) offsets(%dma_start3A_564 : memref<128xi32, #tpu.memory_space<vmem>>) semaphore(%arg8 : memref<!tpu.dma_semaphore, #tpu.memory_space<semaphore_mem>>)
    %dma_wait3A_568 = arith.constant 1 : i32
    %dma_wait3A_569 = arith.constant 0 : i32
    %dma_wait3A_570 = arith.constant 0 : i32
    %dma_wait3A_571 = arith.constant 0 : i32
    %dma_wait3A_572 = arith.constant 0 : i32
    %dma_wait3A_573 = tpu.memref_slice %arg7[%dma_wait3A_570, %dma_wait3A_571, %dma_wait3A_572] : memref<10x128x32xf32, #tpu.memory_space<vmem>> -> memref<1x128x32xf32, #tpu.memory_space<vmem>>
    %dma_wait3A_574 = tpu.memref_squeeze %dma_wait3A_573 : memref<1x128x32xf32, #tpu.memory_space<vmem>> -> memref<128x32xf32, #tpu.memory_space<vmem>>
    %dma_wait3A_575 = arith.constant 0 : i32
    %dma_wait3A_576 = tpu.memref_slice %arg5[%dma_wait3A_568, %dma_wait3A_569, %dma_wait3A_575] : memref<4x10x128xi32, #tpu.memory_space<vmem>> -> memref<1x1x128xi32, #tpu.memory_space<vmem>>
    %dma_wait3A_577 = tpu.memref_squeeze %dma_wait3A_576 : memref<1x1x128xi32, #tpu.memory_space<vmem>> -> memref<128xi32, #tpu.memory_space<vmem>>
    %dma_wait3A_578 = arith.constant 0 : i32
    %dma_wait3A_579 = arith.constant 0 : i32
    %dma_wait3A_580 = tpu.memref_slice %arg3[%dma_wait3A_578, %dma_wait3A_579] : memref<1000000x32xf32, #tpu.memory_space<hbm>> -> memref<1000000x32xf32, #tpu.memory_space<hbm>>
    tpu.wait_indirect_dma semaphore(%arg9 : memref<!tpu.dma_semaphore, #tpu.memory_space<semaphore_mem>>) src(%dma_wait3A_580 : memref<1000000x32xf32, #tpu.memory_space<hbm>>) dst(%dma_wait3A_574 : memref<128x32xf32, #tpu.memory_space<vmem>>)
    %dma_wait3A_581 = arith.constant 1 : i32
    %dma_wait3A_582 = arith.constant 1 : i32
    %dma_wait3A_583 = arith.constant 1 : i32
    %dma_wait3A_584 = arith.constant 0 : i32
    %dma_wait3A_585 = arith.constant 0 : i32
    %dma_wait3A_586 = tpu.memref_slice %arg7[%dma_wait3A_583, %dma_wait3A_584, %dma_wait3A_585] : memref<10x128x32xf32, #tpu.memory_space<vmem>> -> memref<1x128x32xf32, #tpu.memory_space<vmem>>
    %dma_wait3A_587 = tpu.memref_squeeze %dma_wait3A_586 : memref<1x128x32xf32, #tpu.memory_space<vmem>> -> memref<128x32xf32, #tpu.memory_space<vmem>>
    %dma_wait3A_588 = arith.constant 0 : i32
    %dma_wait3A_589 = tpu.memref_slice %arg5[%dma_wait3A_581, %dma_wait3A_582, %dma_wait3A_588] : memref<4x10x128xi32, #tpu.memory_space<vmem>> -> memref<1x1x128xi32, #tpu.memory_space<vmem>>
    %dma_wait3A_590 = tpu.memref_squeeze %dma_wait3A_589 : memref<1x1x128xi32, #tpu.memory_space<vmem>> -> memref<128xi32, #tpu.memory_space<vmem>>
    %dma_wait3A_591 = arith.constant 0 : i32
    %dma_wait3A_592 = arith.constant 0 : i32
    %dma_wait3A_593 = tpu.memref_slice %arg3[%dma_wait3A_591, %dma_wait3A_592] : memref<1000000x32xf32, #tpu.memory_space<hbm>> -> memref<1000000x32xf32, #tpu.memory_space<hbm>>
    tpu.wait_indirect_dma semaphore(%arg9 : memref<!tpu.dma_semaphore, #tpu.memory_space<semaphore_mem>>) src(%dma_wait3A_593 : memref<1000000x32xf32, #tpu.memory_space<hbm>>) dst(%dma_wait3A_587 : memref<128x32xf32, #tpu.memory_space<vmem>>)
    %dma_wait3A_594 = arith.constant 1 : i32
    %dma_wait3A_595 = arith.constant 2 : i32
    %dma_wait3A_596 = arith.constant 2 : i32
    %dma_wait3A_597 = arith.constant 0 : i32
    %dma_wait3A_598 = arith.constant 0 : i32
    %dma_wait3A_599 = tpu.memref_slice %arg7[%dma_wait3A_596, %dma_wait3A_597, %dma_wait3A_598] : memref<10x128x32xf32, #tpu.memory_space<vmem>> -> memref<1x128x32xf32, #tpu.memory_space<vmem>>
    %dma_wait3A_600 = tpu.memref_squeeze %dma_wait3A_599 : memref<1x128x32xf32, #tpu.memory_space<vmem>> -> memref<128x32xf32, #tpu.memory_space<vmem>>
    %dma_wait3A_601 = arith.constant 0 : i32
    %dma_wait3A_602 = tpu.memref_slice %arg5[%dma_wait3A_594, %dma_wait3A_595, %dma_wait3A_601] : memref<4x10x128xi32, #tpu.memory_space<vmem>> -> memref<1x1x128xi32, #tpu.memory_space<vmem>>
    %dma_wait3A_603 = tpu.memref_squeeze %dma_wait3A_602 : memref<1x1x128xi32, #tpu.memory_space<vmem>> -> memref<128xi32, #tpu.memory_space<vmem>>
    %dma_wait3A_604 = arith.constant 0 : i32
    %dma_wait3A_605 = arith.constant 0 : i32
    %dma_wait3A_606 = tpu.memref_slice %arg3[%dma_wait3A_604, %dma_wait3A_605] : memref<1000000x32xf32, #tpu.memory_space<hbm>> -> memref<1000000x32xf32, #tpu.memory_space<hbm>>
    tpu.wait_indirect_dma semaphore(%arg9 : memref<!tpu.dma_semaphore, #tpu.memory_space<semaphore_mem>>) src(%dma_wait3A_606 : memref<1000000x32xf32, #tpu.memory_space<hbm>>) dst(%dma_wait3A_600 : memref<128x32xf32, #tpu.memory_space<vmem>>)
    %dma_wait3A_607 = arith.constant 1 : i32
    %dma_wait3A_608 = arith.constant 3 : i32
    %dma_wait3A_609 = arith.constant 3 : i32
    %dma_wait3A_610 = arith.constant 0 : i32
    %dma_wait3A_611 = arith.constant 0 : i32
    %dma_wait3A_612 = tpu.memref_slice %arg7[%dma_wait3A_609, %dma_wait3A_610, %dma_wait3A_611] : memref<10x128x32xf32, #tpu.memory_space<vmem>> -> memref<1x128x32xf32, #tpu.memory_space<vmem>>
    %dma_wait3A_613 = tpu.memref_squeeze %dma_wait3A_612 : memref<1x128x32xf32, #tpu.memory_space<vmem>> -> memref<128x32xf32, #tpu.memory_space<vmem>>
    %dma_wait3A_614 = arith.constant 0 : i32
    %dma_wait3A_615 = tpu.memref_slice %arg5[%dma_wait3A_607, %dma_wait3A_608, %dma_wait3A_614] : memref<4x10x128xi32, #tpu.memory_space<vmem>> -> memref<1x1x128xi32, #tpu.memory_space<vmem>>
    %dma_wait3A_616 = tpu.memref_squeeze %dma_wait3A_615 : memref<1x1x128xi32, #tpu.memory_space<vmem>> -> memref<128xi32, #tpu.memory_space<vmem>>
    %dma_wait3A_617 = arith.constant 0 : i32
    %dma_wait3A_618 = arith.constant 0 : i32
    %dma_wait3A_619 = tpu.memref_slice %arg3[%dma_wait3A_617, %dma_wait3A_618] : memref<1000000x32xf32, #tpu.memory_space<hbm>> -> memref<1000000x32xf32, #tpu.memory_space<hbm>>
    tpu.wait_indirect_dma semaphore(%arg9 : memref<!tpu.dma_semaphore, #tpu.memory_space<semaphore_mem>>) src(%dma_wait3A_619 : memref<1000000x32xf32, #tpu.memory_space<hbm>>) dst(%dma_wait3A_613 : memref<128x32xf32, #tpu.memory_space<vmem>>)
    %dma_wait3A_620 = arith.constant 1 : i32
    %dma_wait3A_621 = arith.constant 4 : i32
    %dma_wait3A_622 = arith.constant 4 : i32
    %dma_wait3A_623 = arith.constant 0 : i32
    %dma_wait3A_624 = arith.constant 0 : i32
    %dma_wait3A_625 = tpu.memref_slice %arg7[%dma_wait3A_622, %dma_wait3A_623, %dma_wait3A_624] : memref<10x128x32xf32, #tpu.memory_space<vmem>> -> memref<1x128x32xf32, #tpu.memory_space<vmem>>
    %dma_wait3A_626 = tpu.memref_squeeze %dma_wait3A_625 : memref<1x128x32xf32, #tpu.memory_space<vmem>> -> memref<128x32xf32, #tpu.memory_space<vmem>>
    %dma_wait3A_627 = arith.constant 0 : i32
    %dma_wait3A_628 = tpu.memref_slice %arg5[%dma_wait3A_620, %dma_wait3A_621, %dma_wait3A_627] : memref<4x10x128xi32, #tpu.memory_space<vmem>> -> memref<1x1x128xi32, #tpu.memory_space<vmem>>
    %dma_wait3A_629 = tpu.memref_squeeze %dma_wait3A_628 : memref<1x1x128xi32, #tpu.memory_space<vmem>> -> memref<128xi32, #tpu.memory_space<vmem>>
    %dma_wait3A_630 = arith.constant 0 : i32
    %dma_wait3A_631 = arith.constant 0 : i32
    %dma_wait3A_632 = tpu.memref_slice %arg3[%dma_wait3A_630, %dma_wait3A_631] : memref<1000000x32xf32, #tpu.memory_space<hbm>> -> memref<1000000x32xf32, #tpu.memory_space<hbm>>
    tpu.wait_indirect_dma semaphore(%arg9 : memref<!tpu.dma_semaphore, #tpu.memory_space<semaphore_mem>>) src(%dma_wait3A_632 : memref<1000000x32xf32, #tpu.memory_space<hbm>>) dst(%dma_wait3A_626 : memref<128x32xf32, #tpu.memory_space<vmem>>)
    %dma_wait3A_633 = arith.constant 1 : i32
    %dma_wait3A_634 = arith.constant 5 : i32
    %dma_wait3A_635 = arith.constant 5 : i32
    %dma_wait3A_636 = arith.constant 0 : i32
    %dma_wait3A_637 = arith.constant 0 : i32
    %dma_wait3A_638 = tpu.memref_slice %arg7[%dma_wait3A_635, %dma_wait3A_636, %dma_wait3A_637] : memref<10x128x32xf32, #tpu.memory_space<vmem>> -> memref<1x128x32xf32, #tpu.memory_space<vmem>>
    %dma_wait3A_639 = tpu.memref_squeeze %dma_wait3A_638 : memref<1x128x32xf32, #tpu.memory_space<vmem>> -> memref<128x32xf32, #tpu.memory_space<vmem>>
    %dma_wait3A_640 = arith.constant 0 : i32
    %dma_wait3A_641 = tpu.memref_slice %arg5[%dma_wait3A_633, %dma_wait3A_634, %dma_wait3A_640] : memref<4x10x128xi32, #tpu.memory_space<vmem>> -> memref<1x1x128xi32, #tpu.memory_space<vmem>>
    %dma_wait3A_642 = tpu.memref_squeeze %dma_wait3A_641 : memref<1x1x128xi32, #tpu.memory_space<vmem>> -> memref<128xi32, #tpu.memory_space<vmem>>
    %dma_wait3A_643 = arith.constant 0 : i32
    %dma_wait3A_644 = arith.constant 0 : i32
    %dma_wait3A_645 = tpu.memref_slice %arg3[%dma_wait3A_643, %dma_wait3A_644] : memref<1000000x32xf32, #tpu.memory_space<hbm>> -> memref<1000000x32xf32, #tpu.memory_space<hbm>>
    tpu.wait_indirect_dma semaphore(%arg9 : memref<!tpu.dma_semaphore, #tpu.memory_space<semaphore_mem>>) src(%dma_wait3A_645 : memref<1000000x32xf32, #tpu.memory_space<hbm>>) dst(%dma_wait3A_639 : memref<128x32xf32, #tpu.memory_space<vmem>>)
    %dma_wait3A_646 = arith.constant 1 : i32
    %dma_wait3A_647 = arith.constant 6 : i32
    %dma_wait3A_648 = arith.constant 6 : i32
    %dma_wait3A_649 = arith.constant 0 : i32
    %dma_wait3A_650 = arith.constant 0 : i32
    %dma_wait3A_651 = tpu.memref_slice %arg7[%dma_wait3A_648, %dma_wait3A_649, %dma_wait3A_650] : memref<10x128x32xf32, #tpu.memory_space<vmem>> -> memref<1x128x32xf32, #tpu.memory_space<vmem>>
    %dma_wait3A_652 = tpu.memref_squeeze %dma_wait3A_651 : memref<1x128x32xf32, #tpu.memory_space<vmem>> -> memref<128x32xf32, #tpu.memory_space<vmem>>
    %dma_wait3A_653 = arith.constant 0 : i32
    %dma_wait3A_654 = tpu.memref_slice %arg5[%dma_wait3A_646, %dma_wait3A_647, %dma_wait3A_653] : memref<4x10x128xi32, #tpu.memory_space<vmem>> -> memref<1x1x128xi32, #tpu.memory_space<vmem>>
    %dma_wait3A_655 = tpu.memref_squeeze %dma_wait3A_654 : memref<1x1x128xi32, #tpu.memory_space<vmem>> -> memref<128xi32, #tpu.memory_space<vmem>>
    %dma_wait3A_656 = arith.constant 0 : i32
    %dma_wait3A_657 = arith.constant 0 : i32
    %dma_wait3A_658 = tpu.memref_slice %arg3[%dma_wait3A_656, %dma_wait3A_657] : memref<1000000x32xf32, #tpu.memory_space<hbm>> -> memref<1000000x32xf32, #tpu.memory_space<hbm>>
    tpu.wait_indirect_dma semaphore(%arg9 : memref<!tpu.dma_semaphore, #tpu.memory_space<semaphore_mem>>) src(%dma_wait3A_658 : memref<1000000x32xf32, #tpu.memory_space<hbm>>) dst(%dma_wait3A_652 : memref<128x32xf32, #tpu.memory_space<vmem>>)
    %dma_wait3A_659 = arith.constant 1 : i32
    %dma_wait3A_660 = arith.constant 7 : i32
    %dma_wait3A_661 = arith.constant 7 : i32
    %dma_wait3A_662 = arith.constant 0 : i32
    %dma_wait3A_663 = arith.constant 0 : i32
    %dma_wait3A_664 = tpu.memref_slice %arg7[%dma_wait3A_661, %dma_wait3A_662, %dma_wait3A_663] : memref<10x128x32xf32, #tpu.memory_space<vmem>> -> memref<1x128x32xf32, #tpu.memory_space<vmem>>
    %dma_wait3A_665 = tpu.memref_squeeze %dma_wait3A_664 : memref<1x128x32xf32, #tpu.memory_space<vmem>> -> memref<128x32xf32, #tpu.memory_space<vmem>>
    %dma_wait3A_666 = arith.constant 0 : i32
    %dma_wait3A_667 = tpu.memref_slice %arg5[%dma_wait3A_659, %dma_wait3A_660, %dma_wait3A_666] : memref<4x10x128xi32, #tpu.memory_space<vmem>> -> memref<1x1x128xi32, #tpu.memory_space<vmem>>
    %dma_wait3A_668 = tpu.memref_squeeze %dma_wait3A_667 : memref<1x1x128xi32, #tpu.memory_space<vmem>> -> memref<128xi32, #tpu.memory_space<vmem>>
    %dma_wait3A_669 = arith.constant 0 : i32
    %dma_wait3A_670 = arith.constant 0 : i32
    %dma_wait3A_671 = tpu.memref_slice %arg3[%dma_wait3A_669, %dma_wait3A_670] : memref<1000000x32xf32, #tpu.memory_space<hbm>> -> memref<1000000x32xf32, #tpu.memory_space<hbm>>
    tpu.wait_indirect_dma semaphore(%arg9 : memref<!tpu.dma_semaphore, #tpu.memory_space<semaphore_mem>>) src(%dma_wait3A_671 : memref<1000000x32xf32, #tpu.memory_space<hbm>>) dst(%dma_wait3A_665 : memref<128x32xf32, #tpu.memory_space<vmem>>)
    %dma_wait3A_672 = arith.constant 1 : i32
    %dma_wait3A_673 = arith.constant 8 : i32
    %dma_wait3A_674 = arith.constant 8 : i32
    %dma_wait3A_675 = arith.constant 0 : i32
    %dma_wait3A_676 = arith.constant 0 : i32
    %dma_wait3A_677 = tpu.memref_slice %arg7[%dma_wait3A_674, %dma_wait3A_675, %dma_wait3A_676] : memref<10x128x32xf32, #tpu.memory_space<vmem>> -> memref<1x128x32xf32, #tpu.memory_space<vmem>>
    %dma_wait3A_678 = tpu.memref_squeeze %dma_wait3A_677 : memref<1x128x32xf32, #tpu.memory_space<vmem>> -> memref<128x32xf32, #tpu.memory_space<vmem>>
    %dma_wait3A_679 = arith.constant 0 : i32
    %dma_wait3A_680 = tpu.memref_slice %arg5[%dma_wait3A_672, %dma_wait3A_673, %dma_wait3A_679] : memref<4x10x128xi32, #tpu.memory_space<vmem>> -> memref<1x1x128xi32, #tpu.memory_space<vmem>>
    %dma_wait3A_681 = tpu.memref_squeeze %dma_wait3A_680 : memref<1x1x128xi32, #tpu.memory_space<vmem>> -> memref<128xi32, #tpu.memory_space<vmem>>
    %dma_wait3A_682 = arith.constant 0 : i32
    %dma_wait3A_683 = arith.constant 0 : i32
    %dma_wait3A_684 = tpu.memref_slice %arg3[%dma_wait3A_682, %dma_wait3A_683] : memref<1000000x32xf32, #tpu.memory_space<hbm>> -> memref<1000000x32xf32, #tpu.memory_space<hbm>>
    tpu.wait_indirect_dma semaphore(%arg9 : memref<!tpu.dma_semaphore, #tpu.memory_space<semaphore_mem>>) src(%dma_wait3A_684 : memref<1000000x32xf32, #tpu.memory_space<hbm>>) dst(%dma_wait3A_678 : memref<128x32xf32, #tpu.memory_space<vmem>>)
    %dma_wait3A_685 = arith.constant 1 : i32
    %dma_wait3A_686 = arith.constant 9 : i32
    %dma_wait3A_687 = arith.constant 9 : i32
    %dma_wait3A_688 = arith.constant 0 : i32
    %dma_wait3A_689 = arith.constant 0 : i32
    %dma_wait3A_690 = tpu.memref_slice %arg7[%dma_wait3A_687, %dma_wait3A_688, %dma_wait3A_689] : memref<10x128x32xf32, #tpu.memory_space<vmem>> -> memref<1x128x32xf32, #tpu.memory_space<vmem>>
    %dma_wait3A_691 = tpu.memref_squeeze %dma_wait3A_690 : memref<1x128x32xf32, #tpu.memory_space<vmem>> -> memref<128x32xf32, #tpu.memory_space<vmem>>
    %dma_wait3A_692 = arith.constant 0 : i32
    %dma_wait3A_693 = tpu.memref_slice %arg5[%dma_wait3A_685, %dma_wait3A_686, %dma_wait3A_692] : memref<4x10x128xi32, #tpu.memory_space<vmem>> -> memref<1x1x128xi32, #tpu.memory_space<vmem>>
    %dma_wait3A_694 = tpu.memref_squeeze %dma_wait3A_693 : memref<1x1x128xi32, #tpu.memory_space<vmem>> -> memref<128xi32, #tpu.memory_space<vmem>>
    %dma_wait3A_695 = arith.constant 0 : i32
    %dma_wait3A_696 = arith.constant 0 : i32
    %dma_wait3A_697 = tpu.memref_slice %arg3[%dma_wait3A_695, %dma_wait3A_696] : memref<1000000x32xf32, #tpu.memory_space<hbm>> -> memref<1000000x32xf32, #tpu.memory_space<hbm>>
    tpu.wait_indirect_dma semaphore(%arg9 : memref<!tpu.dma_semaphore, #tpu.memory_space<semaphore_mem>>) src(%dma_wait3A_697 : memref<1000000x32xf32, #tpu.memory_space<hbm>>) dst(%dma_wait3A_691 : memref<128x32xf32, #tpu.memory_space<vmem>>)
    %mul3A_698 = arith.constant 4 : i32
    %mul3A_699 = arith.muli %mul3A_698, %add3A : i32
    %add3A_700 = arith.constant 1 : i32
    %add3A_701 = arith.addi %mul3A_699, %add3A_700 : i32
    %mul3A_702 = arith.constant 128 : i32
    %mul3A_703 = arith.muli %add3A_701, %mul3A_702 : i32
    %dma_start3A_704 = arith.constant 0 : i32
    %dma_start3A_705 = arith.constant 0 : i32
    %dma_start3A_706 = tpu.memref_slice %arg4[%dma_start3A_704, %mul3A_703, %dma_start3A_705] : memref<10x16384x32xf32, #tpu.memory_space<hbm>> -> memref<10x128x32xf32, #tpu.memory_space<hbm>>
    %dma_start3A_707 = arith.constant 0 : i32
    %dma_start3A_708 = arith.constant 0 : i32
    %dma_start3A_709 = tpu.memref_slice %arg4[%dma_start3A_707, %mul3A_703, %dma_start3A_708] : memref<10x16384x32xf32, #tpu.memory_space<hbm>> -> memref<10x128x32xf32, #tpu.memory_space<hbm>>
    tpu.enqueue_dma source(%arg7 : memref<10x128x32xf32, #tpu.memory_space<vmem>>) target(%dma_start3A_709 : memref<10x128x32xf32, #tpu.memory_space<hbm>>) target_semaphore(%arg11 : memref<!tpu.dma_semaphore, #tpu.memory_space<semaphore_mem>>)
    %dma_wait3A_710 = arith.constant 0 : i32
    %dma_wait3A_711 = arith.constant 0 : i32
    %dma_wait3A_712 = tpu.memref_slice %arg4[%dma_wait3A_710, %mul3A_703, %dma_wait3A_711] : memref<10x16384x32xf32, #tpu.memory_space<hbm>> -> memref<10x128x32xf32, #tpu.memory_space<hbm>>
    %dma_wait3A_713 = arith.constant 0 : i32
    %dma_wait3A_714 = arith.constant 0 : i32
    %dma_wait3A_715 = tpu.memref_slice %arg4[%dma_wait3A_713, %mul3A_703, %dma_wait3A_714] : memref<10x16384x32xf32, #tpu.memory_space<hbm>> -> memref<10x128x32xf32, #tpu.memory_space<hbm>>
    tpu.wait_dma2 semaphore(%arg11 : memref<!tpu.dma_semaphore, #tpu.memory_space<semaphore_mem>>) src(%arg7 : memref<10x128x32xf32, #tpu.memory_space<vmem>>) dst(%dma_wait3A_715 : memref<10x128x32xf32, #tpu.memory_space<hbm>>)
    %dma_start3A_716 = arith.constant 3 : i32
    %dma_start3A_717 = arith.constant 0 : i32
    %dma_start3A_718 = arith.constant 0 : i32
    %dma_start3A_719 = arith.constant 0 : i32
    %dma_start3A_720 = arith.constant 0 : i32
    %dma_start3A_721 = tpu.memref_slice %arg7[%dma_start3A_718, %dma_start3A_719, %dma_start3A_720] : memref<10x128x32xf32, #tpu.memory_space<vmem>> -> memref<1x128x32xf32, #tpu.memory_space<vmem>>
    %dma_start3A_722 = tpu.memref_squeeze %dma_start3A_721 : memref<1x128x32xf32, #tpu.memory_space<vmem>> -> memref<128x32xf32, #tpu.memory_space<vmem>>
    %dma_start3A_723 = arith.constant 0 : i32
    %dma_start3A_724 = tpu.memref_slice %arg5[%dma_start3A_716, %dma_start3A_717, %dma_start3A_723] : memref<4x10x128xi32, #tpu.memory_space<vmem>> -> memref<1x1x128xi32, #tpu.memory_space<vmem>>
    %dma_start3A_725 = tpu.memref_squeeze %dma_start3A_724 : memref<1x1x128xi32, #tpu.memory_space<vmem>> -> memref<128xi32, #tpu.memory_space<vmem>>
    %dma_start3A_726 = arith.constant 0 : i32
    %dma_start3A_727 = arith.constant 0 : i32
    %dma_start3A_728 = tpu.memref_slice %arg3[%dma_start3A_726, %dma_start3A_727] : memref<1000000x32xf32, #tpu.memory_space<hbm>> -> memref<1000000x32xf32, #tpu.memory_space<hbm>>
    tpu.enqueue_indirect_dma source(%dma_start3A_728 : memref<1000000x32xf32, #tpu.memory_space<hbm>>) target(%dma_start3A_722 : memref<128x32xf32, #tpu.memory_space<vmem>>) offsets(%dma_start3A_725 : memref<128xi32, #tpu.memory_space<vmem>>) semaphore(%arg9 : memref<!tpu.dma_semaphore, #tpu.memory_space<semaphore_mem>>)
    %dma_start3A_729 = arith.constant 3 : i32
    %dma_start3A_730 = arith.constant 1 : i32
    %dma_start3A_731 = arith.constant 1 : i32
    %dma_start3A_732 = arith.constant 0 : i32
    %dma_start3A_733 = arith.constant 0 : i32
    %dma_start3A_734 = tpu.memref_slice %arg7[%dma_start3A_731, %dma_start3A_732, %dma_start3A_733] : memref<10x128x32xf32, #tpu.memory_space<vmem>> -> memref<1x128x32xf32, #tpu.memory_space<vmem>>
    %dma_start3A_735 = tpu.memref_squeeze %dma_start3A_734 : memref<1x128x32xf32, #tpu.memory_space<vmem>> -> memref<128x32xf32, #tpu.memory_space<vmem>>
    %dma_start3A_736 = arith.constant 0 : i32
    %dma_start3A_737 = tpu.memref_slice %arg5[%dma_start3A_729, %dma_start3A_730, %dma_start3A_736] : memref<4x10x128xi32, #tpu.memory_space<vmem>> -> memref<1x1x128xi32, #tpu.memory_space<vmem>>
    %dma_start3A_738 = tpu.memref_squeeze %dma_start3A_737 : memref<1x1x128xi32, #tpu.memory_space<vmem>> -> memref<128xi32, #tpu.memory_space<vmem>>
    %dma_start3A_739 = arith.constant 0 : i32
    %dma_start3A_740 = arith.constant 0 : i32
    %dma_start3A_741 = tpu.memref_slice %arg3[%dma_start3A_739, %dma_start3A_740] : memref<1000000x32xf32, #tpu.memory_space<hbm>> -> memref<1000000x32xf32, #tpu.memory_space<hbm>>
    tpu.enqueue_indirect_dma source(%dma_start3A_741 : memref<1000000x32xf32, #tpu.memory_space<hbm>>) target(%dma_start3A_735 : memref<128x32xf32, #tpu.memory_space<vmem>>) offsets(%dma_start3A_738 : memref<128xi32, #tpu.memory_space<vmem>>) semaphore(%arg9 : memref<!tpu.dma_semaphore, #tpu.memory_space<semaphore_mem>>)
    %dma_start3A_742 = arith.constant 3 : i32
    %dma_start3A_743 = arith.constant 2 : i32
    %dma_start3A_744 = arith.constant 2 : i32
    %dma_start3A_745 = arith.constant 0 : i32
    %dma_start3A_746 = arith.constant 0 : i32
    %dma_start3A_747 = tpu.memref_slice %arg7[%dma_start3A_744, %dma_start3A_745, %dma_start3A_746] : memref<10x128x32xf32, #tpu.memory_space<vmem>> -> memref<1x128x32xf32, #tpu.memory_space<vmem>>
    %dma_start3A_748 = tpu.memref_squeeze %dma_start3A_747 : memref<1x128x32xf32, #tpu.memory_space<vmem>> -> memref<128x32xf32, #tpu.memory_space<vmem>>
    %dma_start3A_749 = arith.constant 0 : i32
    %dma_start3A_750 = tpu.memref_slice %arg5[%dma_start3A_742, %dma_start3A_743, %dma_start3A_749] : memref<4x10x128xi32, #tpu.memory_space<vmem>> -> memref<1x1x128xi32, #tpu.memory_space<vmem>>
    %dma_start3A_751 = tpu.memref_squeeze %dma_start3A_750 : memref<1x1x128xi32, #tpu.memory_space<vmem>> -> memref<128xi32, #tpu.memory_space<vmem>>
    %dma_start3A_752 = arith.constant 0 : i32
    %dma_start3A_753 = arith.constant 0 : i32
    %dma_start3A_754 = tpu.memref_slice %arg3[%dma_start3A_752, %dma_start3A_753] : memref<1000000x32xf32, #tpu.memory_space<hbm>> -> memref<1000000x32xf32, #tpu.memory_space<hbm>>
    tpu.enqueue_indirect_dma source(%dma_start3A_754 : memref<1000000x32xf32, #tpu.memory_space<hbm>>) target(%dma_start3A_748 : memref<128x32xf32, #tpu.memory_space<vmem>>) offsets(%dma_start3A_751 : memref<128xi32, #tpu.memory_space<vmem>>) semaphore(%arg9 : memref<!tpu.dma_semaphore, #tpu.memory_space<semaphore_mem>>)
    %dma_start3A_755 = arith.constant 3 : i32
    %dma_start3A_756 = arith.constant 3 : i32
    %dma_start3A_757 = arith.constant 3 : i32
    %dma_start3A_758 = arith.constant 0 : i32
    %dma_start3A_759 = arith.constant 0 : i32
    %dma_start3A_760 = tpu.memref_slice %arg7[%dma_start3A_757, %dma_start3A_758, %dma_start3A_759] : memref<10x128x32xf32, #tpu.memory_space<vmem>> -> memref<1x128x32xf32, #tpu.memory_space<vmem>>
    %dma_start3A_761 = tpu.memref_squeeze %dma_start3A_760 : memref<1x128x32xf32, #tpu.memory_space<vmem>> -> memref<128x32xf32, #tpu.memory_space<vmem>>
    %dma_start3A_762 = arith.constant 0 : i32
    %dma_start3A_763 = tpu.memref_slice %arg5[%dma_start3A_755, %dma_start3A_756, %dma_start3A_762] : memref<4x10x128xi32, #tpu.memory_space<vmem>> -> memref<1x1x128xi32, #tpu.memory_space<vmem>>
    %dma_start3A_764 = tpu.memref_squeeze %dma_start3A_763 : memref<1x1x128xi32, #tpu.memory_space<vmem>> -> memref<128xi32, #tpu.memory_space<vmem>>
    %dma_start3A_765 = arith.constant 0 : i32
    %dma_start3A_766 = arith.constant 0 : i32
    %dma_start3A_767 = tpu.memref_slice %arg3[%dma_start3A_765, %dma_start3A_766] : memref<1000000x32xf32, #tpu.memory_space<hbm>> -> memref<1000000x32xf32, #tpu.memory_space<hbm>>
    tpu.enqueue_indirect_dma source(%dma_start3A_767 : memref<1000000x32xf32, #tpu.memory_space<hbm>>) target(%dma_start3A_761 : memref<128x32xf32, #tpu.memory_space<vmem>>) offsets(%dma_start3A_764 : memref<128xi32, #tpu.memory_space<vmem>>) semaphore(%arg9 : memref<!tpu.dma_semaphore, #tpu.memory_space<semaphore_mem>>)
    %dma_start3A_768 = arith.constant 3 : i32
    %dma_start3A_769 = arith.constant 4 : i32
    %dma_start3A_770 = arith.constant 4 : i32
    %dma_start3A_771 = arith.constant 0 : i32
    %dma_start3A_772 = arith.constant 0 : i32
    %dma_start3A_773 = tpu.memref_slice %arg7[%dma_start3A_770, %dma_start3A_771, %dma_start3A_772] : memref<10x128x32xf32, #tpu.memory_space<vmem>> -> memref<1x128x32xf32, #tpu.memory_space<vmem>>
    %dma_start3A_774 = tpu.memref_squeeze %dma_start3A_773 : memref<1x128x32xf32, #tpu.memory_space<vmem>> -> memref<128x32xf32, #tpu.memory_space<vmem>>
    %dma_start3A_775 = arith.constant 0 : i32
    %dma_start3A_776 = tpu.memref_slice %arg5[%dma_start3A_768, %dma_start3A_769, %dma_start3A_775] : memref<4x10x128xi32, #tpu.memory_space<vmem>> -> memref<1x1x128xi32, #tpu.memory_space<vmem>>
    %dma_start3A_777 = tpu.memref_squeeze %dma_start3A_776 : memref<1x1x128xi32, #tpu.memory_space<vmem>> -> memref<128xi32, #tpu.memory_space<vmem>>
    %dma_start3A_778 = arith.constant 0 : i32
    %dma_start3A_779 = arith.constant 0 : i32
    %dma_start3A_780 = tpu.memref_slice %arg3[%dma_start3A_778, %dma_start3A_779] : memref<1000000x32xf32, #tpu.memory_space<hbm>> -> memref<1000000x32xf32, #tpu.memory_space<hbm>>
    tpu.enqueue_indirect_dma source(%dma_start3A_780 : memref<1000000x32xf32, #tpu.memory_space<hbm>>) target(%dma_start3A_774 : memref<128x32xf32, #tpu.memory_space<vmem>>) offsets(%dma_start3A_777 : memref<128xi32, #tpu.memory_space<vmem>>) semaphore(%arg9 : memref<!tpu.dma_semaphore, #tpu.memory_space<semaphore_mem>>)
    %dma_start3A_781 = arith.constant 3 : i32
    %dma_start3A_782 = arith.constant 5 : i32
    %dma_start3A_783 = arith.constant 5 : i32
    %dma_start3A_784 = arith.constant 0 : i32
    %dma_start3A_785 = arith.constant 0 : i32
    %dma_start3A_786 = tpu.memref_slice %arg7[%dma_start3A_783, %dma_start3A_784, %dma_start3A_785] : memref<10x128x32xf32, #tpu.memory_space<vmem>> -> memref<1x128x32xf32, #tpu.memory_space<vmem>>
    %dma_start3A_787 = tpu.memref_squeeze %dma_start3A_786 : memref<1x128x32xf32, #tpu.memory_space<vmem>> -> memref<128x32xf32, #tpu.memory_space<vmem>>
    %dma_start3A_788 = arith.constant 0 : i32
    %dma_start3A_789 = tpu.memref_slice %arg5[%dma_start3A_781, %dma_start3A_782, %dma_start3A_788] : memref<4x10x128xi32, #tpu.memory_space<vmem>> -> memref<1x1x128xi32, #tpu.memory_space<vmem>>
    %dma_start3A_790 = tpu.memref_squeeze %dma_start3A_789 : memref<1x1x128xi32, #tpu.memory_space<vmem>> -> memref<128xi32, #tpu.memory_space<vmem>>
    %dma_start3A_791 = arith.constant 0 : i32
    %dma_start3A_792 = arith.constant 0 : i32
    %dma_start3A_793 = tpu.memref_slice %arg3[%dma_start3A_791, %dma_start3A_792] : memref<1000000x32xf32, #tpu.memory_space<hbm>> -> memref<1000000x32xf32, #tpu.memory_space<hbm>>
    tpu.enqueue_indirect_dma source(%dma_start3A_793 : memref<1000000x32xf32, #tpu.memory_space<hbm>>) target(%dma_start3A_787 : memref<128x32xf32, #tpu.memory_space<vmem>>) offsets(%dma_start3A_790 : memref<128xi32, #tpu.memory_space<vmem>>) semaphore(%arg9 : memref<!tpu.dma_semaphore, #tpu.memory_space<semaphore_mem>>)
    %dma_start3A_794 = arith.constant 3 : i32
    %dma_start3A_795 = arith.constant 6 : i32
    %dma_start3A_796 = arith.constant 6 : i32
    %dma_start3A_797 = arith.constant 0 : i32
    %dma_start3A_798 = arith.constant 0 : i32
    %dma_start3A_799 = tpu.memref_slice %arg7[%dma_start3A_796, %dma_start3A_797, %dma_start3A_798] : memref<10x128x32xf32, #tpu.memory_space<vmem>> -> memref<1x128x32xf32, #tpu.memory_space<vmem>>
    %dma_start3A_800 = tpu.memref_squeeze %dma_start3A_799 : memref<1x128x32xf32, #tpu.memory_space<vmem>> -> memref<128x32xf32, #tpu.memory_space<vmem>>
    %dma_start3A_801 = arith.constant 0 : i32
    %dma_start3A_802 = tpu.memref_slice %arg5[%dma_start3A_794, %dma_start3A_795, %dma_start3A_801] : memref<4x10x128xi32, #tpu.memory_space<vmem>> -> memref<1x1x128xi32, #tpu.memory_space<vmem>>
    %dma_start3A_803 = tpu.memref_squeeze %dma_start3A_802 : memref<1x1x128xi32, #tpu.memory_space<vmem>> -> memref<128xi32, #tpu.memory_space<vmem>>
    %dma_start3A_804 = arith.constant 0 : i32
    %dma_start3A_805 = arith.constant 0 : i32
    %dma_start3A_806 = tpu.memref_slice %arg3[%dma_start3A_804, %dma_start3A_805] : memref<1000000x32xf32, #tpu.memory_space<hbm>> -> memref<1000000x32xf32, #tpu.memory_space<hbm>>
    tpu.enqueue_indirect_dma source(%dma_start3A_806 : memref<1000000x32xf32, #tpu.memory_space<hbm>>) target(%dma_start3A_800 : memref<128x32xf32, #tpu.memory_space<vmem>>) offsets(%dma_start3A_803 : memref<128xi32, #tpu.memory_space<vmem>>) semaphore(%arg9 : memref<!tpu.dma_semaphore, #tpu.memory_space<semaphore_mem>>)
    %dma_start3A_807 = arith.constant 3 : i32
    %dma_start3A_808 = arith.constant 7 : i32
    %dma_start3A_809 = arith.constant 7 : i32
    %dma_start3A_810 = arith.constant 0 : i32
    %dma_start3A_811 = arith.constant 0 : i32
    %dma_start3A_812 = tpu.memref_slice %arg7[%dma_start3A_809, %dma_start3A_810, %dma_start3A_811] : memref<10x128x32xf32, #tpu.memory_space<vmem>> -> memref<1x128x32xf32, #tpu.memory_space<vmem>>
    %dma_start3A_813 = tpu.memref_squeeze %dma_start3A_812 : memref<1x128x32xf32, #tpu.memory_space<vmem>> -> memref<128x32xf32, #tpu.memory_space<vmem>>
    %dma_start3A_814 = arith.constant 0 : i32
    %dma_start3A_815 = tpu.memref_slice %arg5[%dma_start3A_807, %dma_start3A_808, %dma_start3A_814] : memref<4x10x128xi32, #tpu.memory_space<vmem>> -> memref<1x1x128xi32, #tpu.memory_space<vmem>>
    %dma_start3A_816 = tpu.memref_squeeze %dma_start3A_815 : memref<1x1x128xi32, #tpu.memory_space<vmem>> -> memref<128xi32, #tpu.memory_space<vmem>>
    %dma_start3A_817 = arith.constant 0 : i32
    %dma_start3A_818 = arith.constant 0 : i32
    %dma_start3A_819 = tpu.memref_slice %arg3[%dma_start3A_817, %dma_start3A_818] : memref<1000000x32xf32, #tpu.memory_space<hbm>> -> memref<1000000x32xf32, #tpu.memory_space<hbm>>
    tpu.enqueue_indirect_dma source(%dma_start3A_819 : memref<1000000x32xf32, #tpu.memory_space<hbm>>) target(%dma_start3A_813 : memref<128x32xf32, #tpu.memory_space<vmem>>) offsets(%dma_start3A_816 : memref<128xi32, #tpu.memory_space<vmem>>) semaphore(%arg9 : memref<!tpu.dma_semaphore, #tpu.memory_space<semaphore_mem>>)
    %dma_start3A_820 = arith.constant 3 : i32
    %dma_start3A_821 = arith.constant 8 : i32
    %dma_start3A_822 = arith.constant 8 : i32
    %dma_start3A_823 = arith.constant 0 : i32
    %dma_start3A_824 = arith.constant 0 : i32
    %dma_start3A_825 = tpu.memref_slice %arg7[%dma_start3A_822, %dma_start3A_823, %dma_start3A_824] : memref<10x128x32xf32, #tpu.memory_space<vmem>> -> memref<1x128x32xf32, #tpu.memory_space<vmem>>
    %dma_start3A_826 = tpu.memref_squeeze %dma_start3A_825 : memref<1x128x32xf32, #tpu.memory_space<vmem>> -> memref<128x32xf32, #tpu.memory_space<vmem>>
    %dma_start3A_827 = arith.constant 0 : i32
    %dma_start3A_828 = tpu.memref_slice %arg5[%dma_start3A_820, %dma_start3A_821, %dma_start3A_827] : memref<4x10x128xi32, #tpu.memory_space<vmem>> -> memref<1x1x128xi32, #tpu.memory_space<vmem>>
    %dma_start3A_829 = tpu.memref_squeeze %dma_start3A_828 : memref<1x1x128xi32, #tpu.memory_space<vmem>> -> memref<128xi32, #tpu.memory_space<vmem>>
    %dma_start3A_830 = arith.constant 0 : i32
    %dma_start3A_831 = arith.constant 0 : i32
    %dma_start3A_832 = tpu.memref_slice %arg3[%dma_start3A_830, %dma_start3A_831] : memref<1000000x32xf32, #tpu.memory_space<hbm>> -> memref<1000000x32xf32, #tpu.memory_space<hbm>>
    tpu.enqueue_indirect_dma source(%dma_start3A_832 : memref<1000000x32xf32, #tpu.memory_space<hbm>>) target(%dma_start3A_826 : memref<128x32xf32, #tpu.memory_space<vmem>>) offsets(%dma_start3A_829 : memref<128xi32, #tpu.memory_space<vmem>>) semaphore(%arg9 : memref<!tpu.dma_semaphore, #tpu.memory_space<semaphore_mem>>)
    %dma_start3A_833 = arith.constant 3 : i32
    %dma_start3A_834 = arith.constant 9 : i32
    %dma_start3A_835 = arith.constant 9 : i32
    %dma_start3A_836 = arith.constant 0 : i32
    %dma_start3A_837 = arith.constant 0 : i32
    %dma_start3A_838 = tpu.memref_slice %arg7[%dma_start3A_835, %dma_start3A_836, %dma_start3A_837] : memref<10x128x32xf32, #tpu.memory_space<vmem>> -> memref<1x128x32xf32, #tpu.memory_space<vmem>>
    %dma_start3A_839 = tpu.memref_squeeze %dma_start3A_838 : memref<1x128x32xf32, #tpu.memory_space<vmem>> -> memref<128x32xf32, #tpu.memory_space<vmem>>
    %dma_start3A_840 = arith.constant 0 : i32
    %dma_start3A_841 = tpu.memref_slice %arg5[%dma_start3A_833, %dma_start3A_834, %dma_start3A_840] : memref<4x10x128xi32, #tpu.memory_space<vmem>> -> memref<1x1x128xi32, #tpu.memory_space<vmem>>
    %dma_start3A_842 = tpu.memref_squeeze %dma_start3A_841 : memref<1x1x128xi32, #tpu.memory_space<vmem>> -> memref<128xi32, #tpu.memory_space<vmem>>
    %dma_start3A_843 = arith.constant 0 : i32
    %dma_start3A_844 = arith.constant 0 : i32
    %dma_start3A_845 = tpu.memref_slice %arg3[%dma_start3A_843, %dma_start3A_844] : memref<1000000x32xf32, #tpu.memory_space<hbm>> -> memref<1000000x32xf32, #tpu.memory_space<hbm>>
    tpu.enqueue_indirect_dma source(%dma_start3A_845 : memref<1000000x32xf32, #tpu.memory_space<hbm>>) target(%dma_start3A_839 : memref<128x32xf32, #tpu.memory_space<vmem>>) offsets(%dma_start3A_842 : memref<128xi32, #tpu.memory_space<vmem>>) semaphore(%arg9 : memref<!tpu.dma_semaphore, #tpu.memory_space<semaphore_mem>>)
    %dma_wait3A_846 = arith.constant 2 : i32
    %dma_wait3A_847 = arith.constant 0 : i32
    %dma_wait3A_848 = arith.constant 0 : i32
    %dma_wait3A_849 = arith.constant 0 : i32
    %dma_wait3A_850 = arith.constant 0 : i32
    %dma_wait3A_851 = tpu.memref_slice %arg6[%dma_wait3A_848, %dma_wait3A_849, %dma_wait3A_850] : memref<10x128x32xf32, #tpu.memory_space<vmem>> -> memref<1x128x32xf32, #tpu.memory_space<vmem>>
    %dma_wait3A_852 = tpu.memref_squeeze %dma_wait3A_851 : memref<1x128x32xf32, #tpu.memory_space<vmem>> -> memref<128x32xf32, #tpu.memory_space<vmem>>
    %dma_wait3A_853 = arith.constant 0 : i32
    %dma_wait3A_854 = tpu.memref_slice %arg5[%dma_wait3A_846, %dma_wait3A_847, %dma_wait3A_853] : memref<4x10x128xi32, #tpu.memory_space<vmem>> -> memref<1x1x128xi32, #tpu.memory_space<vmem>>
    %dma_wait3A_855 = tpu.memref_squeeze %dma_wait3A_854 : memref<1x1x128xi32, #tpu.memory_space<vmem>> -> memref<128xi32, #tpu.memory_space<vmem>>
    %dma_wait3A_856 = arith.constant 0 : i32
    %dma_wait3A_857 = arith.constant 0 : i32
    %dma_wait3A_858 = tpu.memref_slice %arg3[%dma_wait3A_856, %dma_wait3A_857] : memref<1000000x32xf32, #tpu.memory_space<hbm>> -> memref<1000000x32xf32, #tpu.memory_space<hbm>>
    tpu.wait_indirect_dma semaphore(%arg8 : memref<!tpu.dma_semaphore, #tpu.memory_space<semaphore_mem>>) src(%dma_wait3A_858 : memref<1000000x32xf32, #tpu.memory_space<hbm>>) dst(%dma_wait3A_852 : memref<128x32xf32, #tpu.memory_space<vmem>>)
    %dma_wait3A_859 = arith.constant 2 : i32
    %dma_wait3A_860 = arith.constant 1 : i32
    %dma_wait3A_861 = arith.constant 1 : i32
    %dma_wait3A_862 = arith.constant 0 : i32
    %dma_wait3A_863 = arith.constant 0 : i32
    %dma_wait3A_864 = tpu.memref_slice %arg6[%dma_wait3A_861, %dma_wait3A_862, %dma_wait3A_863] : memref<10x128x32xf32, #tpu.memory_space<vmem>> -> memref<1x128x32xf32, #tpu.memory_space<vmem>>
    %dma_wait3A_865 = tpu.memref_squeeze %dma_wait3A_864 : memref<1x128x32xf32, #tpu.memory_space<vmem>> -> memref<128x32xf32, #tpu.memory_space<vmem>>
    %dma_wait3A_866 = arith.constant 0 : i32
    %dma_wait3A_867 = tpu.memref_slice %arg5[%dma_wait3A_859, %dma_wait3A_860, %dma_wait3A_866] : memref<4x10x128xi32, #tpu.memory_space<vmem>> -> memref<1x1x128xi32, #tpu.memory_space<vmem>>
    %dma_wait3A_868 = tpu.memref_squeeze %dma_wait3A_867 : memref<1x1x128xi32, #tpu.memory_space<vmem>> -> memref<128xi32, #tpu.memory_space<vmem>>
    %dma_wait3A_869 = arith.constant 0 : i32
    %dma_wait3A_870 = arith.constant 0 : i32
    %dma_wait3A_871 = tpu.memref_slice %arg3[%dma_wait3A_869, %dma_wait3A_870] : memref<1000000x32xf32, #tpu.memory_space<hbm>> -> memref<1000000x32xf32, #tpu.memory_space<hbm>>
    tpu.wait_indirect_dma semaphore(%arg8 : memref<!tpu.dma_semaphore, #tpu.memory_space<semaphore_mem>>) src(%dma_wait3A_871 : memref<1000000x32xf32, #tpu.memory_space<hbm>>) dst(%dma_wait3A_865 : memref<128x32xf32, #tpu.memory_space<vmem>>)
    %dma_wait3A_872 = arith.constant 2 : i32
    %dma_wait3A_873 = arith.constant 2 : i32
    %dma_wait3A_874 = arith.constant 2 : i32
    %dma_wait3A_875 = arith.constant 0 : i32
    %dma_wait3A_876 = arith.constant 0 : i32
    %dma_wait3A_877 = tpu.memref_slice %arg6[%dma_wait3A_874, %dma_wait3A_875, %dma_wait3A_876] : memref<10x128x32xf32, #tpu.memory_space<vmem>> -> memref<1x128x32xf32, #tpu.memory_space<vmem>>
    %dma_wait3A_878 = tpu.memref_squeeze %dma_wait3A_877 : memref<1x128x32xf32, #tpu.memory_space<vmem>> -> memref<128x32xf32, #tpu.memory_space<vmem>>
    %dma_wait3A_879 = arith.constant 0 : i32
    %dma_wait3A_880 = tpu.memref_slice %arg5[%dma_wait3A_872, %dma_wait3A_873, %dma_wait3A_879] : memref<4x10x128xi32, #tpu.memory_space<vmem>> -> memref<1x1x128xi32, #tpu.memory_space<vmem>>
    %dma_wait3A_881 = tpu.memref_squeeze %dma_wait3A_880 : memref<1x1x128xi32, #tpu.memory_space<vmem>> -> memref<128xi32, #tpu.memory_space<vmem>>
    %dma_wait3A_882 = arith.constant 0 : i32
    %dma_wait3A_883 = arith.constant 0 : i32
    %dma_wait3A_884 = tpu.memref_slice %arg3[%dma_wait3A_882, %dma_wait3A_883] : memref<1000000x32xf32, #tpu.memory_space<hbm>> -> memref<1000000x32xf32, #tpu.memory_space<hbm>>
    tpu.wait_indirect_dma semaphore(%arg8 : memref<!tpu.dma_semaphore, #tpu.memory_space<semaphore_mem>>) src(%dma_wait3A_884 : memref<1000000x32xf32, #tpu.memory_space<hbm>>) dst(%dma_wait3A_878 : memref<128x32xf32, #tpu.memory_space<vmem>>)
    %dma_wait3A_885 = arith.constant 2 : i32
    %dma_wait3A_886 = arith.constant 3 : i32
    %dma_wait3A_887 = arith.constant 3 : i32
    %dma_wait3A_888 = arith.constant 0 : i32
    %dma_wait3A_889 = arith.constant 0 : i32
    %dma_wait3A_890 = tpu.memref_slice %arg6[%dma_wait3A_887, %dma_wait3A_888, %dma_wait3A_889] : memref<10x128x32xf32, #tpu.memory_space<vmem>> -> memref<1x128x32xf32, #tpu.memory_space<vmem>>
    %dma_wait3A_891 = tpu.memref_squeeze %dma_wait3A_890 : memref<1x128x32xf32, #tpu.memory_space<vmem>> -> memref<128x32xf32, #tpu.memory_space<vmem>>
    %dma_wait3A_892 = arith.constant 0 : i32
    %dma_wait3A_893 = tpu.memref_slice %arg5[%dma_wait3A_885, %dma_wait3A_886, %dma_wait3A_892] : memref<4x10x128xi32, #tpu.memory_space<vmem>> -> memref<1x1x128xi32, #tpu.memory_space<vmem>>
    %dma_wait3A_894 = tpu.memref_squeeze %dma_wait3A_893 : memref<1x1x128xi32, #tpu.memory_space<vmem>> -> memref<128xi32, #tpu.memory_space<vmem>>
    %dma_wait3A_895 = arith.constant 0 : i32
    %dma_wait3A_896 = arith.constant 0 : i32
    %dma_wait3A_897 = tpu.memref_slice %arg3[%dma_wait3A_895, %dma_wait3A_896] : memref<1000000x32xf32, #tpu.memory_space<hbm>> -> memref<1000000x32xf32, #tpu.memory_space<hbm>>
    tpu.wait_indirect_dma semaphore(%arg8 : memref<!tpu.dma_semaphore, #tpu.memory_space<semaphore_mem>>) src(%dma_wait3A_897 : memref<1000000x32xf32, #tpu.memory_space<hbm>>) dst(%dma_wait3A_891 : memref<128x32xf32, #tpu.memory_space<vmem>>)
    %dma_wait3A_898 = arith.constant 2 : i32
    %dma_wait3A_899 = arith.constant 4 : i32
    %dma_wait3A_900 = arith.constant 4 : i32
    %dma_wait3A_901 = arith.constant 0 : i32
    %dma_wait3A_902 = arith.constant 0 : i32
    %dma_wait3A_903 = tpu.memref_slice %arg6[%dma_wait3A_900, %dma_wait3A_901, %dma_wait3A_902] : memref<10x128x32xf32, #tpu.memory_space<vmem>> -> memref<1x128x32xf32, #tpu.memory_space<vmem>>
    %dma_wait3A_904 = tpu.memref_squeeze %dma_wait3A_903 : memref<1x128x32xf32, #tpu.memory_space<vmem>> -> memref<128x32xf32, #tpu.memory_space<vmem>>
    %dma_wait3A_905 = arith.constant 0 : i32
    %dma_wait3A_906 = tpu.memref_slice %arg5[%dma_wait3A_898, %dma_wait3A_899, %dma_wait3A_905] : memref<4x10x128xi32, #tpu.memory_space<vmem>> -> memref<1x1x128xi32, #tpu.memory_space<vmem>>
    %dma_wait3A_907 = tpu.memref_squeeze %dma_wait3A_906 : memref<1x1x128xi32, #tpu.memory_space<vmem>> -> memref<128xi32, #tpu.memory_space<vmem>>
    %dma_wait3A_908 = arith.constant 0 : i32
    %dma_wait3A_909 = arith.constant 0 : i32
    %dma_wait3A_910 = tpu.memref_slice %arg3[%dma_wait3A_908, %dma_wait3A_909] : memref<1000000x32xf32, #tpu.memory_space<hbm>> -> memref<1000000x32xf32, #tpu.memory_space<hbm>>
    tpu.wait_indirect_dma semaphore(%arg8 : memref<!tpu.dma_semaphore, #tpu.memory_space<semaphore_mem>>) src(%dma_wait3A_910 : memref<1000000x32xf32, #tpu.memory_space<hbm>>) dst(%dma_wait3A_904 : memref<128x32xf32, #tpu.memory_space<vmem>>)
    %dma_wait3A_911 = arith.constant 2 : i32
    %dma_wait3A_912 = arith.constant 5 : i32
    %dma_wait3A_913 = arith.constant 5 : i32
    %dma_wait3A_914 = arith.constant 0 : i32
    %dma_wait3A_915 = arith.constant 0 : i32
    %dma_wait3A_916 = tpu.memref_slice %arg6[%dma_wait3A_913, %dma_wait3A_914, %dma_wait3A_915] : memref<10x128x32xf32, #tpu.memory_space<vmem>> -> memref<1x128x32xf32, #tpu.memory_space<vmem>>
    %dma_wait3A_917 = tpu.memref_squeeze %dma_wait3A_916 : memref<1x128x32xf32, #tpu.memory_space<vmem>> -> memref<128x32xf32, #tpu.memory_space<vmem>>
    %dma_wait3A_918 = arith.constant 0 : i32
    %dma_wait3A_919 = tpu.memref_slice %arg5[%dma_wait3A_911, %dma_wait3A_912, %dma_wait3A_918] : memref<4x10x128xi32, #tpu.memory_space<vmem>> -> memref<1x1x128xi32, #tpu.memory_space<vmem>>
    %dma_wait3A_920 = tpu.memref_squeeze %dma_wait3A_919 : memref<1x1x128xi32, #tpu.memory_space<vmem>> -> memref<128xi32, #tpu.memory_space<vmem>>
    %dma_wait3A_921 = arith.constant 0 : i32
    %dma_wait3A_922 = arith.constant 0 : i32
    %dma_wait3A_923 = tpu.memref_slice %arg3[%dma_wait3A_921, %dma_wait3A_922] : memref<1000000x32xf32, #tpu.memory_space<hbm>> -> memref<1000000x32xf32, #tpu.memory_space<hbm>>
    tpu.wait_indirect_dma semaphore(%arg8 : memref<!tpu.dma_semaphore, #tpu.memory_space<semaphore_mem>>) src(%dma_wait3A_923 : memref<1000000x32xf32, #tpu.memory_space<hbm>>) dst(%dma_wait3A_917 : memref<128x32xf32, #tpu.memory_space<vmem>>)
    %dma_wait3A_924 = arith.constant 2 : i32
    %dma_wait3A_925 = arith.constant 6 : i32
    %dma_wait3A_926 = arith.constant 6 : i32
    %dma_wait3A_927 = arith.constant 0 : i32
    %dma_wait3A_928 = arith.constant 0 : i32
    %dma_wait3A_929 = tpu.memref_slice %arg6[%dma_wait3A_926, %dma_wait3A_927, %dma_wait3A_928] : memref<10x128x32xf32, #tpu.memory_space<vmem>> -> memref<1x128x32xf32, #tpu.memory_space<vmem>>
    %dma_wait3A_930 = tpu.memref_squeeze %dma_wait3A_929 : memref<1x128x32xf32, #tpu.memory_space<vmem>> -> memref<128x32xf32, #tpu.memory_space<vmem>>
    %dma_wait3A_931 = arith.constant 0 : i32
    %dma_wait3A_932 = tpu.memref_slice %arg5[%dma_wait3A_924, %dma_wait3A_925, %dma_wait3A_931] : memref<4x10x128xi32, #tpu.memory_space<vmem>> -> memref<1x1x128xi32, #tpu.memory_space<vmem>>
    %dma_wait3A_933 = tpu.memref_squeeze %dma_wait3A_932 : memref<1x1x128xi32, #tpu.memory_space<vmem>> -> memref<128xi32, #tpu.memory_space<vmem>>
    %dma_wait3A_934 = arith.constant 0 : i32
    %dma_wait3A_935 = arith.constant 0 : i32
    %dma_wait3A_936 = tpu.memref_slice %arg3[%dma_wait3A_934, %dma_wait3A_935] : memref<1000000x32xf32, #tpu.memory_space<hbm>> -> memref<1000000x32xf32, #tpu.memory_space<hbm>>
    tpu.wait_indirect_dma semaphore(%arg8 : memref<!tpu.dma_semaphore, #tpu.memory_space<semaphore_mem>>) src(%dma_wait3A_936 : memref<1000000x32xf32, #tpu.memory_space<hbm>>) dst(%dma_wait3A_930 : memref<128x32xf32, #tpu.memory_space<vmem>>)
    %dma_wait3A_937 = arith.constant 2 : i32
    %dma_wait3A_938 = arith.constant 7 : i32
    %dma_wait3A_939 = arith.constant 7 : i32
    %dma_wait3A_940 = arith.constant 0 : i32
    %dma_wait3A_941 = arith.constant 0 : i32
    %dma_wait3A_942 = tpu.memref_slice %arg6[%dma_wait3A_939, %dma_wait3A_940, %dma_wait3A_941] : memref<10x128x32xf32, #tpu.memory_space<vmem>> -> memref<1x128x32xf32, #tpu.memory_space<vmem>>
    %dma_wait3A_943 = tpu.memref_squeeze %dma_wait3A_942 : memref<1x128x32xf32, #tpu.memory_space<vmem>> -> memref<128x32xf32, #tpu.memory_space<vmem>>
    %dma_wait3A_944 = arith.constant 0 : i32
    %dma_wait3A_945 = tpu.memref_slice %arg5[%dma_wait3A_937, %dma_wait3A_938, %dma_wait3A_944] : memref<4x10x128xi32, #tpu.memory_space<vmem>> -> memref<1x1x128xi32, #tpu.memory_space<vmem>>
    %dma_wait3A_946 = tpu.memref_squeeze %dma_wait3A_945 : memref<1x1x128xi32, #tpu.memory_space<vmem>> -> memref<128xi32, #tpu.memory_space<vmem>>
    %dma_wait3A_947 = arith.constant 0 : i32
    %dma_wait3A_948 = arith.constant 0 : i32
    %dma_wait3A_949 = tpu.memref_slice %arg3[%dma_wait3A_947, %dma_wait3A_948] : memref<1000000x32xf32, #tpu.memory_space<hbm>> -> memref<1000000x32xf32, #tpu.memory_space<hbm>>
    tpu.wait_indirect_dma semaphore(%arg8 : memref<!tpu.dma_semaphore, #tpu.memory_space<semaphore_mem>>) src(%dma_wait3A_949 : memref<1000000x32xf32, #tpu.memory_space<hbm>>) dst(%dma_wait3A_943 : memref<128x32xf32, #tpu.memory_space<vmem>>)
    %dma_wait3A_950 = arith.constant 2 : i32
    %dma_wait3A_951 = arith.constant 8 : i32
    %dma_wait3A_952 = arith.constant 8 : i32
    %dma_wait3A_953 = arith.constant 0 : i32
    %dma_wait3A_954 = arith.constant 0 : i32
    %dma_wait3A_955 = tpu.memref_slice %arg6[%dma_wait3A_952, %dma_wait3A_953, %dma_wait3A_954] : memref<10x128x32xf32, #tpu.memory_space<vmem>> -> memref<1x128x32xf32, #tpu.memory_space<vmem>>
    %dma_wait3A_956 = tpu.memref_squeeze %dma_wait3A_955 : memref<1x128x32xf32, #tpu.memory_space<vmem>> -> memref<128x32xf32, #tpu.memory_space<vmem>>
    %dma_wait3A_957 = arith.constant 0 : i32
    %dma_wait3A_958 = tpu.memref_slice %arg5[%dma_wait3A_950, %dma_wait3A_951, %dma_wait3A_957] : memref<4x10x128xi32, #tpu.memory_space<vmem>> -> memref<1x1x128xi32, #tpu.memory_space<vmem>>
    %dma_wait3A_959 = tpu.memref_squeeze %dma_wait3A_958 : memref<1x1x128xi32, #tpu.memory_space<vmem>> -> memref<128xi32, #tpu.memory_space<vmem>>
    %dma_wait3A_960 = arith.constant 0 : i32
    %dma_wait3A_961 = arith.constant 0 : i32
    %dma_wait3A_962 = tpu.memref_slice %arg3[%dma_wait3A_960, %dma_wait3A_961] : memref<1000000x32xf32, #tpu.memory_space<hbm>> -> memref<1000000x32xf32, #tpu.memory_space<hbm>>
    tpu.wait_indirect_dma semaphore(%arg8 : memref<!tpu.dma_semaphore, #tpu.memory_space<semaphore_mem>>) src(%dma_wait3A_962 : memref<1000000x32xf32, #tpu.memory_space<hbm>>) dst(%dma_wait3A_956 : memref<128x32xf32, #tpu.memory_space<vmem>>)
    %dma_wait3A_963 = arith.constant 2 : i32
    %dma_wait3A_964 = arith.constant 9 : i32
    %dma_wait3A_965 = arith.constant 9 : i32
    %dma_wait3A_966 = arith.constant 0 : i32
    %dma_wait3A_967 = arith.constant 0 : i32
    %dma_wait3A_968 = tpu.memref_slice %arg6[%dma_wait3A_965, %dma_wait3A_966, %dma_wait3A_967] : memref<10x128x32xf32, #tpu.memory_space<vmem>> -> memref<1x128x32xf32, #tpu.memory_space<vmem>>
    %dma_wait3A_969 = tpu.memref_squeeze %dma_wait3A_968 : memref<1x128x32xf32, #tpu.memory_space<vmem>> -> memref<128x32xf32, #tpu.memory_space<vmem>>
    %dma_wait3A_970 = arith.constant 0 : i32
    %dma_wait3A_971 = tpu.memref_slice %arg5[%dma_wait3A_963, %dma_wait3A_964, %dma_wait3A_970] : memref<4x10x128xi32, #tpu.memory_space<vmem>> -> memref<1x1x128xi32, #tpu.memory_space<vmem>>
    %dma_wait3A_972 = tpu.memref_squeeze %dma_wait3A_971 : memref<1x1x128xi32, #tpu.memory_space<vmem>> -> memref<128xi32, #tpu.memory_space<vmem>>
    %dma_wait3A_973 = arith.constant 0 : i32
    %dma_wait3A_974 = arith.constant 0 : i32
    %dma_wait3A_975 = tpu.memref_slice %arg3[%dma_wait3A_973, %dma_wait3A_974] : memref<1000000x32xf32, #tpu.memory_space<hbm>> -> memref<1000000x32xf32, #tpu.memory_space<hbm>>
    tpu.wait_indirect_dma semaphore(%arg8 : memref<!tpu.dma_semaphore, #tpu.memory_space<semaphore_mem>>) src(%dma_wait3A_975 : memref<1000000x32xf32, #tpu.memory_space<hbm>>) dst(%dma_wait3A_969 : memref<128x32xf32, #tpu.memory_space<vmem>>)
    %mul3A_976 = arith.constant 4 : i32
    %mul3A_977 = arith.muli %mul3A_976, %add3A : i32
    %add3A_978 = arith.constant 2 : i32
    %add3A_979 = arith.addi %mul3A_977, %add3A_978 : i32
    %mul3A_980 = arith.constant 128 : i32
    %mul3A_981 = arith.muli %add3A_979, %mul3A_980 : i32
    %dma_start3A_982 = arith.constant 0 : i32
    %dma_start3A_983 = arith.constant 0 : i32
    %dma_start3A_984 = tpu.memref_slice %arg4[%dma_start3A_982, %mul3A_981, %dma_start3A_983] : memref<10x16384x32xf32, #tpu.memory_space<hbm>> -> memref<10x128x32xf32, #tpu.memory_space<hbm>>
    %dma_start3A_985 = arith.constant 0 : i32
    %dma_start3A_986 = arith.constant 0 : i32
    %dma_start3A_987 = tpu.memref_slice %arg4[%dma_start3A_985, %mul3A_981, %dma_start3A_986] : memref<10x16384x32xf32, #tpu.memory_space<hbm>> -> memref<10x128x32xf32, #tpu.memory_space<hbm>>
    tpu.enqueue_dma source(%arg6 : memref<10x128x32xf32, #tpu.memory_space<vmem>>) target(%dma_start3A_987 : memref<10x128x32xf32, #tpu.memory_space<hbm>>) target_semaphore(%arg10 : memref<!tpu.dma_semaphore, #tpu.memory_space<semaphore_mem>>)
    %dma_wait3A_988 = arith.constant 3 : i32
    %dma_wait3A_989 = arith.constant 0 : i32
    %dma_wait3A_990 = arith.constant 0 : i32
    %dma_wait3A_991 = arith.constant 0 : i32
    %dma_wait3A_992 = arith.constant 0 : i32
    %dma_wait3A_993 = tpu.memref_slice %arg7[%dma_wait3A_990, %dma_wait3A_991, %dma_wait3A_992] : memref<10x128x32xf32, #tpu.memory_space<vmem>> -> memref<1x128x32xf32, #tpu.memory_space<vmem>>
    %dma_wait3A_994 = tpu.memref_squeeze %dma_wait3A_993 : memref<1x128x32xf32, #tpu.memory_space<vmem>> -> memref<128x32xf32, #tpu.memory_space<vmem>>
    %dma_wait3A_995 = arith.constant 0 : i32
    %dma_wait3A_996 = tpu.memref_slice %arg5[%dma_wait3A_988, %dma_wait3A_989, %dma_wait3A_995] : memref<4x10x128xi32, #tpu.memory_space<vmem>> -> memref<1x1x128xi32, #tpu.memory_space<vmem>>
    %dma_wait3A_997 = tpu.memref_squeeze %dma_wait3A_996 : memref<1x1x128xi32, #tpu.memory_space<vmem>> -> memref<128xi32, #tpu.memory_space<vmem>>
    %dma_wait3A_998 = arith.constant 0 : i32
    %dma_wait3A_999 = arith.constant 0 : i32
    %dma_wait3A_1000 = tpu.memref_slice %arg3[%dma_wait3A_998, %dma_wait3A_999] : memref<1000000x32xf32, #tpu.memory_space<hbm>> -> memref<1000000x32xf32, #tpu.memory_space<hbm>>
    tpu.wait_indirect_dma semaphore(%arg9 : memref<!tpu.dma_semaphore, #tpu.memory_space<semaphore_mem>>) src(%dma_wait3A_1000 : memref<1000000x32xf32, #tpu.memory_space<hbm>>) dst(%dma_wait3A_994 : memref<128x32xf32, #tpu.memory_space<vmem>>)
    %dma_wait3A_1001 = arith.constant 3 : i32
    %dma_wait3A_1002 = arith.constant 1 : i32
    %dma_wait3A_1003 = arith.constant 1 : i32
    %dma_wait3A_1004 = arith.constant 0 : i32
    %dma_wait3A_1005 = arith.constant 0 : i32
    %dma_wait3A_1006 = tpu.memref_slice %arg7[%dma_wait3A_1003, %dma_wait3A_1004, %dma_wait3A_1005] : memref<10x128x32xf32, #tpu.memory_space<vmem>> -> memref<1x128x32xf32, #tpu.memory_space<vmem>>
    %dma_wait3A_1007 = tpu.memref_squeeze %dma_wait3A_1006 : memref<1x128x32xf32, #tpu.memory_space<vmem>> -> memref<128x32xf32, #tpu.memory_space<vmem>>
    %dma_wait3A_1008 = arith.constant 0 : i32
    %dma_wait3A_1009 = tpu.memref_slice %arg5[%dma_wait3A_1001, %dma_wait3A_1002, %dma_wait3A_1008] : memref<4x10x128xi32, #tpu.memory_space<vmem>> -> memref<1x1x128xi32, #tpu.memory_space<vmem>>
    %dma_wait3A_1010 = tpu.memref_squeeze %dma_wait3A_1009 : memref<1x1x128xi32, #tpu.memory_space<vmem>> -> memref<128xi32, #tpu.memory_space<vmem>>
    %dma_wait3A_1011 = arith.constant 0 : i32
    %dma_wait3A_1012 = arith.constant 0 : i32
    %dma_wait3A_1013 = tpu.memref_slice %arg3[%dma_wait3A_1011, %dma_wait3A_1012] : memref<1000000x32xf32, #tpu.memory_space<hbm>> -> memref<1000000x32xf32, #tpu.memory_space<hbm>>
    tpu.wait_indirect_dma semaphore(%arg9 : memref<!tpu.dma_semaphore, #tpu.memory_space<semaphore_mem>>) src(%dma_wait3A_1013 : memref<1000000x32xf32, #tpu.memory_space<hbm>>) dst(%dma_wait3A_1007 : memref<128x32xf32, #tpu.memory_space<vmem>>)
    %dma_wait3A_1014 = arith.constant 3 : i32
    %dma_wait3A_1015 = arith.constant 2 : i32
    %dma_wait3A_1016 = arith.constant 2 : i32
    %dma_wait3A_1017 = arith.constant 0 : i32
    %dma_wait3A_1018 = arith.constant 0 : i32
    %dma_wait3A_1019 = tpu.memref_slice %arg7[%dma_wait3A_1016, %dma_wait3A_1017, %dma_wait3A_1018] : memref<10x128x32xf32, #tpu.memory_space<vmem>> -> memref<1x128x32xf32, #tpu.memory_space<vmem>>
    %dma_wait3A_1020 = tpu.memref_squeeze %dma_wait3A_1019 : memref<1x128x32xf32, #tpu.memory_space<vmem>> -> memref<128x32xf32, #tpu.memory_space<vmem>>
    %dma_wait3A_1021 = arith.constant 0 : i32
    %dma_wait3A_1022 = tpu.memref_slice %arg5[%dma_wait3A_1014, %dma_wait3A_1015, %dma_wait3A_1021] : memref<4x10x128xi32, #tpu.memory_space<vmem>> -> memref<1x1x128xi32, #tpu.memory_space<vmem>>
    %dma_wait3A_1023 = tpu.memref_squeeze %dma_wait3A_1022 : memref<1x1x128xi32, #tpu.memory_space<vmem>> -> memref<128xi32, #tpu.memory_space<vmem>>
    %dma_wait3A_1024 = arith.constant 0 : i32
    %dma_wait3A_1025 = arith.constant 0 : i32
    %dma_wait3A_1026 = tpu.memref_slice %arg3[%dma_wait3A_1024, %dma_wait3A_1025] : memref<1000000x32xf32, #tpu.memory_space<hbm>> -> memref<1000000x32xf32, #tpu.memory_space<hbm>>
    tpu.wait_indirect_dma semaphore(%arg9 : memref<!tpu.dma_semaphore, #tpu.memory_space<semaphore_mem>>) src(%dma_wait3A_1026 : memref<1000000x32xf32, #tpu.memory_space<hbm>>) dst(%dma_wait3A_1020 : memref<128x32xf32, #tpu.memory_space<vmem>>)
    %dma_wait3A_1027 = arith.constant 3 : i32
    %dma_wait3A_1028 = arith.constant 3 : i32
    %dma_wait3A_1029 = arith.constant 3 : i32
    %dma_wait3A_1030 = arith.constant 0 : i32
    %dma_wait3A_1031 = arith.constant 0 : i32
    %dma_wait3A_1032 = tpu.memref_slice %arg7[%dma_wait3A_1029, %dma_wait3A_1030, %dma_wait3A_1031] : memref<10x128x32xf32, #tpu.memory_space<vmem>> -> memref<1x128x32xf32, #tpu.memory_space<vmem>>
    %dma_wait3A_1033 = tpu.memref_squeeze %dma_wait3A_1032 : memref<1x128x32xf32, #tpu.memory_space<vmem>> -> memref<128x32xf32, #tpu.memory_space<vmem>>
    %dma_wait3A_1034 = arith.constant 0 : i32
    %dma_wait3A_1035 = tpu.memref_slice %arg5[%dma_wait3A_1027, %dma_wait3A_1028, %dma_wait3A_1034] : memref<4x10x128xi32, #tpu.memory_space<vmem>> -> memref<1x1x128xi32, #tpu.memory_space<vmem>>
    %dma_wait3A_1036 = tpu.memref_squeeze %dma_wait3A_1035 : memref<1x1x128xi32, #tpu.memory_space<vmem>> -> memref<128xi32, #tpu.memory_space<vmem>>
    %dma_wait3A_1037 = arith.constant 0 : i32
    %dma_wait3A_1038 = arith.constant 0 : i32
    %dma_wait3A_1039 = tpu.memref_slice %arg3[%dma_wait3A_1037, %dma_wait3A_1038] : memref<1000000x32xf32, #tpu.memory_space<hbm>> -> memref<1000000x32xf32, #tpu.memory_space<hbm>>
    tpu.wait_indirect_dma semaphore(%arg9 : memref<!tpu.dma_semaphore, #tpu.memory_space<semaphore_mem>>) src(%dma_wait3A_1039 : memref<1000000x32xf32, #tpu.memory_space<hbm>>) dst(%dma_wait3A_1033 : memref<128x32xf32, #tpu.memory_space<vmem>>)
    %dma_wait3A_1040 = arith.constant 3 : i32
    %dma_wait3A_1041 = arith.constant 4 : i32
    %dma_wait3A_1042 = arith.constant 4 : i32
    %dma_wait3A_1043 = arith.constant 0 : i32
    %dma_wait3A_1044 = arith.constant 0 : i32
    %dma_wait3A_1045 = tpu.memref_slice %arg7[%dma_wait3A_1042, %dma_wait3A_1043, %dma_wait3A_1044] : memref<10x128x32xf32, #tpu.memory_space<vmem>> -> memref<1x128x32xf32, #tpu.memory_space<vmem>>
    %dma_wait3A_1046 = tpu.memref_squeeze %dma_wait3A_1045 : memref<1x128x32xf32, #tpu.memory_space<vmem>> -> memref<128x32xf32, #tpu.memory_space<vmem>>
    %dma_wait3A_1047 = arith.constant 0 : i32
    %dma_wait3A_1048 = tpu.memref_slice %arg5[%dma_wait3A_1040, %dma_wait3A_1041, %dma_wait3A_1047] : memref<4x10x128xi32, #tpu.memory_space<vmem>> -> memref<1x1x128xi32, #tpu.memory_space<vmem>>
    %dma_wait3A_1049 = tpu.memref_squeeze %dma_wait3A_1048 : memref<1x1x128xi32, #tpu.memory_space<vmem>> -> memref<128xi32, #tpu.memory_space<vmem>>
    %dma_wait3A_1050 = arith.constant 0 : i32
    %dma_wait3A_1051 = arith.constant 0 : i32
    %dma_wait3A_1052 = tpu.memref_slice %arg3[%dma_wait3A_1050, %dma_wait3A_1051] : memref<1000000x32xf32, #tpu.memory_space<hbm>> -> memref<1000000x32xf32, #tpu.memory_space<hbm>>
    tpu.wait_indirect_dma semaphore(%arg9 : memref<!tpu.dma_semaphore, #tpu.memory_space<semaphore_mem>>) src(%dma_wait3A_1052 : memref<1000000x32xf32, #tpu.memory_space<hbm>>) dst(%dma_wait3A_1046 : memref<128x32xf32, #tpu.memory_space<vmem>>)
    %dma_wait3A_1053 = arith.constant 3 : i32
    %dma_wait3A_1054 = arith.constant 5 : i32
    %dma_wait3A_1055 = arith.constant 5 : i32
    %dma_wait3A_1056 = arith.constant 0 : i32
    %dma_wait3A_1057 = arith.constant 0 : i32
    %dma_wait3A_1058 = tpu.memref_slice %arg7[%dma_wait3A_1055, %dma_wait3A_1056, %dma_wait3A_1057] : memref<10x128x32xf32, #tpu.memory_space<vmem>> -> memref<1x128x32xf32, #tpu.memory_space<vmem>>
    %dma_wait3A_1059 = tpu.memref_squeeze %dma_wait3A_1058 : memref<1x128x32xf32, #tpu.memory_space<vmem>> -> memref<128x32xf32, #tpu.memory_space<vmem>>
    %dma_wait3A_1060 = arith.constant 0 : i32
    %dma_wait3A_1061 = tpu.memref_slice %arg5[%dma_wait3A_1053, %dma_wait3A_1054, %dma_wait3A_1060] : memref<4x10x128xi32, #tpu.memory_space<vmem>> -> memref<1x1x128xi32, #tpu.memory_space<vmem>>
    %dma_wait3A_1062 = tpu.memref_squeeze %dma_wait3A_1061 : memref<1x1x128xi32, #tpu.memory_space<vmem>> -> memref<128xi32, #tpu.memory_space<vmem>>
    %dma_wait3A_1063 = arith.constant 0 : i32
    %dma_wait3A_1064 = arith.constant 0 : i32
    %dma_wait3A_1065 = tpu.memref_slice %arg3[%dma_wait3A_1063, %dma_wait3A_1064] : memref<1000000x32xf32, #tpu.memory_space<hbm>> -> memref<1000000x32xf32, #tpu.memory_space<hbm>>
    tpu.wait_indirect_dma semaphore(%arg9 : memref<!tpu.dma_semaphore, #tpu.memory_space<semaphore_mem>>) src(%dma_wait3A_1065 : memref<1000000x32xf32, #tpu.memory_space<hbm>>) dst(%dma_wait3A_1059 : memref<128x32xf32, #tpu.memory_space<vmem>>)
    %dma_wait3A_1066 = arith.constant 3 : i32
    %dma_wait3A_1067 = arith.constant 6 : i32
    %dma_wait3A_1068 = arith.constant 6 : i32
    %dma_wait3A_1069 = arith.constant 0 : i32
    %dma_wait3A_1070 = arith.constant 0 : i32
    %dma_wait3A_1071 = tpu.memref_slice %arg7[%dma_wait3A_1068, %dma_wait3A_1069, %dma_wait3A_1070] : memref<10x128x32xf32, #tpu.memory_space<vmem>> -> memref<1x128x32xf32, #tpu.memory_space<vmem>>
    %dma_wait3A_1072 = tpu.memref_squeeze %dma_wait3A_1071 : memref<1x128x32xf32, #tpu.memory_space<vmem>> -> memref<128x32xf32, #tpu.memory_space<vmem>>
    %dma_wait3A_1073 = arith.constant 0 : i32
    %dma_wait3A_1074 = tpu.memref_slice %arg5[%dma_wait3A_1066, %dma_wait3A_1067, %dma_wait3A_1073] : memref<4x10x128xi32, #tpu.memory_space<vmem>> -> memref<1x1x128xi32, #tpu.memory_space<vmem>>
    %dma_wait3A_1075 = tpu.memref_squeeze %dma_wait3A_1074 : memref<1x1x128xi32, #tpu.memory_space<vmem>> -> memref<128xi32, #tpu.memory_space<vmem>>
    %dma_wait3A_1076 = arith.constant 0 : i32
    %dma_wait3A_1077 = arith.constant 0 : i32
    %dma_wait3A_1078 = tpu.memref_slice %arg3[%dma_wait3A_1076, %dma_wait3A_1077] : memref<1000000x32xf32, #tpu.memory_space<hbm>> -> memref<1000000x32xf32, #tpu.memory_space<hbm>>
    tpu.wait_indirect_dma semaphore(%arg9 : memref<!tpu.dma_semaphore, #tpu.memory_space<semaphore_mem>>) src(%dma_wait3A_1078 : memref<1000000x32xf32, #tpu.memory_space<hbm>>) dst(%dma_wait3A_1072 : memref<128x32xf32, #tpu.memory_space<vmem>>)
    %dma_wait3A_1079 = arith.constant 3 : i32
    %dma_wait3A_1080 = arith.constant 7 : i32
    %dma_wait3A_1081 = arith.constant 7 : i32
    %dma_wait3A_1082 = arith.constant 0 : i32
    %dma_wait3A_1083 = arith.constant 0 : i32
    %dma_wait3A_1084 = tpu.memref_slice %arg7[%dma_wait3A_1081, %dma_wait3A_1082, %dma_wait3A_1083] : memref<10x128x32xf32, #tpu.memory_space<vmem>> -> memref<1x128x32xf32, #tpu.memory_space<vmem>>
    %dma_wait3A_1085 = tpu.memref_squeeze %dma_wait3A_1084 : memref<1x128x32xf32, #tpu.memory_space<vmem>> -> memref<128x32xf32, #tpu.memory_space<vmem>>
    %dma_wait3A_1086 = arith.constant 0 : i32
    %dma_wait3A_1087 = tpu.memref_slice %arg5[%dma_wait3A_1079, %dma_wait3A_1080, %dma_wait3A_1086] : memref<4x10x128xi32, #tpu.memory_space<vmem>> -> memref<1x1x128xi32, #tpu.memory_space<vmem>>
    %dma_wait3A_1088 = tpu.memref_squeeze %dma_wait3A_1087 : memref<1x1x128xi32, #tpu.memory_space<vmem>> -> memref<128xi32, #tpu.memory_space<vmem>>
    %dma_wait3A_1089 = arith.constant 0 : i32
    %dma_wait3A_1090 = arith.constant 0 : i32
    %dma_wait3A_1091 = tpu.memref_slice %arg3[%dma_wait3A_1089, %dma_wait3A_1090] : memref<1000000x32xf32, #tpu.memory_space<hbm>> -> memref<1000000x32xf32, #tpu.memory_space<hbm>>
    tpu.wait_indirect_dma semaphore(%arg9 : memref<!tpu.dma_semaphore, #tpu.memory_space<semaphore_mem>>) src(%dma_wait3A_1091 : memref<1000000x32xf32, #tpu.memory_space<hbm>>) dst(%dma_wait3A_1085 : memref<128x32xf32, #tpu.memory_space<vmem>>)
    %dma_wait3A_1092 = arith.constant 3 : i32
    %dma_wait3A_1093 = arith.constant 8 : i32
    %dma_wait3A_1094 = arith.constant 8 : i32
    %dma_wait3A_1095 = arith.constant 0 : i32
    %dma_wait3A_1096 = arith.constant 0 : i32
    %dma_wait3A_1097 = tpu.memref_slice %arg7[%dma_wait3A_1094, %dma_wait3A_1095, %dma_wait3A_1096] : memref<10x128x32xf32, #tpu.memory_space<vmem>> -> memref<1x128x32xf32, #tpu.memory_space<vmem>>
    %dma_wait3A_1098 = tpu.memref_squeeze %dma_wait3A_1097 : memref<1x128x32xf32, #tpu.memory_space<vmem>> -> memref<128x32xf32, #tpu.memory_space<vmem>>
    %dma_wait3A_1099 = arith.constant 0 : i32
    %dma_wait3A_1100 = tpu.memref_slice %arg5[%dma_wait3A_1092, %dma_wait3A_1093, %dma_wait3A_1099] : memref<4x10x128xi32, #tpu.memory_space<vmem>> -> memref<1x1x128xi32, #tpu.memory_space<vmem>>
    %dma_wait3A_1101 = tpu.memref_squeeze %dma_wait3A_1100 : memref<1x1x128xi32, #tpu.memory_space<vmem>> -> memref<128xi32, #tpu.memory_space<vmem>>
    %dma_wait3A_1102 = arith.constant 0 : i32
    %dma_wait3A_1103 = arith.constant 0 : i32
    %dma_wait3A_1104 = tpu.memref_slice %arg3[%dma_wait3A_1102, %dma_wait3A_1103] : memref<1000000x32xf32, #tpu.memory_space<hbm>> -> memref<1000000x32xf32, #tpu.memory_space<hbm>>
    tpu.wait_indirect_dma semaphore(%arg9 : memref<!tpu.dma_semaphore, #tpu.memory_space<semaphore_mem>>) src(%dma_wait3A_1104 : memref<1000000x32xf32, #tpu.memory_space<hbm>>) dst(%dma_wait3A_1098 : memref<128x32xf32, #tpu.memory_space<vmem>>)
    %dma_wait3A_1105 = arith.constant 3 : i32
    %dma_wait3A_1106 = arith.constant 9 : i32
    %dma_wait3A_1107 = arith.constant 9 : i32
    %dma_wait3A_1108 = arith.constant 0 : i32
    %dma_wait3A_1109 = arith.constant 0 : i32
    %dma_wait3A_1110 = tpu.memref_slice %arg7[%dma_wait3A_1107, %dma_wait3A_1108, %dma_wait3A_1109] : memref<10x128x32xf32, #tpu.memory_space<vmem>> -> memref<1x128x32xf32, #tpu.memory_space<vmem>>
    %dma_wait3A_1111 = tpu.memref_squeeze %dma_wait3A_1110 : memref<1x128x32xf32, #tpu.memory_space<vmem>> -> memref<128x32xf32, #tpu.memory_space<vmem>>
    %dma_wait3A_1112 = arith.constant 0 : i32
    %dma_wait3A_1113 = tpu.memref_slice %arg5[%dma_wait3A_1105, %dma_wait3A_1106, %dma_wait3A_1112] : memref<4x10x128xi32, #tpu.memory_space<vmem>> -> memref<1x1x128xi32, #tpu.memory_space<vmem>>
    %dma_wait3A_1114 = tpu.memref_squeeze %dma_wait3A_1113 : memref<1x1x128xi32, #tpu.memory_space<vmem>> -> memref<128xi32, #tpu.memory_space<vmem>>
    %dma_wait3A_1115 = arith.constant 0 : i32
    %dma_wait3A_1116 = arith.constant 0 : i32
    %dma_wait3A_1117 = tpu.memref_slice %arg3[%dma_wait3A_1115, %dma_wait3A_1116] : memref<1000000x32xf32, #tpu.memory_space<hbm>> -> memref<1000000x32xf32, #tpu.memory_space<hbm>>
    tpu.wait_indirect_dma semaphore(%arg9 : memref<!tpu.dma_semaphore, #tpu.memory_space<semaphore_mem>>) src(%dma_wait3A_1117 : memref<1000000x32xf32, #tpu.memory_space<hbm>>) dst(%dma_wait3A_1111 : memref<128x32xf32, #tpu.memory_space<vmem>>)
    %mul3A_1118 = arith.constant 4 : i32
    %mul3A_1119 = arith.muli %mul3A_1118, %add3A : i32
    %add3A_1120 = arith.constant 3 : i32
    %add3A_1121 = arith.addi %mul3A_1119, %add3A_1120 : i32
    %mul3A_1122 = arith.constant 128 : i32
    %mul3A_1123 = arith.muli %add3A_1121, %mul3A_1122 : i32
    %dma_start3A_1124 = arith.constant 0 : i32
    %dma_start3A_1125 = arith.constant 0 : i32
    %dma_start3A_1126 = tpu.memref_slice %arg4[%dma_start3A_1124, %mul3A_1123, %dma_start3A_1125] : memref<10x16384x32xf32, #tpu.memory_space<hbm>> -> memref<10x128x32xf32, #tpu.memory_space<hbm>>
    %dma_start3A_1127 = arith.constant 0 : i32
    %dma_start3A_1128 = arith.constant 0 : i32
    %dma_start3A_1129 = tpu.memref_slice %arg4[%dma_start3A_1127, %mul3A_1123, %dma_start3A_1128] : memref<10x16384x32xf32, #tpu.memory_space<hbm>> -> memref<10x128x32xf32, #tpu.memory_space<hbm>>
    tpu.enqueue_dma source(%arg7 : memref<10x128x32xf32, #tpu.memory_space<vmem>>) target(%dma_start3A_1129 : memref<10x128x32xf32, #tpu.memory_space<hbm>>) target_semaphore(%arg11 : memref<!tpu.dma_semaphore, #tpu.memory_space<semaphore_mem>>)
    %dma_wait3A_1130 = arith.constant 0 : i32
    %dma_wait3A_1131 = arith.constant 0 : i32
    %dma_wait3A_1132 = tpu.memref_slice %arg4[%dma_wait3A_1130, %mul3A_1123, %dma_wait3A_1131] : memref<10x16384x32xf32, #tpu.memory_space<hbm>> -> memref<10x128x32xf32, #tpu.memory_space<hbm>>
    %dma_wait3A_1133 = arith.constant 0 : i32
    %dma_wait3A_1134 = arith.constant 0 : i32
    %dma_wait3A_1135 = tpu.memref_slice %arg4[%dma_wait3A_1133, %mul3A_1123, %dma_wait3A_1134] : memref<10x16384x32xf32, #tpu.memory_space<hbm>> -> memref<10x128x32xf32, #tpu.memory_space<hbm>>
    tpu.wait_dma2 semaphore(%arg11 : memref<!tpu.dma_semaphore, #tpu.memory_space<semaphore_mem>>) src(%arg7 : memref<10x128x32xf32, #tpu.memory_space<vmem>>) dst(%dma_wait3A_1135 : memref<10x128x32xf32, #tpu.memory_space<hbm>>)
    %dma_wait3A_1136 = arith.constant 0 : i32
    %dma_wait3A_1137 = arith.constant 0 : i32
    %dma_wait3A_1138 = tpu.memref_slice %arg4[%dma_wait3A_1136, %mul3A_981, %dma_wait3A_1137] : memref<10x16384x32xf32, #tpu.memory_space<hbm>> -> memref<10x128x32xf32, #tpu.memory_space<hbm>>
    %dma_wait3A_1139 = arith.constant 0 : i32
    %dma_wait3A_1140 = arith.constant 0 : i32
    %dma_wait3A_1141 = tpu.memref_slice %arg4[%dma_wait3A_1139, %mul3A_981, %dma_wait3A_1140] : memref<10x16384x32xf32, #tpu.memory_space<hbm>> -> memref<10x128x32xf32, #tpu.memory_space<hbm>>
    tpu.wait_dma2 semaphore(%arg10 : memref<!tpu.dma_semaphore, #tpu.memory_space<semaphore_mem>>) src(%arg6 : memref<10x128x32xf32, #tpu.memory_space<vmem>>) dst(%dma_wait3A_1141 : memref<10x128x32xf32, #tpu.memory_space<hbm>>)
    return
  }
}

</mosaic_0001>

<sc_bundles>
// kernel: kernel.3.cloned.1.call-start
scs
__scs_entry_jumppad:
0x0: {  	(pc) =	sbr.rel $0x88, $3  }
0x1: {  	(tag) =	ssettag $0x0;
	lr =	simm.s32 $0x1  }
0x2: {  	[smem:$0x3F9F] =	sst lr;
	_ =	strace $0xD0000000  }
0x3: {  	_ = 	snop  }
0x4: {  	_ = 	snop  }
0x5: {  	_ = 	snop  }
0x6: {  	_ = 	snop  }
0x7: {  	_ = 	snop  }
__scs_overlays_trampoline_lowered:
0x8: {  	[smem:$0x3FAE] =	sst s0  }
0x9: {  	[smem:$0x3FAF] =	sst s1  }
0xa: {  	[smem:$0x3FB0] =	sst s2  }
0xb: {  	[smem:$0x3FB1] =	sst s3  }
0xc: {  	[smem:$0x3FB2] =	sst s4  }
0xd: {  	[smem:$0x3FB3] =	sst s5  }
0xe: {  	[smem:$0x3FB4] =	sst s6  }
0xf: {  	[smem:$0x3FB5] =	sst s7  }
0x10: {  	[smem:$0x3FB6] =	sst s8  }
0x11: {  	[smem:$0x3FB7] =	sst s9;
	s0 =	simm.s32 @!p0 $0x0  }
0x12: {  	s1 =	sld [smem:$0x3F9D];
	s0 =	simm.s32 @p0 $0x1  }
0x13: {  	[smem:$0x3FB8] =	sst s0;
	s0 =	simm.s32 @!p1 $0x0  }
0x14: {  	s2 =	sld [smem:$0x3F9C];
	s0 =	simm.s32 @p1 $0x1  }
0x15: {  	[smem:$0x3FB9] =	sst s0;
	s0 =	simm.s32 @!p2 $0x0  }
0x16: {  	s3 =	sld [smem:$0x3FDB];
	s0 =	simm.s32 @p2 $0x1  }
0x17: {  	s4 =	simm.s32 $0x1BF5;
	[smem:$0x3FBB] =	sst s0  }
0x18: {  	s0 =	sld [smem:$0x3F9E];
	_ =	swait.ge [sflag:s4], $0x0  }
0x19: {  	s7 =	sld [smem:$0x3F9F]  }
0x1a: {  	s8 =	sadd.s32 $0xFFFFE003, lr  }
0x1b: {  	s9 =	sadd.s32 $0xFFFFFEF7, lr;
	s5 =	simm.s32 $0xFFFFFFFF;
	p2 =	slt.u32 s8, $0xFFFFF086  }
0x1c: {  	p1 =	slt.u32 s9, $0xF7A;
	s5 =	simm.s32 @!p2 $0x0  }
0x1d: {  	s5 =	simm.s32 @p1 $0x1;
	p0 =	seq.s32 s7, s2  }
0x1e: {  	s7 =	smul.u32 @!p0 $0xF7A, s2;
	p2 =	seq.s32 @!p0 s5, $0x0  }
0x1f: {  	s9 =	smul.u32 $0xF7A, s1;
	s8 =	simm.s32 @!p0 $0x1BF5;
	p2 =	por !p2, p0  }
0x20: {  	[sflag:s8] =	ssyncset.s32 @!p0 $0xFFFFF086;
	s6 =	sadd.s32 @!p0 s3, s7;
	s7 =	simm.s32 @!p0 $0x108  }
0x21: {  	s3 =	sadd.s32 s3, s9;
	s6 =	sadd.s32 @!p0 $0x88, s6;
	s7 =	simm.s32 @p2 $0x1082  }
0x22: {  	[simem:s7], [sflag:s8] =	dma.local @!p0 [hbm:s6], $0xF7A  }
0x23: {  	s9 =	sor.u32 $0xD0000000, s2;
	s6 =	simm.s32 $0x108;
	_ =	swait.ge @!p0 [sflag:s8], $0x0  }
0x24: {  	s3 =	sadd.s32 $0x88, s3;
	s6 =	simm.s32 @!p1 $0x1082;
	[sflag:s4] =	ssyncset.s32 $0xFFFFF086  }
0x25: {  	[simem:s6], [sflag:s4] =	dma.local [hbm:s3], $0xF7A  }
0x26: {  	[smem:$0x3F9F] =	sst s1;
	(tag) =	ssettag s2;
	_ =	strace s9  }
0x27: {  	s1 =	sld [smem:$0x3FAF]  }
0x28: {  	s2 =	sld [smem:$0x3FB0]  }
0x29: {  	s4 =	sld [smem:$0x3FB2]  }
0x2a: {  	p0 =	seq.s32 s5, $0x0;
	s5 =	sld [smem:$0x3FB3]  }
0x2b: {  	s6 =	sld [smem:$0x3FB4]  }
0x2c: {  	s7 =	sld [smem:$0x3FB5]  }
0x2d: {  	s3 =	simm.s32 $0x108;
	s8 =	sld [smem:$0x3FB6]  }
0x2e: {  	s3 =	simm.s32 @!p0 $0x1082;
	s9 =	sld [smem:$0x3FB7]  }
0x2f: {  	lr =	sadd.s32 s0, s3;
	s0 =	sld [smem:$0x3FAE]  }
0x30: {  	s3 =	sld [smem:$0x3FB1]  }
0x31: {  	[smem:$0x3FBA] =	sst s10  }
0x32: {  	s10 =	sld [smem:$0x3FB8];
	_ =	sdelay $0x3  }
0x33: {  	p0 =	seq.s32 s10, $0x1;
	s10 =	sld [smem:$0x3FBA];
	_ =	sdelay $0x3  }
0x34: {  	[smem:$0x3FBA] =	sst s10  }
0x35: {  	s10 =	sld [smem:$0x3FB9];
	_ =	sdelay $0x3  }
0x36: {  	p1 =	seq.s32 s10, $0x1;
	s10 =	sld [smem:$0x3FBA];
	_ =	sdelay $0x3  }
0x37: {  	[smem:$0x3FBA] =	sst s10  }
0x38: {  	s10 =	sld [smem:$0x3FBB]  }
0x39: {  	_ = 	snop;
	(pc) =	sbr.ind lr, $3  }
0x3a: {  	_ = 	snop  }
0x3b: {  	_ = 	snop  }
0x3c: {  	p2 =	seq.s32 s10, $0x1;
	s10 =	sld [smem:$0x3FBA]  }
0x3d: {  	_ =	shalt  }
0x3e: {  	_ =	shalt  }
0x3f: {  	_ =	shalt  }
0x40: {  	_ =	shalt  }
0x41: {  	_ =	shalt  }
0x42: {  	_ =	shalt  }
0x43: {  	_ =	shalt  }
0x44: {  	_ =	shalt  }
0x45: {  	_ =	shalt  }
0x46: {  	_ =	shalt  }
0x47: {  	_ =	shalt  }
0x48: {  	_ =	shalt  }
0x49: {  	_ =	shalt  }
0x4a: {  	_ =	shalt  }
0x4b: {  	_ =	shalt  }
0x4c: {  	_ =	shalt  }
0x4d: {  	_ =	shalt  }
0x4e: {  	_ =	shalt  }
0x4f: {  	_ =	shalt  }
0x50: {  	_ =	shalt  }
0x51: {  	_ =	shalt  }
0x52: {  	_ =	shalt  }
0x53: {  	_ =	shalt  }
0x54: {  	_ =	shalt  }
0x55: {  	_ =	shalt  }
0x56: {  	_ =	shalt  }
0x57: {  	_ =	shalt  }
0x58: {  	_ =	shalt  }
0x59: {  	_ =	shalt  }
0x5a: {  	_ =	shalt  }
0x5b: {  	_ =	shalt  }
0x5c: {  	_ =	shalt  }
0x5d: {  	_ =	shalt  }
0x5e: {  	_ =	shalt  }
0x5f: {  	_ =	shalt  }
0x60: {  	_ =	shalt  }
0x61: {  	_ =	shalt  }
0x62: {  	_ =	shalt  }
0x63: {  	_ =	shalt  }
0x64: {  	_ =	shalt  }
0x65: {  	_ =	shalt  }
0x66: {  	_ =	shalt  }
0x67: {  	_ =	shalt  }
0x68: {  	_ =	shalt  }
0x69: {  	_ =	shalt  }
0x6a: {  	_ =	shalt  }
0x6b: {  	_ =	shalt  }
0x6c: {  	_ =	shalt  }
0x6d: {  	_ =	shalt  }
0x6e: {  	_ =	shalt  }
0x6f: {  	_ =	shalt  }
0x70: {  	_ =	shalt  }
0x71: {  	_ =	shalt  }
0x72: {  	_ =	shalt  }
0x73: {  	_ =	shalt  }
0x74: {  	_ =	shalt  }
0x75: {  	_ =	shalt  }
0x76: {  	_ =	shalt  }
0x77: {  	_ =	shalt  }
0x78: {  	_ =	shalt  }
0x79: {  	_ =	shalt  }
0x7a: {  	_ =	shalt  }
0x7b: {  	_ =	shalt  }
0x7c: {  	_ =	shalt  }
0x7d: {  	_ =	shalt  }
0x7e: {  	_ =	shalt  }
0x7f: {  	_ =	shalt  }
0x80: {  	_ =	shalt  }
0x81: {  	_ =	shalt  }
0x82: {  	_ =	shalt  }
0x83: {  	_ =	shalt  }
0x84: {  	_ =	shalt  }
0x85: {  	_ =	shalt  }
0x86: {  	_ =	shalt  }
0x87: {  	_ =	shalt  }
.Lfunc_end0:
.L_simem_size_0:
called_computation_lowered:
.L_overlay_start_0:
0x88: {  	s2 =	sld [smem:$0x3FD9]  }
0x89: {  	s3 =	sld [smem:$0x3FFE];
	_ =	sdelay $0x1  }
0x8a: {  	s1 =	srdreg.scid  }
0x8b: {  	s0 =	sand.u32 $0x1, s1  }
0x8c: {  	s17 =	sshll.u32 s0, $0xA;
	s2 =	sadd.s32 s3, s2  }
0x8d: {  	s2 =	sadd.s32 s2, s17  }
0x8e: {  	[smem:$0x3FC6] =	sst s2  }
0x8f: {  	_ = 	snop  }
0x90: {  	s2 =	sld [smem:$0x3FD0];
	(tm) =	ssettm $0x1  }
0x91: {  	s18 =	sld [smem:$0x3FFB];
	_ =	sdelay $0x3  }
0x92: {  	_ =	strace s18  }
0x93: {  	s3 =	sld [smem:$0x3FFC];
	_ =	sdelay $0x3  }
0x94: {  	_ =	strace s3  }
0x95: {  	s3 =	sld [smem:$0x3FFD];
	_ =	sdelay $0x3  }
0x96: {  	_ =	strace s3  }
0x97: {  	_ =	strace $0x8FFFFFFF  }
0x98: {  	s19 =	sld [smem:$0x3FDB];
	_ =	sdelay $0x1  }
0x99: {  	s4 =	simm.s32 $_scs_section_size  }
0x9a: {  	s5 =	simm.s32 $_size__tile_overlayer_lowered;
	s6 =	simm.s32 $_tile_overlayer_lowered  }
0x9b: {  	s22 =	simm.s32 $0x1BFF;
	s21 =	sshll.u32 s6, $0x1;
	s3 =	sadd.s32 s4, s19  }
0x9c: {  	s7 =	simm.s32 $0x0;
	s20 =	sshll.u32 s5, $0x1;
	s5 =	sadd.s32 s21, s3  }
0x9d: {  	[timem:s7], [sflag:s22] =	dma.local [hbm:s5], s20  }
0x9e: {  	_ =	swait.ge [sflag:s22], s20  }
0x9f: {  	s4 =	ssub.s32 $0x0, s20;
	[sflag:s22] =	ssyncset.done $0x0  }
0xa0: {  	[sflag:s22] =	ssyncadd.s32 s4;
	_ =	sdelay $0x1  }
0xa1: {  	s23 =	simm.s32 $0x1B8B  }
0xa2: {  	_ =	swait.ge [sflag:s23], $0x1  }
0xa3: {  	[sflag:s23] =	ssyncset.done $0x0  }
0xa4: {  	s25 =	simm.s32 $0x1B8E;
	s24 =	sld [smem:$0x3FFE];
	[sflag:s23] =	ssyncadd.s32 $0xFFFFFFFF  }
0xa5: {  	s26 =	simm.s32 $execute0_lowered;
	[smem:$0x3FD2] =	sst s25  }
0xa6: {  	s5 =	sshll.u32 s26, $0x1;
	_ =	strace $0x80000046;
	[dreg:$0x1] =	wrdreg $0xFFFFFFFF  }
0xa7: {  	s28 =	simm.s32 $_size_execute0_lowered;
	s3 =	sadd.s32 s3, s5;
	[dreg:$0x0] =	wrdreg $0x0  }
0xa8: {  	s5 =	sshll.u32 s28, $0x1;
	[dreg:$0x2] =	wrdreg s3  }
0xa9: {  	[dreg:$0x3] =	wrdreg s5  }
0xaa: {  	[dreg:$0x4] =	wrdreg $0xC0  }
0xab: {  	_ =	task [dreg:s7], $0x5FFFF  }
0xac: {  	[dreg:$0x1] =	wrdreg $0xFFFFFFFF  }
0xad: {  	[dreg:$0x0] =	wrdreg $0x60  }
0xae: {  	[dreg:$0x2] =	wrdreg s24  }
0xaf: {  	[dreg:$0x3] =	wrdreg s2  }
0xb0: {  	[dreg:$0x4] =	wrdreg $0x9  }
0xb1: {  	_ =	task.clear_ibuf [dreg:s7], $0x5FFFF;
	_ =	strace $0x90000046  }
0xb2: {  	s29 =	simm.s32 $0x9;
	_ =	strace $0x80000048  }
0xb3: {  	_ =	swait.ge [sflag:s29], $0x1  }
0xb4: {  	[sflag:s29] =	ssyncadd.s32 $0xFFFFFFFF  }
0xb5: {  	_ =	strace $0x90000048  }
0xb6: {  	_ =	sfence  }
0xb7: {  	s30 =	sld [smem:$0x0];
	_ =	sdelay $0x2  }
0xb8: {  	s31 =	sshll.u32 s1, $0xD;
	s1 =	sshrl.u32 s1, $0x2  }
0xb9: {  	s3 =	sand.u32 $0x4000, s31;
	s1 =	sadd.s32 s1, s30  }
0xba: {  	s0 =	sor.u32 s3, s0;
	s1 =	sshll.u32 s1, $0x11  }
0xbb: {  	s0 =	sor.u32 s1, s0  }
0xbc: {  	s0 =	sadd.s32 $0x8F2B, s0  }
0xbd: {  	[sflag:s0] =	ssyncadd.remote.s32 $0x1  }
0xbe: {  	_ =	sfence.sel $0xFFFF  }
0xbf: {  	[dreg:$0x0] =	wrdreg $0xFFFFFFFF;
	(pc) =	sbr.abs _section_cstart, $3  }
0xc0: {  	[dreg:$0x1] =	wrdreg $0xFFFFFFFF  }
0xc1: {  	_ =	task.clear_ibuf [dreg:s7], $0x2FFFF;
	_ =	strace $0x9FFFFFFF  }
0xc2: {  	(tm) =	ssettm $0x7FFFFFFF  }
0xc3: {  	_ =	shalt  }
tec
execute0_lowered:
.L_overlay_start_1:
0x0: {  	(tag) =	ssettag $0x1  }
0x1: {  	s0 =	rddreg [dreg:$0x0]  }
0x2: {  	s1 =	rddreg [dreg:$0x1]  }
0x3: {  	s14 =	simm.s32 $0x0;
	s2 =	srdreg.scid;
	s4 =	stileid.u32  }
0x4: {  	s11 =	simm.s32 $0x200;
	s12 =	simm.s32 $0x280;
	s13 =	simm.s32 $0x300  }
0x5: {  	s15 =	simm.s32 $0x380;
	s30 =	simm.s32 $0xC400;
	[smem:$0x7FF] =	sst s14  }
0x6: {  	s3 =	sand.u32 $0x1, s2;
	_ =	strace $0x80000047;
	[dreg:$0x11] =	wrdreg s11  }
0x7: {  	s16 =	sshll.u32 s4, $0x1;
	s17 =	sadd.s32 $0x600, s0;
	[dreg:$0x12] =	wrdreg s12  }
0x8: {  	s8 =	sadd.s32 $0x4600, s0;
	s2 =	sor.u32 s3, s16;
	[dreg:$0x13] =	wrdreg s13  }
0x9: {  	[dreg:$0x14] =	wrdreg s15;
	s16 =	simm.s32 $0x480;
	s13 =	simm.s32 $0xF80  }
0xa: {  	s5 =	sshll.u32 s2, $0x2;
	s6 =	sshll.u32 s2, $0x9;
	[dreg:$0x15] =	wrdreg s16  }
0xb: {  	s10 =	sshllo.u32 s2, $0x2;
	[smem:$0x7F7] =	sst s13;
	s7 =	sadd.s32 s17, s6  }
0xc: {  	s2 =	sshll.u32 s2, $0xB;
	s6 =	sadd.s32 s6, s8;
	[dreg:$0x3] =	wrdreg s7  }
0xd: {  	s24 =	sshll.u32 s10, $0x7;
	s2 =	sadd.s32 s1, s2;
	[dreg:$0x4] =	wrdreg s6  }
0xe: {  	s9 =	sor.u32 $0x1, s5;
	s4 =	sadd.s32 s17, s24;
	[dreg:$0xb] =	wrdreg s2  }
0xf: {  	s18 =	sshll.u32 s9, $0x7;
	s25 =	sadd.s32 s24, s8;
	[dreg:$0x9] =	wrdreg s4  }
0x10: {  	s26 =	sshll.u32 s9, $0x9;
	s9 =	simm.s32 $0x100;
	[dreg:$0xa] =	wrdreg s25  }
0x11: {  	p0 =	por $0x0, $0x0;
	s24 =	simm.s32 $0x880;
	[dreg:$0xf] =	wrdreg s9  }
0x12: {  	s5 =	sor.u32 $0x2, s5;
	s19 =	sadd.s32 s17, s18;
	[dreg:$0x1c] =	wrdreg s24  }
0x13: {  	s21 =	sshll.u32 s5, $0x7;
	s20 =	sadd.s32 s18, s8;
	[dreg:$0x5] =	wrdreg s19  }
0x14: {  	s31 =	simm.s32 $0xF400;
	s22 =	sadd.s32 s17, s21;
	[dreg:$0x6] =	wrdreg s20  }
0x15: {  	s29 =	simm.s32 $0x10400;
	s23 =	sadd.s32 s21, s8;
	[dreg:$0x7] =	wrdreg s22  }
0x16: {  	s6 =	sshll.u32 s5, $0x9;
	s4 =	sadd.s32 s1, s26;
	[dreg:$0x8] =	wrdreg s23  }
0x17: {  	s28 =	simm.s32 $0x12400;
	s7 =	sadd.s32 s1, s6;
	[dreg:$0xc] =	wrdreg s4  }
0x18: {  	s8 =	sshll.u32 s10, $0x9;
	s10 =	simm.s32 $0x180;
	[dreg:$0xd] =	wrdreg s7  }
0x19: {  	s11 =	simm.s32 $0x80;
	s18 =	simm.s32 $0x580;
	[dreg:$0x10] =	wrdreg s10  }
0x1a: {  	s12 =	simm.s32 $0x2400;
	s21 =	simm.s32 $0x700;
	[dreg:$0x16] =	wrdreg s18  }
0x1b: {  	s15 =	simm.s32 $0x3400;
	s25 =	simm.s32 $0x980;
	[dreg:$0x19] =	wrdreg s21  }
0x1c: {  	s16 =	simm.s32 $0x4400;
	s26 =	simm.s32 $0xA80;
	[dreg:$0x1d] =	wrdreg s25  }
0x1d: {  	s13 =	simm.s32 $0x1;
	s6 =	simm.s32 $0xC80;
	[dreg:$0x1e] =	wrdreg s26  }
0x1e: {  	s2 =	sadd.s32 $0xF42A00, s0;
	s9 =	simm.s32 $0xE80;
	[smem:$0x7F3] =	sst s6  }
0x1f: {  	s0 =	simm.s32 $0xE400;
	s24 =	simm.s32 $0x1200;
	[smem:$0x7F6] =	sst s9  }
0x20: {  	s17 =	ssub.s32 $0x2, s3;
	s1 =	sadd.s32 s1, s8;
	[smem:$0x7FB] =	sst s24  }
0x21: {  	s3 =	sshrl.u32 s17, $0x1;
	s19 =	simm.s32 $0x600;
	[dreg:$0xe] =	wrdreg s1  }
0x22: {  	s20 =	simm.s32 $0x680;
	s18 =	simm.s32 $0x5;
	[dreg:$0x17] =	wrdreg s19  }
0x23: {  	s22 =	simm.s32 $0x780;
	s23 =	simm.s32 $0x800;
	[dreg:$0x18] =	wrdreg s20  }
0x24: {  	s10 =	simm.s32 $0xA00;
	s4 =	simm.s32 $0xC00;
	[dreg:$0x1a] =	wrdreg s22  }
0x25: {  	s7 =	simm.s32 $0xD00;
	s8 =	simm.s32 $0xD80;
	[dreg:$0x1b] =	wrdreg s23  }
0x26: {  	s21 =	simm.s32 $0x1100;
	s25 =	simm.s32 $0x1280;
	[smem:$0x7F2] =	sst s4  }
0x27: {  	s26 =	simm.s32 $0x1380;
	s24 =	simm.s32 $0x13400;
	[smem:$0x7F4] =	sst s7  }
0x28: {  	s6 =	simm.s32 $0x1000;
	s9 =	simm.s32 $0x2;
	[smem:$0x7F5] =	sst s8  }
0x29: {  	s1 =	ssub.s32 s17, s3;
	s23 =	simm.s32 $0xE00;
	[smem:$0x7F9] =	sst s21  }
0x2a: {  	s19 =	simm.s32 $0xF00;
	s3 =	simm.s32 $0xB80;
	[smem:$0x7FC] =	sst s25  }
0x2b: {  	s4 =	simm.s32 $0x1400;
	[smem:$0x7FD] =	sst s26;
	s5 =	smax.u32 s1, $0x1  }
0x2c: {  	s20 =	simm.s32 $0x1080;
	[smem:$0x7F1] =	sst s3;
	p1 =	sne.s32 s5, $0x1  }
.Ltmp0:
0x2d: {  	s22 =	simm.s32 $0x1180;
	[smem:$0x7F8] =	sst s20;
	(pc) =	sbr.rel @!p1 .LBB2_1-.Ltmp0, $4  }
0x2e: {  	s17 =	simm.s32 $0x5400;
	s26 =	simm.s32 $0x11400;
	[smem:$0x7FA] =	sst s22  }
0x2f: {  	s25 =	simm.s32 $0x14400;
	s1 =	simm.s32 $0xB00;
	s20 =	rddreg [dreg:$0x3]  }
0x30: {  	s7 =	simm.s32 $0x80000;
	s8 =	simm.s32 $0x4;
	[dreg:$0x1f] =	wrdreg s1  }
0x31: {  	s3 =	sadd.s32 $0xFFFFFFFF, s5;
	s1 =	simm.s32 $0xD400;
	s5 =	simm.s32 $0x3  }
0x32: {  	[tilespmem:s14], [sflag:$0x5] =	stream.linear.gather [hbm4b:s20+s14], $0x400, $0x38;
	[tilespmem:$0x15400] =	vst v63  }
0x33: {  	_ =	swait.ge [sflag:s18], $0x400  }
0x34: {  	[sflag:s18] =	ssyncset.done $0x0  }
0x35: {  	s21 =	simm.s32 $0x400;
	s7 =	rddreg [dreg:$0x4];
	[sflag:s18] =	ssyncadd.s32 $0xFFFFFC00  }
0x36: {  	[tilespmem:s21], [sflag:$0x5] =	stream.linear.gather [hbm4b:s7+s14], $0x100, $0x38;
	[tilespmem:$0x15400] =	vst v63  }
0x37: {  	_ =	swait.ge [sflag:s18], $0x100  }
0x38: {  	[sflag:s18] =	ssyncset.done $0x0  }
0x39: {  	s24 =	simm.s32 $0x500;
	s8 =	rddreg [dreg:$0x5];
	[sflag:s18] =	ssyncadd.s32 $0xFFFFFF00  }
0x3a: {  	[tilespmem:s24], [sflag:$0x5] =	stream.linear.gather [hbm4b:s8+s14], $0x400, $0x38;
	[tilespmem:$0x15400] =	vst v63  }
0x3b: {  	_ =	swait.ge [sflag:s18], $0x400  }
0x3c: {  	[sflag:s18] =	ssyncset.done $0x0  }
0x3d: {  	s25 =	simm.s32 $0x900;
	s15 =	rddreg [dreg:$0x6];
	[sflag:s18] =	ssyncadd.s32 $0xFFFFFC00  }
0x3e: {  	[tilespmem:s25], [sflag:$0x5] =	stream.linear.gather [hbm4b:s15+s14], $0x100, $0x38;
	[tilespmem:$0x15400] =	vst v63  }
0x3f: {  	_ =	swait.ge [sflag:s18], $0x100  }
0x40: {  	[sflag:s18] =	ssyncset.done $0x0  }
0x41: {  	s16 =	rddreg [dreg:$0x7];
	[sflag:s18] =	ssyncadd.s32 $0xFFFFFF00  }
0x42: {  	[tilespmem:s10], [sflag:$0x5] =	stream.linear.gather [hbm4b:s16+s14], $0x400, $0x38;
	[tilespmem:$0x15400] =	vst v63  }
0x43: {  	_ =	swait.ge [sflag:s18], $0x400  }
0x44: {  	[sflag:s18] =	ssyncset.done $0x0  }
0x45: {  	s17 =	rddreg [dreg:$0x8];
	[sflag:s18] =	ssyncadd.s32 $0xFFFFFC00  }
0x46: {  	[tilespmem:s23], [sflag:$0x5] =	stream.linear.gather [hbm4b:s17+s14], $0x100, $0x38;
	[tilespmem:$0x15400] =	vst v63  }
0x47: {  	_ =	swait.ge [sflag:s18], $0x100  }
0x48: {  	[sflag:s18] =	ssyncset.done $0x0  }
0x49: {  	s23 =	rddreg [dreg:$0x9];
	[sflag:s18] =	ssyncadd.s32 $0xFFFFFF00  }
0x4a: {  	[tilespmem:s19], [sflag:$0x5] =	stream.linear.gather [hbm4b:s23+s14], $0x400, $0x38;
	[tilespmem:$0x15400] =	vst v63  }
0x4b: {  	_ =	swait.ge [sflag:s18], $0x400  }
0x4c: {  	[sflag:s18] =	ssyncset.done $0x0  }
0x4d: {  	s0 =	simm.s32 $0x1300;
	s26 =	rddreg [dreg:$0xa];
	[sflag:s18] =	ssyncadd.s32 $0xFFFFFC00  }
0x4e: {  	[tilespmem:s0], [sflag:$0x5] =	stream.linear.gather [hbm4b:s26+s14], $0x100, $0x38;
	[tilespmem:$0x15400] =	vst v63  }
0x4f: {  	_ =	swait.ge [sflag:s18], $0x100  }
0x50: {  	[sflag:s18] =	ssyncset.done $0x0  }
0x51: {  	[sflag:s18] =	ssyncadd.s32 $0xFFFFFF00  }
0x52: {  	[tilespmem:s4], [sflag:$0x1] =	stream.indirect.gather [hbm4b:s2+s11], $0x20, s14, s11, $0xb8;
	[tilespmem:$0x15400] =	vst v63  }
0x53: {  	_ = 	snop  }
0x54: {  	[tilespmem:s12], [sflag:$0x1] =	stream.indirect.gather [hbm4b:s2+s11], $0x20, s11, s11, $0xb8;
	[tilespmem:$0x15400] =	vst v63  }
0x55: {  	s23 =	simm.s32 $0x3400;
	s28 =	rddreg [dreg:$0xf]  }
0x56: {  	[tilespmem:s23], [sflag:$0x1] =	stream.indirect.gather [hbm4b:s2+s11], $0x20, s28, s11, $0xb8;
	[tilespmem:$0x15400] =	vst v63  }
0x57: {  	s16 =	simm.s32 $0x4400;
	s29 =	rddreg [dreg:$0x10]  }
0x58: {  	[tilespmem:s16], [sflag:$0x1] =	stream.indirect.gather [hbm4b:s2+s11], $0x20, s29, s11, $0xb8;
	[tilespmem:$0x15400] =	vst v63  }
0x59: {  	s26 =	rddreg [dreg:$0x11];
	s14 =	simm.s32 $0x5400  }
0x5a: {  	[tilespmem:s14], [sflag:$0x1] =	stream.indirect.gather [hbm4b:s2+s11], $0x20, s26, s11, $0xb8;
	[tilespmem:$0x15400] =	vst v63  }
0x5b: {  	s28 =	rddreg [dreg:$0x12];
	s26 =	simm.s32 $0x6400  }
0x5c: {  	[tilespmem:s26], [sflag:$0x1] =	stream.indirect.gather [hbm4b:s2+s11], $0x20, s28, s11, $0xb8;
	[tilespmem:$0x15400] =	vst v63  }
0x5d: {  	s20 =	rddreg [dreg:$0x13];
	s28 =	simm.s32 $0x7400  }
0x5e: {  	[tilespmem:s28], [sflag:$0x1] =	stream.indirect.gather [hbm4b:s2+s11], $0x20, s20, s11, $0xb8;
	[tilespmem:$0x15400] =	vst v63  }
0x5f: {  	s22 =	simm.s32 $0x8400;
	s29 =	rddreg [dreg:$0x14]  }
0x60: {  	[tilespmem:s22], [sflag:$0x1] =	stream.indirect.gather [hbm4b:s2+s11], $0x20, s29, s11, $0xb8;
	[tilespmem:$0x15400] =	vst v63  }
0x61: {  	s29 =	simm.s32 $0x9400  }
0x62: {  	[tilespmem:s29], [sflag:$0x1] =	stream.indirect.gather [hbm4b:s2+s11], $0x20, s21, s11, $0xb8;
	[tilespmem:$0x15400] =	vst v63  }
0x63: {  	s20 =	rddreg [dreg:$0x15];
	s21 =	simm.s32 $0xA400  }
0x64: {  	[tilespmem:s21], [sflag:$0x1] =	stream.indirect.gather [hbm4b:s2+s11], $0x20, s20, s11, $0xb8;
	[tilespmem:$0x15400] =	vst v63  }
0x65: {  	s17 =	simm.s32 $0xB400  }
0x66: {  	[tilespmem:s17], [sflag:$0x2] =	stream.indirect.gather [hbm4b:s2+s11], $0x20, s24, s11, $0xb8;
	[tilespmem:$0x15400] =	vst v63  }
0x67: {  	s0 =	simm.s32 $0xC400;
	s19 =	rddreg [dreg:$0x16]  }
0x68: {  	[tilespmem:s0], [sflag:$0x2] =	stream.indirect.gather [hbm4b:s2+s11], $0x20, s19, s11, $0xb8;
	[tilespmem:$0x15400] =	vst v63  }
0x69: {  	s1 =	simm.s32 $0xD400;
	s20 =	rddreg [dreg:$0x17]  }
0x6a: {  	[tilespmem:s1], [sflag:$0x2] =	stream.indirect.gather [hbm4b:s2+s11], $0x20, s20, s11, $0xb8;
	[tilespmem:$0x15400] =	vst v63  }
0x6b: {  	s4 =	simm.s32 $0xE400;
	s19 =	rddreg [dreg:$0x18]  }
0x6c: {  	[tilespmem:s4], [sflag:$0x2] =	stream.indirect.gather [hbm4b:s2+s11], $0x20, s19, s11, $0xb8;
	[tilespmem:$0x15400] =	vst v63  }
0x6d: {  	s5 =	simm.s32 $0xF400;
	s1 =	rddreg [dreg:$0x19]  }
0x6e: {  	[tilespmem:s5], [sflag:$0x2] =	stream.indirect.gather [hbm4b:s2+s11], $0x20, s1, s11, $0xb8;
	[tilespmem:$0x15400] =	vst v63  }
0x6f: {  	s10 =	simm.s32 $0x10400;
	s4 =	rddreg [dreg:$0x1a]  }
0x70: {  	[tilespmem:s10], [sflag:$0x2] =	stream.indirect.gather [hbm4b:s2+s11], $0x20, s4, s11, $0xb8;
	[tilespmem:$0x15400] =	vst v63  }
0x71: {  	s15 =	smov.u32 s3;
	s3 =	simm.s32 $0x11400;
	s1 =	rddreg [dreg:$0x1b]  }
0x72: {  	[tilespmem:s3], [sflag:$0x2] =	stream.indirect.gather [hbm4b:s2+s11], $0x20, s1, s11, $0xb8;
	[tilespmem:$0x15400] =	vst v63  }
0x73: {  	s6 =	simm.s32 $0x12400;
	s5 =	rddreg [dreg:$0x1c]  }
0x74: {  	[tilespmem:s6], [sflag:$0x2] =	stream.indirect.gather [hbm4b:s2+s11], $0x20, s5, s11, $0xb8;
	[tilespmem:$0x15400] =	vst v63  }
0x75: {  	s7 =	simm.s32 $0x13400  }
0x76: {  	[tilespmem:s7], [sflag:$0x2] =	stream.indirect.gather [hbm4b:s2+s11], $0x20, s25, s11, $0xb8;
	[tilespmem:$0x15400] =	vst v63  }
0x77: {  	s12 =	simm.s32 $0x14400;
	s6 =	rddreg [dreg:$0x1d]  }
0x78: {  	[tilespmem:s12], [sflag:$0x2] =	stream.indirect.gather [hbm4b:s2+s11], $0x20, s6, s11, $0xb8;
	[tilespmem:$0x15400] =	vst v63  }
0x79: {  	_ =	swait.ge [sflag:s13], $0x1000  }
0x7a: {  	[sflag:s13] =	ssyncset.done $0x0  }
0x7b: {  	[sflag:s13] =	ssyncadd.s32 $0xFFFFF000  }
0x7c: {  	_ =	swait.ge [sflag:s13], $0x1000  }
0x7d: {  	[sflag:s13] =	ssyncset.done $0x0  }
0x7e: {  	[sflag:s13] =	ssyncadd.s32 $0xFFFFF000  }
0x7f: {  	_ =	swait.ge [sflag:s13], $0x1000  }
0x80: {  	[sflag:s13] =	ssyncset.done $0x0  }
0x81: {  	[sflag:s13] =	ssyncadd.s32 $0xFFFFF000  }
0x82: {  	_ =	swait.ge [sflag:s13], $0x1000  }
0x83: {  	[sflag:s13] =	ssyncset.done $0x0  }
0x84: {  	[sflag:s13] =	ssyncadd.s32 $0xFFFFF000  }
0x85: {  	_ =	swait.ge [sflag:s13], $0x1000  }
0x86: {  	[sflag:s13] =	ssyncset.done $0x0  }
0x87: {  	[sflag:s13] =	ssyncadd.s32 $0xFFFFF000  }
0x88: {  	_ =	swait.ge [sflag:s13], $0x1000  }
0x89: {  	[sflag:s13] =	ssyncset.done $0x0  }
0x8a: {  	[sflag:s13] =	ssyncadd.s32 $0xFFFFF000  }
0x8b: {  	_ =	swait.ge [sflag:s13], $0x1000  }
0x8c: {  	[sflag:s13] =	ssyncset.done $0x0  }
0x8d: {  	[sflag:s13] =	ssyncadd.s32 $0xFFFFF000  }
0x8e: {  	_ =	swait.ge [sflag:s13], $0x1000  }
0x8f: {  	[sflag:s13] =	ssyncset.done $0x0  }
0x90: {  	[sflag:s13] =	ssyncadd.s32 $0xFFFFF000  }
0x91: {  	_ =	swait.ge [sflag:s13], $0x1000  }
0x92: {  	[sflag:s13] =	ssyncset.done $0x0  }
0x93: {  	[sflag:s13] =	ssyncadd.s32 $0xFFFFF000  }
0x94: {  	s30 =	simm.s32 $0x1000;
	_ =	swait.ge [sflag:s13], $0x1000  }
0x95: {  	s31 =	simm.s32 $0x80000;
	s8 =	simm.s32 $0x3;
	[sflag:s13] =	ssyncset.done $0x0  }
0x96: {  	s12 =	simm.s32 $0x1400;
	s7 =	rddreg [dreg:$0xb];
	[sflag:s13] =	ssyncadd.s32 $0xFFFFF000  }
0x97: {  	[hbm4b:s7+s30] =	stream.strided.scatter [tilespmem:s12], [sflag:$0x3], $0xA000, s31, s30, $0x38;
	[tilespmem:$0x15400] =	vst v63  }
0x98: {  	_ =	swait.ge [sflag:s8], $0xA000  }
0x99: {  	[sflag:s8] =	ssyncset.done $0x0  }
0x9a: {  	s6 =	simm.s32 $0xA00;
	s20 =	rddreg [dreg:$0x1e];
	[sflag:s8] =	ssyncadd.s32 $0xFFFF6000  }
0x9b: {  	[tilespmem:s12], [sflag:$0x1] =	stream.indirect.gather [hbm4b:s2+s11], $0x20, s6, s11, $0xb8;
	[tilespmem:$0x15400] =	vst v63  }
0x9c: {  	s7 =	rddreg [dreg:$0x1f];
	s12 =	simm.s32 $0x2400  }
0x9d: {  	[tilespmem:s12], [sflag:$0x1] =	stream.indirect.gather [hbm4b:s2+s11], $0x20, s20, s11, $0xb8;
	[tilespmem:$0x15400] =	vst v63  }
0x9e: {  	s6 =	sld [smem:$0x7F1]  }
0x9f: {  	[tilespmem:s23], [sflag:$0x1] =	stream.indirect.gather [hbm4b:s2+s11], $0x20, s7, s11, $0xb8;
	[tilespmem:$0x15400] =	vst v63  }
0xa0: {  	s7 =	sld [smem:$0x7F2]  }
0xa1: {  	[tilespmem:s16], [sflag:$0x1] =	stream.indirect.gather [hbm4b:s2+s11], $0x20, s6, s11, $0xb8;
	[tilespmem:$0x15400] =	vst v63  }
0xa2: {  	s12 =	sld [smem:$0x7F3]  }
0xa3: {  	[tilespmem:s14], [sflag:$0x1] =	stream.indirect.gather [hbm4b:s2+s11], $0x20, s7, s11, $0xb8;
	[tilespmem:$0x15400] =	vst v63  }
0xa4: {  	s16 =	sld [smem:$0x7F4]  }
0xa5: {  	[tilespmem:s26], [sflag:$0x1] =	stream.indirect.gather [hbm4b:s2+s11], $0x20, s12, s11, $0xb8;
	[tilespmem:$0x15400] =	vst v63  }
0xa6: {  	s23 =	sld [smem:$0x7F5]  }
0xa7: {  	[tilespmem:s28], [sflag:$0x1] =	stream.indirect.gather [hbm4b:s2+s11], $0x20, s16, s11, $0xb8;
	[tilespmem:$0x15400] =	vst v63  }
0xa8: {  	s22 =	simm.s32 $0x8400  }
0xa9: {  	[tilespmem:s22], [sflag:$0x1] =	stream.indirect.gather [hbm4b:s2+s11], $0x20, s23, s11, $0xb8;
	[tilespmem:$0x15400] =	vst v63  }
0xaa: {  	s26 =	sld [smem:$0x7F6];
	s28 =	simm.s32 $0xE00  }
0xab: {  	[tilespmem:s29], [sflag:$0x1] =	stream.indirect.gather [hbm4b:s2+s11], $0x20, s28, s11, $0xb8;
	[tilespmem:$0x15400] =	vst v63  }
0xac: {  	_ = 	snop  }
0xad: {  	[tilespmem:s21], [sflag:$0x1] =	stream.indirect.gather [hbm4b:s2+s11], $0x20, s26, s11, $0xb8;
	[tilespmem:$0x15400] =	vst v63  }
0xae: {  	_ =	swait.ge [sflag:s9], $0x1000  }
0xaf: {  	[sflag:s9] =	ssyncset.done $0x0  }
0xb0: {  	[sflag:s9] =	ssyncadd.s32 $0xFFFFF000  }
0xb1: {  	_ =	swait.ge [sflag:s9], $0x1000  }
0xb2: {  	[sflag:s9] =	ssyncset.done $0x0  }
0xb3: {  	[sflag:s9] =	ssyncadd.s32 $0xFFFFF000  }
0xb4: {  	_ =	swait.ge [sflag:s9], $0x1000  }
0xb5: {  	[sflag:s9] =	ssyncset.done $0x0  }
0xb6: {  	[sflag:s9] =	ssyncadd.s32 $0xFFFFF000  }
0xb7: {  	_ =	swait.ge [sflag:s9], $0x1000  }
0xb8: {  	[sflag:s9] =	ssyncset.done $0x0  }
0xb9: {  	[sflag:s9] =	ssyncadd.s32 $0xFFFFF000  }
0xba: {  	_ =	swait.ge [sflag:s9], $0x1000  }
0xbb: {  	[sflag:s9] =	ssyncset.done $0x0  }
0xbc: {  	[sflag:s9] =	ssyncadd.s32 $0xFFFFF000  }
0xbd: {  	_ =	swait.ge [sflag:s9], $0x1000  }
0xbe: {  	[sflag:s9] =	ssyncset.done $0x0  }
0xbf: {  	[sflag:s9] =	ssyncadd.s32 $0xFFFFF000  }
0xc0: {  	_ =	swait.ge [sflag:s9], $0x1000  }
0xc1: {  	[sflag:s9] =	ssyncset.done $0x0  }
0xc2: {  	[sflag:s9] =	ssyncadd.s32 $0xFFFFF000  }
0xc3: {  	_ =	swait.ge [sflag:s9], $0x1000  }
0xc4: {  	[sflag:s9] =	ssyncset.done $0x0  }
0xc5: {  	[sflag:s9] =	ssyncadd.s32 $0xFFFFF000  }
0xc6: {  	_ =	swait.ge [sflag:s9], $0x1000  }
0xc7: {  	[sflag:s9] =	ssyncset.done $0x0  }
0xc8: {  	[sflag:s9] =	ssyncadd.s32 $0xFFFFF000  }
0xc9: {  	_ =	swait.ge [sflag:s9], $0x1000  }
0xca: {  	[sflag:s9] =	ssyncset.done $0x0  }
0xcb: {  	s8 =	simm.s32 $0x4;
	s29 =	rddreg [dreg:$0xc];
	[sflag:s9] =	ssyncadd.s32 $0xFFFFF000  }
0xcc: {  	[hbm4b:s29+s30] =	stream.strided.scatter [tilespmem:s17], [sflag:$0x4], $0xA000, s31, s30, $0x38;
	[tilespmem:$0x15400] =	vst v63  }
0xcd: {  	_ =	swait.ge [sflag:s8], $0xA000  }
0xce: {  	[sflag:s8] =	ssyncset.done $0x0  }
0xcf: {  	s31 =	simm.s32 $0xF00;
	s30 =	sld [smem:$0x7F7];
	[sflag:s8] =	ssyncadd.s32 $0xFFFF6000  }
0xd0: {  	[tilespmem:s17], [sflag:$0x2] =	stream.indirect.gather [hbm4b:s2+s11], $0x20, s31, s11, $0xb8;
	[tilespmem:$0x15400] =	vst v63  }
0xd1: {  	s24 =	simm.s32 $0xC400  }
0xd2: {  	[tilespmem:s24], [sflag:$0x2] =	stream.indirect.gather [hbm4b:s2+s11], $0x20, s30, s11, $0xb8;
	[tilespmem:$0x15400] =	vst v63  }
0xd3: {  	s0 =	simm.s32 $0xD400;
	s6 =	simm.s32 $0x1000;
	s12 =	sld [smem:$0x7F8]  }
0xd4: {  	[tilespmem:s0], [sflag:$0x2] =	stream.indirect.gather [hbm4b:s2+s11], $0x20, s6, s11, $0xb8;
	[tilespmem:$0x15400] =	vst v63  }
0xd5: {  	s16 =	simm.s32 $0xE400;
	s14 =	sld [smem:$0x7F9]  }
0xd6: {  	[tilespmem:s16], [sflag:$0x2] =	stream.indirect.gather [hbm4b:s2+s11], $0x20, s12, s11, $0xb8;
	[tilespmem:$0x15400] =	vst v63  }
0xd7: {  	s22 =	simm.s32 $0xF400;
	s21 =	sld [smem:$0x7FA]  }
0xd8: {  	[tilespmem:s22], [sflag:$0x2] =	stream.indirect.gather [hbm4b:s2+s11], $0x20, s14, s11, $0xb8;
	[tilespmem:$0x15400] =	vst v63  }
0xd9: {  	s4 =	simm.s32 $0x10400;
	s23 =	sld [smem:$0x7FB]  }
0xda: {  	[tilespmem:s4], [sflag:$0x2] =	stream.indirect.gather [hbm4b:s2+s11], $0x20, s21, s11, $0xb8;
	[tilespmem:$0x15400] =	vst v63  }
0xdb: {  	s1 =	simm.s32 $0x11400;
	s24 =	sld [smem:$0x7FC]  }
0xdc: {  	[tilespmem:s1], [sflag:$0x2] =	stream.indirect.gather [hbm4b:s2+s11], $0x20, s23, s11, $0xb8;
	[tilespmem:$0x15400] =	vst v63  }
0xdd: {  	s26 =	simm.s32 $0x12400  }
0xde: {  	[tilespmem:s26], [sflag:$0x2] =	stream.indirect.gather [hbm4b:s2+s11], $0x20, s24, s11, $0xb8;
	[tilespmem:$0x15400] =	vst v63  }
0xdf: {  	s25 =	simm.s32 $0x13400;
	s29 =	simm.s32 $0x1300;
	s28 =	sld [smem:$0x7FD]  }
0xe0: {  	[tilespmem:s25], [sflag:$0x2] =	stream.indirect.gather [hbm4b:s2+s11], $0x20, s29, s11, $0xb8;
	[tilespmem:$0x15400] =	vst v63  }
0xe1: {  	s10 =	simm.s32 $0x14400  }
0xe2: {  	[tilespmem:s10], [sflag:$0x2] =	stream.indirect.gather [hbm4b:s2+s11], $0x20, s28, s11, $0xb8;
	[tilespmem:$0x15400] =	vst v63  }
0xe3: {  	_ =	swait.ge [sflag:s13], $0x1000  }
0xe4: {  	[sflag:s13] =	ssyncset.done $0x0  }
0xe5: {  	[sflag:s13] =	ssyncadd.s32 $0xFFFFF000  }
0xe6: {  	_ =	swait.ge [sflag:s13], $0x1000  }
0xe7: {  	[sflag:s13] =	ssyncset.done $0x0  }
0xe8: {  	[sflag:s13] =	ssyncadd.s32 $0xFFFFF000  }
0xe9: {  	_ =	swait.ge [sflag:s13], $0x1000  }
0xea: {  	[sflag:s13] =	ssyncset.done $0x0  }
0xeb: {  	[sflag:s13] =	ssyncadd.s32 $0xFFFFF000  }
0xec: {  	_ =	swait.ge [sflag:s13], $0x1000  }
0xed: {  	[sflag:s13] =	ssyncset.done $0x0  }
0xee: {  	[sflag:s13] =	ssyncadd.s32 $0xFFFFF000  }
0xef: {  	_ =	swait.ge [sflag:s13], $0x1000  }
0xf0: {  	[sflag:s13] =	ssyncset.done $0x0  }
0xf1: {  	[sflag:s13] =	ssyncadd.s32 $0xFFFFF000  }
0xf2: {  	_ =	swait.ge [sflag:s13], $0x1000  }
0xf3: {  	[sflag:s13] =	ssyncset.done $0x0  }
0xf4: {  	[sflag:s13] =	ssyncadd.s32 $0xFFFFF000  }
0xf5: {  	_ =	swait.ge [sflag:s13], $0x1000  }
0xf6: {  	[sflag:s13] =	ssyncset.done $0x0  }
0xf7: {  	[sflag:s13] =	ssyncadd.s32 $0xFFFFF000  }
0xf8: {  	_ =	swait.ge [sflag:s13], $0x1000  }
0xf9: {  	[sflag:s13] =	ssyncset.done $0x0  }
0xfa: {  	[sflag:s13] =	ssyncadd.s32 $0xFFFFF000  }
0xfb: {  	_ =	swait.ge [sflag:s13], $0x1000  }
0xfc: {  	[sflag:s13] =	ssyncset.done $0x0  }
0xfd: {  	[sflag:s13] =	ssyncadd.s32 $0xFFFFF000  }
0xfe: {  	_ =	swait.ge [sflag:s13], $0x1000  }
0xff: {  	s3 =	simm.s32 $0x1400;
	[sflag:s13] =	ssyncset.done $0x0  }
0x100: {  	s7 =	simm.s32 $0x80000;
	s30 =	rddreg [dreg:$0xd];
	[sflag:s13] =	ssyncadd.s32 $0xFFFFF000  }
0x101: {  	[hbm4b:s30+s6] =	stream.strided.scatter [tilespmem:s3], [sflag:$0x3], $0xA000, s7, s6, $0x38;
	[tilespmem:$0x15400] =	vst v63  }
0x102: {  	_ =	swait.ge [sflag:s9], $0x1000  }
0x103: {  	[sflag:s9] =	ssyncset.done $0x0  }
0x104: {  	[sflag:s9] =	ssyncadd.s32 $0xFFFFF000  }
0x105: {  	_ =	swait.ge [sflag:s9], $0x1000  }
0x106: {  	[sflag:s9] =	ssyncset.done $0x0  }
0x107: {  	[sflag:s9] =	ssyncadd.s32 $0xFFFFF000  }
0x108: {  	_ =	swait.ge [sflag:s9], $0x1000  }
0x109: {  	[sflag:s9] =	ssyncset.done $0x0  }
0x10a: {  	[sflag:s9] =	ssyncadd.s32 $0xFFFFF000  }
0x10b: {  	_ =	swait.ge [sflag:s9], $0x1000  }
0x10c: {  	[sflag:s9] =	ssyncset.done $0x0  }
0x10d: {  	[sflag:s9] =	ssyncadd.s32 $0xFFFFF000  }
0x10e: {  	_ =	swait.ge [sflag:s9], $0x1000  }
0x10f: {  	[sflag:s9] =	ssyncset.done $0x0  }
0x110: {  	[sflag:s9] =	ssyncadd.s32 $0xFFFFF000  }
0x111: {  	_ =	swait.ge [sflag:s9], $0x1000  }
0x112: {  	[sflag:s9] =	ssyncset.done $0x0  }
0x113: {  	[sflag:s9] =	ssyncadd.s32 $0xFFFFF000  }
0x114: {  	_ =	swait.ge [sflag:s9], $0x1000  }
0x115: {  	[sflag:s9] =	ssyncset.done $0x0  }
0x116: {  	[sflag:s9] =	ssyncadd.s32 $0xFFFFF000  }
0x117: {  	_ =	swait.ge [sflag:s9], $0x1000  }
0x118: {  	[sflag:s9] =	ssyncset.done $0x0  }
0x119: {  	[sflag:s9] =	ssyncadd.s32 $0xFFFFF000  }
0x11a: {  	_ =	swait.ge [sflag:s9], $0x1000  }
0x11b: {  	[sflag:s9] =	ssyncset.done $0x0  }
0x11c: {  	[sflag:s9] =	ssyncadd.s32 $0xFFFFF000  }
0x11d: {  	_ =	swait.ge [sflag:s9], $0x1000  }
0x11e: {  	[sflag:s9] =	ssyncset.done $0x0  }
0x11f: {  	p1 =	sne.s32 s15, $0x1;
	s31 =	rddreg [dreg:$0xe];
	[sflag:s9] =	ssyncadd.s32 $0xFFFFF000  }
0x120: {  	[hbm4b:s31+s6] =	stream.strided.scatter [tilespmem:s17], [sflag:$0x4], $0xA000, s7, s6, $0x38;
	[tilespmem:$0x15400] =	vst v63  }
.Ltmp1:
0x121: {  	_ =	swait.ge [sflag:s8], $0xA000;
	(pc) =	sbr.rel @!p1 .LBB2_7-.Ltmp1, $4  }
0x122: {  	[sflag:s8] =	ssyncset.done $0x0  }
0x123: {  	p0 =	por $0x1, $0x1;
	s5 =	simm.s32 $0x3;
	[sflag:s8] =	ssyncadd.s32 $0xFFFF6000  }
0x124: {  	s19 =	sadd.s32 $0xFFFFFFFF, s15;
	s4 =	simm.s32 $0x1400;
	_ =	swait.ge [sflag:s5], $0xA000  }
0x125: {  	s1 =	simm.s32 $0xB400;
	s20 =	rddreg [dreg:$0x3];
	[sflag:s5] =	ssyncset.done $0x0  }
0x126: {  	s17 =	simm.s32 $0xA00;
	s12 =	simm.s32 $0x2400;
	s23 =	simm.s32 $0x3400  }
0x127: {  	s16 =	simm.s32 $0x4400;
	s26 =	simm.s32 $0x6400;
	s30 =	simm.s32 $0x7400  }
0x128: {  	s29 =	simm.s32 $0x9400;
	s10 =	simm.s32 $0xC400;
	s22 =	simm.s32 $0x1400  }
0x129: {  	s15 =	simm.s32 $0xE400;
	s31 =	simm.s32 $0x10400;
	s14 =	simm.s32 $0x12400  }
.LBB2_4:
0x12a: {  	[sflag:s5] =	ssyncadd.s32 $0xFFFF6000;
	s0 =	simm.s32 $0x0  }
0x12b: {  	[tilespmem:s0], [sflag:$0x5] =	stream.linear.gather [hbm4b:s20+s0], $0x400, $0x38;
	[tilespmem:$0x15400] =	vst v63  }
0x12c: {  	_ =	swait.ge [sflag:s18], $0x400  }
0x12d: {  	[sflag:s18] =	ssyncset.done $0x0  }
0x12e: {  	s24 =	simm.s32 $0x400;
	s6 =	rddreg [dreg:$0x4];
	[sflag:s18] =	ssyncadd.s32 $0xFFFFFC00  }
0x12f: {  	[tilespmem:s24], [sflag:$0x5] =	stream.linear.gather [hbm4b:s6+s0], $0x100, $0x38;
	[tilespmem:$0x15400] =	vst v63  }
0x130: {  	_ =	swait.ge [sflag:s18], $0x100  }
0x131: {  	[sflag:s18] =	ssyncset.done $0x0  }
0x132: {  	s25 =	simm.s32 $0x500;
	s7 =	rddreg [dreg:$0x5];
	[sflag:s18] =	ssyncadd.s32 $0xFFFFFF00  }
0x133: {  	[tilespmem:s25], [sflag:$0x5] =	stream.linear.gather [hbm4b:s7+s0], $0x400, $0x38;
	[tilespmem:$0x15400] =	vst v63  }
0x134: {  	_ =	swait.ge [sflag:s18], $0x400  }
0x135: {  	[sflag:s18] =	ssyncset.done $0x0  }
0x136: {  	s28 =	simm.s32 $0x900;
	s8 =	rddreg [dreg:$0x6];
	[sflag:s18] =	ssyncadd.s32 $0xFFFFFC00  }
0x137: {  	[tilespmem:s28], [sflag:$0x5] =	stream.linear.gather [hbm4b:s8+s0], $0x100, $0x38;
	[tilespmem:$0x15400] =	vst v63  }
0x138: {  	_ =	swait.ge [sflag:s18], $0x100  }
0x139: {  	[sflag:s18] =	ssyncset.done $0x0  }
0x13a: {  	s21 =	rddreg [dreg:$0x7];
	[sflag:s18] =	ssyncadd.s32 $0xFFFFFF00  }
0x13b: {  	[tilespmem:s17], [sflag:$0x5] =	stream.linear.gather [hbm4b:s21+s0], $0x400, $0x38;
	[tilespmem:$0x15400] =	vst v63  }
0x13c: {  	_ =	swait.ge [sflag:s18], $0x400  }
0x13d: {  	[sflag:s18] =	ssyncset.done $0x0  }
0x13e: {  	s5 =	simm.s32 $0xE00;
	s3 =	rddreg [dreg:$0x8];
	[sflag:s18] =	ssyncadd.s32 $0xFFFFFC00  }
0x13f: {  	[tilespmem:s5], [sflag:$0x5] =	stream.linear.gather [hbm4b:s3+s0], $0x100, $0x38;
	[tilespmem:$0x15400] =	vst v63  }
0x140: {  	_ =	swait.ge [sflag:s18], $0x100  }
0x141: {  	[sflag:s18] =	ssyncset.done $0x0  }
0x142: {  	s3 =	simm.s32 $0xF00;
	s6 =	rddreg [dreg:$0x9];
	[sflag:s18] =	ssyncadd.s32 $0xFFFFFF00  }
0x143: {  	[tilespmem:s3], [sflag:$0x5] =	stream.linear.gather [hbm4b:s6+s0], $0x400, $0x38;
	[tilespmem:$0x15400] =	vst v63  }
0x144: {  	_ =	swait.ge [sflag:s18], $0x400  }
0x145: {  	[sflag:s18] =	ssyncset.done $0x0  }
0x146: {  	s21 =	simm.s32 $0x1300;
	s7 =	rddreg [dreg:$0xa];
	[sflag:s18] =	ssyncadd.s32 $0xFFFFFC00  }
0x147: {  	[tilespmem:s21], [sflag:$0x5] =	stream.linear.gather [hbm4b:s7+s0], $0x100, $0x38;
	[tilespmem:$0x15400] =	vst v63  }
0x148: {  	_ =	swait.ge [sflag:s18], $0x100  }
0x149: {  	[sflag:s18] =	ssyncset.done $0x0  }
0x14a: {  	[sflag:s18] =	ssyncadd.s32 $0xFFFFFF00  }
0x14b: {  	[tilespmem:s4], [sflag:$0x1] =	stream.indirect.gather [hbm4b:s2+s11], $0x20, s0, s11, $0xb8;
	[tilespmem:$0x15400] =	vst v63  }
0x14c: {  	_ = 	snop  }
0x14d: {  	[tilespmem:s12], [sflag:$0x1] =	stream.indirect.gather [hbm4b:s2+s11], $0x20, s11, s11, $0xb8;
	[tilespmem:$0x15400] =	vst v63  }
0x14e: {  	s4 =	rddreg [dreg:$0xf]  }
0x14f: {  	[tilespmem:s23], [sflag:$0x1] =	stream.indirect.gather [hbm4b:s2+s11], $0x20, s4, s11, $0xb8;
	[tilespmem:$0x15400] =	vst v63  }
0x150: {  	s21 =	rddreg [dreg:$0x10]  }
0x151: {  	[tilespmem:s16], [sflag:$0x1] =	stream.indirect.gather [hbm4b:s2+s11], $0x20, s21, s11, $0xb8;
	[tilespmem:$0x15400] =	vst v63  }
0x152: {  	s3 =	simm.s32 $0x5400;
	s7 =	rddreg [dreg:$0x11]  }
0x153: {  	[tilespmem:s3], [sflag:$0x1] =	stream.indirect.gather [hbm4b:s2+s11], $0x20, s7, s11, $0xb8;
	[tilespmem:$0x15400] =	vst v63  }
0x154: {  	s0 =	rddreg [dreg:$0x12]  }
0x155: {  	[tilespmem:s26], [sflag:$0x1] =	stream.indirect.gather [hbm4b:s2+s11], $0x20, s0, s11, $0xb8;
	[tilespmem:$0x15400] =	vst v63  }
0x156: {  	s4 =	rddreg [dreg:$0x13]  }
0x157: {  	[tilespmem:s30], [sflag:$0x1] =	stream.indirect.gather [hbm4b:s2+s11], $0x20, s4, s11, $0xb8;
	[tilespmem:$0x15400] =	vst v63  }
0x158: {  	s7 =	rddreg [dreg:$0x14];
	s0 =	simm.s32 $0x8400  }
0x159: {  	[tilespmem:s0], [sflag:$0x1] =	stream.indirect.gather [hbm4b:s2+s11], $0x20, s7, s11, $0xb8;
	[tilespmem:$0x15400] =	vst v63  }
0x15a: {  	_ = 	snop  }
0x15b: {  	[tilespmem:s29], [sflag:$0x1] =	stream.indirect.gather [hbm4b:s2+s11], $0x20, s24, s11, $0xb8;
	[tilespmem:$0x15400] =	vst v63  }
0x15c: {  	s21 =	rddreg [dreg:$0x15];
	s24 =	simm.s32 $0xA400  }
0x15d: {  	[tilespmem:s24], [sflag:$0x1] =	stream.indirect.gather [hbm4b:s2+s11], $0x20, s21, s11, $0xb8;
	[tilespmem:$0x15400] =	vst v63  }
0x15e: {  	_ = 	snop  }
0x15f: {  	[tilespmem:s1], [sflag:$0x2] =	stream.indirect.gather [hbm4b:s2+s11], $0x20, s25, s11, $0xb8;
	[tilespmem:$0x15400] =	vst v63  }
0x160: {  	s4 =	rddreg [dreg:$0x16]  }
0x161: {  	[tilespmem:s10], [sflag:$0x2] =	stream.indirect.gather [hbm4b:s2+s11], $0x20, s4, s11, $0xb8;
	[tilespmem:$0x15400] =	vst v63  }
0x162: {  	s7 =	rddreg [dreg:$0x17];
	s1 =	simm.s32 $0xD400  }
0x163: {  	[tilespmem:s1], [sflag:$0x2] =	stream.indirect.gather [hbm4b:s2+s11], $0x20, s7, s11, $0xb8;
	[tilespmem:$0x15400] =	vst v63  }
0x164: {  	s25 =	rddreg [dreg:$0x18]  }
0x165: {  	[tilespmem:s15], [sflag:$0x2] =	stream.indirect.gather [hbm4b:s2+s11], $0x20, s25, s11, $0xb8;
	[tilespmem:$0x15400] =	vst v63  }
0x166: {  	s21 =	rddreg [dreg:$0x19];
	s25 =	simm.s32 $0xF400  }
0x167: {  	[tilespmem:s25], [sflag:$0x2] =	stream.indirect.gather [hbm4b:s2+s11], $0x20, s21, s11, $0xb8;
	[tilespmem:$0x15400] =	vst v63  }
0x168: {  	s7 =	rddreg [dreg:$0x1a]  }
0x169: {  	[tilespmem:s31], [sflag:$0x2] =	stream.indirect.gather [hbm4b:s2+s11], $0x20, s7, s11, $0xb8;
	[tilespmem:$0x15400] =	vst v63  }
0x16a: {  	s21 =	rddreg [dreg:$0x1b];
	s7 =	simm.s32 $0x11400  }
0x16b: {  	[tilespmem:s7], [sflag:$0x2] =	stream.indirect.gather [hbm4b:s2+s11], $0x20, s21, s11, $0xb8;
	[tilespmem:$0x15400] =	vst v63  }
0x16c: {  	s20 =	rddreg [dreg:$0x1c]  }
0x16d: {  	[tilespmem:s14], [sflag:$0x2] =	stream.indirect.gather [hbm4b:s2+s11], $0x20, s20, s11, $0xb8;
	[tilespmem:$0x15400] =	vst v63  }
0x16e: {  	s7 =	simm.s32 $0x13400  }
0x16f: {  	[tilespmem:s7], [sflag:$0x2] =	stream.indirect.gather [hbm4b:s2+s11], $0x20, s28, s11, $0xb8;
	[tilespmem:$0x15400] =	vst v63  }
0x170: {  	s21 =	rddreg [dreg:$0x1d];
	s28 =	simm.s32 $0x14400  }
0x171: {  	[tilespmem:s28], [sflag:$0x2] =	stream.indirect.gather [hbm4b:s2+s11], $0x20, s21, s11, $0xb8;
	[tilespmem:$0x15400] =	vst v63  }
0x172: {  	_ =	swait.ge [sflag:s13], $0x1000  }
0x173: {  	[sflag:s13] =	ssyncset.done $0x0  }
0x174: {  	[sflag:s13] =	ssyncadd.s32 $0xFFFFF000  }
0x175: {  	_ =	swait.ge [sflag:s13], $0x1000  }
0x176: {  	[sflag:s13] =	ssyncset.done $0x0  }
0x177: {  	[sflag:s13] =	ssyncadd.s32 $0xFFFFF000  }
0x178: {  	_ =	swait.ge [sflag:s13], $0x1000  }
0x179: {  	[sflag:s13] =	ssyncset.done $0x0  }
0x17a: {  	[sflag:s13] =	ssyncadd.s32 $0xFFFFF000  }
0x17b: {  	_ =	swait.ge [sflag:s13], $0x1000  }
0x17c: {  	[sflag:s13] =	ssyncset.done $0x0  }
0x17d: {  	[sflag:s13] =	ssyncadd.s32 $0xFFFFF000  }
0x17e: {  	_ =	swait.ge [sflag:s13], $0x1000  }
0x17f: {  	[sflag:s13] =	ssyncset.done $0x0  }
0x180: {  	[sflag:s13] =	ssyncadd.s32 $0xFFFFF000  }
0x181: {  	_ =	swait.ge [sflag:s13], $0x1000  }
0x182: {  	[sflag:s13] =	ssyncset.done $0x0  }
0x183: {  	[sflag:s13] =	ssyncadd.s32 $0xFFFFF000  }
0x184: {  	_ =	swait.ge [sflag:s13], $0x1000  }
0x185: {  	[sflag:s13] =	ssyncset.done $0x0  }
0x186: {  	[sflag:s13] =	ssyncadd.s32 $0xFFFFF000  }
0x187: {  	_ =	swait.ge [sflag:s13], $0x1000  }
0x188: {  	[sflag:s13] =	ssyncset.done $0x0  }
0x189: {  	[sflag:s13] =	ssyncadd.s32 $0xFFFFF000  }
0x18a: {  	_ =	swait.ge [sflag:s13], $0x1000  }
0x18b: {  	[sflag:s13] =	ssyncset.done $0x0  }
0x18c: {  	[sflag:s13] =	ssyncadd.s32 $0xFFFFF000  }
0x18d: {  	_ =	swait.ge [sflag:s13], $0x1000  }
0x18e: {  	s8 =	simm.s32 $0x3;
	s6 =	simm.s32 $0x1000;
	[sflag:s13] =	ssyncset.done $0x0  }
0x18f: {  	s21 =	simm.s32 $0x80000;
	s20 =	rddreg [dreg:$0xb];
	[sflag:s13] =	ssyncadd.s32 $0xFFFFF000  }
0x190: {  	[hbm4b:s20+s6] =	stream.strided.scatter [tilespmem:s22], [sflag:$0x3], $0xA000, s21, s6, $0x38;
	[tilespmem:$0x15400] =	vst v63  }
0x191: {  	_ =	swait.ge [sflag:s8], $0xA000  }
0x192: {  	[sflag:s8] =	ssyncset.done $0x0  }
0x193: {  	s20 =	rddreg [dreg:$0x1e];
	[sflag:s8] =	ssyncadd.s32 $0xFFFF6000  }
0x194: {  	[tilespmem:s22], [sflag:$0x1] =	stream.indirect.gather [hbm4b:s2+s11], $0x20, s17, s11, $0xb8;
	[tilespmem:$0x15400] =	vst v63  }
0x195: {  	s21 =	rddreg [dreg:$0x1f]  }
0x196: {  	[tilespmem:s12], [sflag:$0x1] =	stream.indirect.gather [hbm4b:s2+s11], $0x20, s20, s11, $0xb8;
	[tilespmem:$0x15400] =	vst v63  }
0x197: {  	s20 =	sld [smem:$0x7F1]  }
0x198: {  	[tilespmem:s23], [sflag:$0x1] =	stream.indirect.gather [hbm4b:s2+s11], $0x20, s21, s11, $0xb8;
	[tilespmem:$0x15400] =	vst v63  }
0x199: {  	s21 =	sld [smem:$0x7F2]  }
0x19a: {  	[tilespmem:s16], [sflag:$0x1] =	stream.indirect.gather [hbm4b:s2+s11], $0x20, s20, s11, $0xb8;
	[tilespmem:$0x15400] =	vst v63  }
0x19b: {  	s20 =	sld [smem:$0x7F3]  }
0x19c: {  	[tilespmem:s3], [sflag:$0x1] =	stream.indirect.gather [hbm4b:s2+s11], $0x20, s21, s11, $0xb8;
	[tilespmem:$0x15400] =	vst v63  }
0x19d: {  	s21 =	sld [smem:$0x7F4]  }
0x19e: {  	[tilespmem:s26], [sflag:$0x1] =	stream.indirect.gather [hbm4b:s2+s11], $0x20, s20, s11, $0xb8;
	[tilespmem:$0x15400] =	vst v63  }
0x19f: {  	s3 =	sld [smem:$0x7F5]  }
0x1a0: {  	[tilespmem:s30], [sflag:$0x1] =	stream.indirect.gather [hbm4b:s2+s11], $0x20, s21, s11, $0xb8;
	[tilespmem:$0x15400] =	vst v63  }
0x1a1: {  	_ = 	snop  }
0x1a2: {  	[tilespmem:s0], [sflag:$0x1] =	stream.indirect.gather [hbm4b:s2+s11], $0x20, s3, s11, $0xb8;
	[tilespmem:$0x15400] =	vst v63  }
0x1a3: {  	s21 =	sld [smem:$0x7F6]  }
0x1a4: {  	[tilespmem:s29], [sflag:$0x1] =	stream.indirect.gather [hbm4b:s2+s11], $0x20, s5, s11, $0xb8;
	[tilespmem:$0x15400] =	vst v63  }
0x1a5: {  	_ = 	snop  }
0x1a6: {  	[tilespmem:s24], [sflag:$0x1] =	stream.indirect.gather [hbm4b:s2+s11], $0x20, s21, s11, $0xb8;
	[tilespmem:$0x15400] =	vst v63  }
0x1a7: {  	_ =	swait.ge [sflag:s9], $0x1000  }
0x1a8: {  	[sflag:s9] =	ssyncset.done $0x0  }
0x1a9: {  	[sflag:s9] =	ssyncadd.s32 $0xFFFFF000  }
0x1aa: {  	_ =	swait.ge [sflag:s9], $0x1000  }
0x1ab: {  	[sflag:s9] =	ssyncset.done $0x0  }
0x1ac: {  	[sflag:s9] =	ssyncadd.s32 $0xFFFFF000  }
0x1ad: {  	_ =	swait.ge [sflag:s9], $0x1000  }
0x1ae: {  	[sflag:s9] =	ssyncset.done $0x0  }
0x1af: {  	[sflag:s9] =	ssyncadd.s32 $0xFFFFF000  }
0x1b0: {  	_ =	swait.ge [sflag:s9], $0x1000  }
0x1b1: {  	[sflag:s9] =	ssyncset.done $0x0  }
0x1b2: {  	[sflag:s9] =	ssyncadd.s32 $0xFFFFF000  }
0x1b3: {  	_ =	swait.ge [sflag:s9], $0x1000  }
0x1b4: {  	[sflag:s9] =	ssyncset.done $0x0  }
0x1b5: {  	[sflag:s9] =	ssyncadd.s32 $0xFFFFF000  }
0x1b6: {  	_ =	swait.ge [sflag:s9], $0x1000  }
0x1b7: {  	[sflag:s9] =	ssyncset.done $0x0  }
0x1b8: {  	[sflag:s9] =	ssyncadd.s32 $0xFFFFF000  }
0x1b9: {  	_ =	swait.ge [sflag:s9], $0x1000  }
0x1ba: {  	[sflag:s9] =	ssyncset.done $0x0  }
0x1bb: {  	[sflag:s9] =	ssyncadd.s32 $0xFFFFF000  }
0x1bc: {  	_ =	swait.ge [sflag:s9], $0x1000  }
0x1bd: {  	[sflag:s9] =	ssyncset.done $0x0  }
0x1be: {  	[sflag:s9] =	ssyncadd.s32 $0xFFFFF000  }
0x1bf: {  	_ =	swait.ge [sflag:s9], $0x1000  }
0x1c0: {  	[sflag:s9] =	ssyncset.done $0x0  }
0x1c1: {  	[sflag:s9] =	ssyncadd.s32 $0xFFFFF000  }
0x1c2: {  	_ =	swait.ge [sflag:s9], $0x1000  }
0x1c3: {  	s4 =	simm.s32 $0xB400;
	s8 =	simm.s32 $0x4;
	[sflag:s9] =	ssyncset.done $0x0  }
0x1c4: {  	s0 =	simm.s32 $0x80000;
	s24 =	rddreg [dreg:$0xc];
	[sflag:s9] =	ssyncadd.s32 $0xFFFFF000  }
0x1c5: {  	[hbm4b:s24+s6] =	stream.strided.scatter [tilespmem:s4], [sflag:$0x4], $0xA000, s0, s6, $0x38;
	[tilespmem:$0x15400] =	vst v63  }
0x1c6: {  	_ =	swait.ge [sflag:s8], $0xA000  }
0x1c7: {  	[sflag:s8] =	ssyncset.done $0x0  }
0x1c8: {  	s21 =	simm.s32 $0xF00;
	s3 =	sld [smem:$0x7F7];
	[sflag:s8] =	ssyncadd.s32 $0xFFFF6000  }
0x1c9: {  	[tilespmem:s4], [sflag:$0x2] =	stream.indirect.gather [hbm4b:s2+s11], $0x20, s21, s11, $0xb8;
	[tilespmem:$0x15400] =	vst v63  }
0x1ca: {  	_ = 	snop  }
0x1cb: {  	[tilespmem:s10], [sflag:$0x2] =	stream.indirect.gather [hbm4b:s2+s11], $0x20, s3, s11, $0xb8;
	[tilespmem:$0x15400] =	vst v63  }
0x1cc: {  	s6 =	simm.s32 $0x1000;
	s24 =	sld [smem:$0x7F8]  }
0x1cd: {  	[tilespmem:s1], [sflag:$0x2] =	stream.indirect.gather [hbm4b:s2+s11], $0x20, s6, s11, $0xb8;
	[tilespmem:$0x15400] =	vst v63  }
0x1ce: {  	s0 =	sld [smem:$0x7F9]  }
0x1cf: {  	[tilespmem:s15], [sflag:$0x2] =	stream.indirect.gather [hbm4b:s2+s11], $0x20, s24, s11, $0xb8;
	[tilespmem:$0x15400] =	vst v63  }
0x1d0: {  	s3 =	sld [smem:$0x7FA]  }
0x1d1: {  	[tilespmem:s25], [sflag:$0x2] =	stream.indirect.gather [hbm4b:s2+s11], $0x20, s0, s11, $0xb8;
	[tilespmem:$0x15400] =	vst v63  }
0x1d2: {  	s24 =	sld [smem:$0x7FB]  }
0x1d3: {  	[tilespmem:s31], [sflag:$0x2] =	stream.indirect.gather [hbm4b:s2+s11], $0x20, s3, s11, $0xb8;
	[tilespmem:$0x15400] =	vst v63  }
0x1d4: {  	s25 =	sld [smem:$0x7FC];
	s3 =	simm.s32 $0x11400  }
0x1d5: {  	[tilespmem:s3], [sflag:$0x2] =	stream.indirect.gather [hbm4b:s2+s11], $0x20, s24, s11, $0xb8;
	[tilespmem:$0x15400] =	vst v63  }
0x1d6: {  	_ = 	snop  }
0x1d7: {  	[tilespmem:s14], [sflag:$0x2] =	stream.indirect.gather [hbm4b:s2+s11], $0x20, s25, s11, $0xb8;
	[tilespmem:$0x15400] =	vst v63  }
0x1d8: {  	s21 =	sld [smem:$0x7FD];
	s24 =	simm.s32 $0x1300  }
0x1d9: {  	[tilespmem:s7], [sflag:$0x2] =	stream.indirect.gather [hbm4b:s2+s11], $0x20, s24, s11, $0xb8;
	[tilespmem:$0x15400] =	vst v63  }
0x1da: {  	_ = 	snop  }
0x1db: {  	[tilespmem:s28], [sflag:$0x2] =	stream.indirect.gather [hbm4b:s2+s11], $0x20, s21, s11, $0xb8;
	[tilespmem:$0x15400] =	vst v63  }
0x1dc: {  	_ =	swait.ge [sflag:s13], $0x1000  }
0x1dd: {  	[sflag:s13] =	ssyncset.done $0x0  }
0x1de: {  	[sflag:s13] =	ssyncadd.s32 $0xFFFFF000  }
0x1df: {  	_ =	swait.ge [sflag:s13], $0x1000  }
0x1e0: {  	[sflag:s13] =	ssyncset.done $0x0  }
0x1e1: {  	[sflag:s13] =	ssyncadd.s32 $0xFFFFF000  }
0x1e2: {  	_ =	swait.ge [sflag:s13], $0x1000  }
0x1e3: {  	[sflag:s13] =	ssyncset.done $0x0  }
0x1e4: {  	[sflag:s13] =	ssyncadd.s32 $0xFFFFF000  }
0x1e5: {  	_ =	swait.ge [sflag:s13], $0x1000  }
0x1e6: {  	[sflag:s13] =	ssyncset.done $0x0  }
0x1e7: {  	[sflag:s13] =	ssyncadd.s32 $0xFFFFF000  }
0x1e8: {  	_ =	swait.ge [sflag:s13], $0x1000  }
0x1e9: {  	[sflag:s13] =	ssyncset.done $0x0  }
0x1ea: {  	[sflag:s13] =	ssyncadd.s32 $0xFFFFF000  }
0x1eb: {  	_ =	swait.ge [sflag:s13], $0x1000  }
0x1ec: {  	[sflag:s13] =	ssyncset.done $0x0  }
0x1ed: {  	[sflag:s13] =	ssyncadd.s32 $0xFFFFF000  }
0x1ee: {  	_ =	swait.ge [sflag:s13], $0x1000  }
0x1ef: {  	[sflag:s13] =	ssyncset.done $0x0  }
0x1f0: {  	[sflag:s13] =	ssyncadd.s32 $0xFFFFF000  }
0x1f1: {  	_ =	swait.ge [sflag:s13], $0x1000  }
0x1f2: {  	[sflag:s13] =	ssyncset.done $0x0  }
0x1f3: {  	[sflag:s13] =	ssyncadd.s32 $0xFFFFF000  }
0x1f4: {  	_ =	swait.ge [sflag:s13], $0x1000  }
0x1f5: {  	[sflag:s13] =	ssyncset.done $0x0  }
0x1f6: {  	[sflag:s13] =	ssyncadd.s32 $0xFFFFF000  }
0x1f7: {  	_ =	swait.ge [sflag:s13], $0x1000  }
0x1f8: {  	s4 =	simm.s32 $0x1400;
	[sflag:s13] =	ssyncset.done $0x0  }
0x1f9: {  	s7 =	simm.s32 $0x80000;
	s25 =	rddreg [dreg:$0xd];
	[sflag:s13] =	ssyncadd.s32 $0xFFFFF000  }
0x1fa: {  	[hbm4b:s25+s6] =	stream.strided.scatter [tilespmem:s4], [sflag:$0x3], $0xA000, s7, s6, $0x38;
	[tilespmem:$0x15400] =	vst v63  }
0x1fb: {  	_ =	swait.ge [sflag:s9], $0x1000  }
0x1fc: {  	[sflag:s9] =	ssyncset.done $0x0  }
0x1fd: {  	[sflag:s9] =	ssyncadd.s32 $0xFFFFF000  }
0x1fe: {  	_ =	swait.ge [sflag:s9], $0x1000  }
0x1ff: {  	[sflag:s9] =	ssyncset.done $0x0  }
0x200: {  	[sflag:s9] =	ssyncadd.s32 $0xFFFFF000  }
0x201: {  	_ =	swait.ge [sflag:s9], $0x1000  }
0x202: {  	[sflag:s9] =	ssyncset.done $0x0  }
0x203: {  	[sflag:s9] =	ssyncadd.s32 $0xFFFFF000  }
0x204: {  	_ =	swait.ge [sflag:s9], $0x1000  }
0x205: {  	[sflag:s9] =	ssyncset.done $0x0  }
0x206: {  	[sflag:s9] =	ssyncadd.s32 $0xFFFFF000  }
0x207: {  	_ =	swait.ge [sflag:s9], $0x1000  }
0x208: {  	[sflag:s9] =	ssyncset.done $0x0  }
0x209: {  	[sflag:s9] =	ssyncadd.s32 $0xFFFFF000  }
0x20a: {  	_ =	swait.ge [sflag:s9], $0x1000  }
0x20b: {  	[sflag:s9] =	ssyncset.done $0x0  }
0x20c: {  	[sflag:s9] =	ssyncadd.s32 $0xFFFFF000  }
0x20d: {  	_ =	swait.ge [sflag:s9], $0x1000  }
0x20e: {  	[sflag:s9] =	ssyncset.done $0x0  }
0x20f: {  	[sflag:s9] =	ssyncadd.s32 $0xFFFFF000  }
0x210: {  	_ =	swait.ge [sflag:s9], $0x1000  }
0x211: {  	[sflag:s9] =	ssyncset.done $0x0  }
0x212: {  	[sflag:s9] =	ssyncadd.s32 $0xFFFFF000  }
0x213: {  	_ =	swait.ge [sflag:s9], $0x1000  }
0x214: {  	[sflag:s9] =	ssyncset.done $0x0  }
0x215: {  	[sflag:s9] =	ssyncadd.s32 $0xFFFFF000  }
0x216: {  	_ =	swait.ge [sflag:s9], $0x1000  }
0x217: {  	p1 =	sne.s32 s19, $0x1;
	[sflag:s9] =	ssyncset.done $0x0  }
0x218: {  	s1 =	simm.s32 $0xB400;
	s28 =	rddreg [dreg:$0xe];
	[sflag:s9] =	ssyncadd.s32 $0xFFFFF000  }
0x219: {  	[hbm4b:s28+s6] =	stream.strided.scatter [tilespmem:s1], [sflag:$0x4], $0xA000, s7, s6, $0x38;
	[tilespmem:$0x15400] =	vst v63  }
.Ltmp2:
0x21a: {  	_ =	swait.ge [sflag:s8], $0xA000;
	(pc) =	sbr.rel @p1 .LBB2_4-.Ltmp2, $4  }
0x21b: {  	[sflag:s8] =	ssyncset.done $0x0  }
0x21c: {  	s5 =	simm.s32 $0x3;
	[sflag:s8] =	ssyncadd.s32 $0xFFFF6000  }
0x21d: {  	_ =	swait.ge [sflag:s5], $0xA000  }
0x21e: {  	s19 =	sadd.s32 $0xFFFFFFFF, s19;
	s20 =	rddreg [dreg:$0x3];
	[sflag:s5] =	ssyncset.done $0x0  }
0x21f: {  	s3 =	simm.s32 $0xF00;
	s23 =	simm.s32 $0xE00  }
0x220: {  	s24 =	simm.s32 $0x13400;
	s25 =	simm.s32 $0x14400;
	s26 =	simm.s32 $0x11400  }
0x221: {  	s28 =	simm.s32 $0x12400;
	s29 =	simm.s32 $0x10400;
	s30 =	simm.s32 $0xC400  }
0x222: {  	s31 =	simm.s32 $0xF400;
	s0 =	simm.s32 $0xE400;
	s1 =	simm.s32 $0xD400  }
0x223: {  	s10 =	simm.s32 $0xA00;
	s12 =	simm.s32 $0x2400;
	s15 =	simm.s32 $0x3400  }
0x224: {  	s16 =	simm.s32 $0x4400;
	s17 =	simm.s32 $0x5400;
	s14 =	simm.s32 $0x0  }
.LBB2_6:
0x225: {  	[sflag:s5] =	ssyncadd.s32 @p0 $0xFFFF6000  }
0x226: {  	[tilespmem:s14], [sflag:$0x5] =	stream.linear.gather [hbm4b:s20+s14], $0x400, $0x38;
	[tilespmem:$0x15400] =	vst v63  }
0x227: {  	_ =	swait.ge [sflag:s18], $0x400  }
0x228: {  	[sflag:s18] =	ssyncset.done $0x0  }
0x229: {  	s22 =	simm.s32 $0x400;
	s19 =	rddreg [dreg:$0x4];
	[sflag:s18] =	ssyncadd.s32 $0xFFFFFC00  }
0x22a: {  	[tilespmem:s22], [sflag:$0x5] =	stream.linear.gather [hbm4b:s19+s14], $0x100, $0x38;
	[tilespmem:$0x15400] =	vst v63  }
0x22b: {  	_ =	swait.ge [sflag:s18], $0x100  }
0x22c: {  	[sflag:s18] =	ssyncset.done $0x0  }
0x22d: {  	s21 =	simm.s32 $0x500;
	s20 =	rddreg [dreg:$0x5];
	[sflag:s18] =	ssyncadd.s32 $0xFFFFFF00  }
0x22e: {  	[tilespmem:s21], [sflag:$0x5] =	stream.linear.gather [hbm4b:s20+s14], $0x400, $0x38;
	[tilespmem:$0x15400] =	vst v63  }
0x22f: {  	_ =	swait.ge [sflag:s18], $0x400  }
0x230: {  	[sflag:s18] =	ssyncset.done $0x0  }
0x231: {  	s20 =	simm.s32 $0x900;
	s19 =	rddreg [dreg:$0x6];
	[sflag:s18] =	ssyncadd.s32 $0xFFFFFC00  }
0x232: {  	[tilespmem:s20], [sflag:$0x5] =	stream.linear.gather [hbm4b:s19+s14], $0x100, $0x38;
	[tilespmem:$0x15400] =	vst v63  }
0x233: {  	_ =	swait.ge [sflag:s18], $0x100  }
0x234: {  	[sflag:s18] =	ssyncset.done $0x0  }
0x235: {  	s19 =	rddreg [dreg:$0x7];
	[sflag:s18] =	ssyncadd.s32 $0xFFFFFF00  }
0x236: {  	[tilespmem:s10], [sflag:$0x5] =	stream.linear.gather [hbm4b:s19+s14], $0x400, $0x38;
	[tilespmem:$0x15400] =	vst v63  }
0x237: {  	_ =	swait.ge [sflag:s18], $0x400  }
0x238: {  	[sflag:s18] =	ssyncset.done $0x0  }
0x239: {  	s19 =	rddreg [dreg:$0x8];
	[sflag:s18] =	ssyncadd.s32 $0xFFFFFC00  }
0x23a: {  	[tilespmem:s23], [sflag:$0x5] =	stream.linear.gather [hbm4b:s19+s14], $0x100, $0x38;
	[tilespmem:$0x15400] =	vst v63  }
0x23b: {  	_ =	swait.ge [sflag:s18], $0x100  }
0x23c: {  	[sflag:s18] =	ssyncset.done $0x0  }
0x23d: {  	s19 =	rddreg [dreg:$0x9];
	[sflag:s18] =	ssyncadd.s32 $0xFFFFFF00  }
0x23e: {  	[tilespmem:s3], [sflag:$0x5] =	stream.linear.gather [hbm4b:s19+s14], $0x400, $0x38;
	[tilespmem:$0x15400] =	vst v63  }
0x23f: {  	_ =	swait.ge [sflag:s18], $0x400  }
0x240: {  	[sflag:s18] =	ssyncset.done $0x0  }
0x241: {  	s3 =	simm.s32 $0x1300;
	s19 =	rddreg [dreg:$0xa];
	[sflag:s18] =	ssyncadd.s32 $0xFFFFFC00  }
0x242: {  	[tilespmem:s3], [sflag:$0x5] =	stream.linear.gather [hbm4b:s19+s14], $0x100, $0x38;
	[tilespmem:$0x15400] =	vst v63  }
0x243: {  	_ =	swait.ge [sflag:s18], $0x100  }
0x244: {  	[sflag:s18] =	ssyncset.done $0x0  }
0x245: {  	[sflag:s18] =	ssyncadd.s32 $0xFFFFFF00  }
0x246: {  	[tilespmem:s4], [sflag:$0x1] =	stream.indirect.gather [hbm4b:s2+s11], $0x20, s14, s11, $0xb8;
	[tilespmem:$0x15400] =	vst v63  }
0x247: {  	_ = 	snop  }
0x248: {  	[tilespmem:s12], [sflag:$0x1] =	stream.indirect.gather [hbm4b:s2+s11], $0x20, s11, s11, $0xb8;
	[tilespmem:$0x15400] =	vst v63  }
0x249: {  	s19 =	rddreg [dreg:$0xf]  }
0x24a: {  	[tilespmem:s15], [sflag:$0x1] =	stream.indirect.gather [hbm4b:s2+s11], $0x20, s19, s11, $0xb8;
	[tilespmem:$0x15400] =	vst v63  }
0x24b: {  	s3 =	rddreg [dreg:$0x10]  }
0x24c: {  	[tilespmem:s16], [sflag:$0x1] =	stream.indirect.gather [hbm4b:s2+s11], $0x20, s3, s11, $0xb8;
	[tilespmem:$0x15400] =	vst v63  }
0x24d: {  	s15 =	rddreg [dreg:$0x11]  }
0x24e: {  	[tilespmem:s17], [sflag:$0x1] =	stream.indirect.gather [hbm4b:s2+s11], $0x20, s15, s11, $0xb8;
	[tilespmem:$0x15400] =	vst v63  }
0x24f: {  	s19 =	simm.s32 $0x6400;
	s16 =	rddreg [dreg:$0x12]  }
0x250: {  	[tilespmem:s19], [sflag:$0x1] =	stream.indirect.gather [hbm4b:s2+s11], $0x20, s16, s11, $0xb8;
	[tilespmem:$0x15400] =	vst v63  }
0x251: {  	s3 =	rddreg [dreg:$0x13];
	s15 =	simm.s32 $0x7400  }
0x252: {  	[tilespmem:s15], [sflag:$0x1] =	stream.indirect.gather [hbm4b:s2+s11], $0x20, s3, s11, $0xb8;
	[tilespmem:$0x15400] =	vst v63  }
0x253: {  	s17 =	simm.s32 $0x8400;
	s16 =	rddreg [dreg:$0x14]  }
0x254: {  	[tilespmem:s17], [sflag:$0x1] =	stream.indirect.gather [hbm4b:s2+s11], $0x20, s16, s11, $0xb8;
	[tilespmem:$0x15400] =	vst v63  }
0x255: {  	s18 =	simm.s32 $0x9400  }
0x256: {  	[tilespmem:s18], [sflag:$0x1] =	stream.indirect.gather [hbm4b:s2+s11], $0x20, s22, s11, $0xb8;
	[tilespmem:$0x15400] =	vst v63  }
0x257: {  	s16 =	rddreg [dreg:$0x15];
	s22 =	simm.s32 $0xA400  }
0x258: {  	[tilespmem:s22], [sflag:$0x1] =	stream.indirect.gather [hbm4b:s2+s11], $0x20, s16, s11, $0xb8;
	[tilespmem:$0x15400] =	vst v63  }
0x259: {  	s22 =	simm.s32 $0xB400  }
0x25a: {  	[tilespmem:s22], [sflag:$0x2] =	stream.indirect.gather [hbm4b:s2+s11], $0x20, s21, s11, $0xb8;
	[tilespmem:$0x15400] =	vst v63  }
0x25b: {  	s15 =	rddreg [dreg:$0x16]  }
0x25c: {  	[tilespmem:s30], [sflag:$0x2] =	stream.indirect.gather [hbm4b:s2+s11], $0x20, s15, s11, $0xb8;
	[tilespmem:$0x15400] =	vst v63  }
0x25d: {  	s16 =	rddreg [dreg:$0x17]  }
0x25e: {  	[tilespmem:s1], [sflag:$0x2] =	stream.indirect.gather [hbm4b:s2+s11], $0x20, s16, s11, $0xb8;
	[tilespmem:$0x15400] =	vst v63  }
0x25f: {  	s15 =	rddreg [dreg:$0x18]  }
0x260: {  	[tilespmem:s0], [sflag:$0x2] =	stream.indirect.gather [hbm4b:s2+s11], $0x20, s15, s11, $0xb8;
	[tilespmem:$0x15400] =	vst v63  }
0x261: {  	s16 =	rddreg [dreg:$0x19]  }
0x262: {  	[tilespmem:s31], [sflag:$0x2] =	stream.indirect.gather [hbm4b:s2+s11], $0x20, s16, s11, $0xb8;
	[tilespmem:$0x15400] =	vst v63  }
0x263: {  	s15 =	rddreg [dreg:$0x1a]  }
0x264: {  	[tilespmem:s29], [sflag:$0x2] =	stream.indirect.gather [hbm4b:s2+s11], $0x20, s15, s11, $0xb8;
	[tilespmem:$0x15400] =	vst v63  }
0x265: {  	s0 =	rddreg [dreg:$0x1b]  }
0x266: {  	[tilespmem:s26], [sflag:$0x2] =	stream.indirect.gather [hbm4b:s2+s11], $0x20, s0, s11, $0xb8;
	[tilespmem:$0x15400] =	vst v63  }
0x267: {  	s15 =	rddreg [dreg:$0x1c]  }
0x268: {  	[tilespmem:s28], [sflag:$0x2] =	stream.indirect.gather [hbm4b:s2+s11], $0x20, s15, s11, $0xb8;
	[tilespmem:$0x15400] =	vst v63  }
0x269: {  	_ = 	snop  }
0x26a: {  	[tilespmem:s24], [sflag:$0x2] =	stream.indirect.gather [hbm4b:s2+s11], $0x20, s20, s11, $0xb8;
	[tilespmem:$0x15400] =	vst v63  }
0x26b: {  	s0 =	rddreg [dreg:$0x1d]  }
0x26c: {  	[tilespmem:s25], [sflag:$0x2] =	stream.indirect.gather [hbm4b:s2+s11], $0x20, s0, s11, $0xb8;
	[tilespmem:$0x15400] =	vst v63  }
0x26d: {  	_ =	swait.ge [sflag:s13], $0x1000  }
0x26e: {  	[sflag:s13] =	ssyncset.done $0x0  }
0x26f: {  	[sflag:s13] =	ssyncadd.s32 $0xFFFFF000  }
0x270: {  	_ =	swait.ge [sflag:s13], $0x1000  }
0x271: {  	[sflag:s13] =	ssyncset.done $0x0  }
0x272: {  	[sflag:s13] =	ssyncadd.s32 $0xFFFFF000  }
0x273: {  	_ =	swait.ge [sflag:s13], $0x1000  }
0x274: {  	[sflag:s13] =	ssyncset.done $0x0  }
0x275: {  	[sflag:s13] =	ssyncadd.s32 $0xFFFFF000  }
0x276: {  	_ =	swait.ge [sflag:s13], $0x1000  }
0x277: {  	[sflag:s13] =	ssyncset.done $0x0  }
0x278: {  	[sflag:s13] =	ssyncadd.s32 $0xFFFFF000  }
0x279: {  	_ =	swait.ge [sflag:s13], $0x1000  }
0x27a: {  	[sflag:s13] =	ssyncset.done $0x0  }
0x27b: {  	[sflag:s13] =	ssyncadd.s32 $0xFFFFF000  }
0x27c: {  	_ =	swait.ge [sflag:s13], $0x1000  }
0x27d: {  	[sflag:s13] =	ssyncset.done $0x0  }
0x27e: {  	[sflag:s13] =	ssyncadd.s32 $0xFFFFF000  }
0x27f: {  	_ =	swait.ge [sflag:s13], $0x1000  }
0x280: {  	[sflag:s13] =	ssyncset.done $0x0  }
0x281: {  	[sflag:s13] =	ssyncadd.s32 $0xFFFFF000  }
0x282: {  	_ =	swait.ge [sflag:s13], $0x1000  }
0x283: {  	[sflag:s13] =	ssyncset.done $0x0  }
0x284: {  	[sflag:s13] =	ssyncadd.s32 $0xFFFFF000  }
0x285: {  	_ =	swait.ge [sflag:s13], $0x1000  }
0x286: {  	[sflag:s13] =	ssyncset.done $0x0  }
0x287: {  	[sflag:s13] =	ssyncadd.s32 $0xFFFFF000  }
0x288: {  	_ =	swait.ge [sflag:s13], $0x1000  }
0x289: {  	[sflag:s13] =	ssyncset.done $0x0  }
0x28a: {  	s15 =	rddreg [dreg:$0xb];
	[sflag:s13] =	ssyncadd.s32 $0xFFFFF000  }
0x28b: {  	[hbm4b:s15+s6] =	stream.strided.scatter [tilespmem:s4], [sflag:$0x3], $0xA000, s7, s6, $0x38;
	[tilespmem:$0x15400] =	vst v63  }
0x28c: {  	_ =	swait.ge [sflag:s5], $0xA000  }
0x28d: {  	[sflag:s5] =	ssyncset.done $0x0  }
0x28e: {  	s16 =	rddreg [dreg:$0x1e];
	[sflag:s5] =	ssyncadd.s32 $0xFFFF6000  }
0x28f: {  	[tilespmem:s4], [sflag:$0x1] =	stream.indirect.gather [hbm4b:s2+s11], $0x20, s10, s11, $0xb8;
	[tilespmem:$0x15400] =	vst v63  }
0x290: {  	s10 =	rddreg [dreg:$0x1f]  }
0x291: {  	[tilespmem:s12], [sflag:$0x1] =	stream.indirect.gather [hbm4b:s2+s11], $0x20, s16, s11, $0xb8;
	[tilespmem:$0x15400] =	vst v63  }
0x292: {  	s20 =	simm.s32 $0x3400;
	s16 =	sld [smem:$0x7F1]  }
0x293: {  	[tilespmem:s20], [sflag:$0x1] =	stream.indirect.gather [hbm4b:s2+s11], $0x20, s10, s11, $0xb8;
	[tilespmem:$0x15400] =	vst v63  }
0x294: {  	s20 =	sld [smem:$0x7F2];
	s10 =	simm.s32 $0x4400  }
0x295: {  	[tilespmem:s10], [sflag:$0x1] =	stream.indirect.gather [hbm4b:s2+s11], $0x20, s16, s11, $0xb8;
	[tilespmem:$0x15400] =	vst v63  }
0x296: {  	s21 =	simm.s32 $0x5400;
	s12 =	sld [smem:$0x7F3]  }
0x297: {  	[tilespmem:s21], [sflag:$0x1] =	stream.indirect.gather [hbm4b:s2+s11], $0x20, s20, s11, $0xb8;
	[tilespmem:$0x15400] =	vst v63  }
0x298: {  	s16 =	sld [smem:$0x7F4]  }
0x299: {  	[tilespmem:s19], [sflag:$0x1] =	stream.indirect.gather [hbm4b:s2+s11], $0x20, s12, s11, $0xb8;
	[tilespmem:$0x15400] =	vst v63  }
0x29a: {  	s20 =	simm.s32 $0x7400;
	s19 =	sld [smem:$0x7F5]  }
0x29b: {  	[tilespmem:s20], [sflag:$0x1] =	stream.indirect.gather [hbm4b:s2+s11], $0x20, s16, s11, $0xb8;
	[tilespmem:$0x15400] =	vst v63  }
0x29c: {  	_ = 	snop  }
0x29d: {  	[tilespmem:s17], [sflag:$0x1] =	stream.indirect.gather [hbm4b:s2+s11], $0x20, s19, s11, $0xb8;
	[tilespmem:$0x15400] =	vst v63  }
0x29e: {  	s12 =	sld [smem:$0x7F6]  }
0x29f: {  	[tilespmem:s18], [sflag:$0x1] =	stream.indirect.gather [hbm4b:s2+s11], $0x20, s23, s11, $0xb8;
	[tilespmem:$0x15400] =	vst v63  }
0x2a0: {  	s3 =	simm.s32 $0xA400  }
0x2a1: {  	[tilespmem:s3], [sflag:$0x1] =	stream.indirect.gather [hbm4b:s2+s11], $0x20, s12, s11, $0xb8;
	[tilespmem:$0x15400] =	vst v63  }
0x2a2: {  	_ =	swait.ge [sflag:s9], $0x1000  }
0x2a3: {  	[sflag:s9] =	ssyncset.done $0x0  }
0x2a4: {  	[sflag:s9] =	ssyncadd.s32 $0xFFFFF000  }
0x2a5: {  	_ =	swait.ge [sflag:s9], $0x1000  }
0x2a6: {  	[sflag:s9] =	ssyncset.done $0x0  }
0x2a7: {  	[sflag:s9] =	ssyncadd.s32 $0xFFFFF000  }
0x2a8: {  	_ =	swait.ge [sflag:s9], $0x1000  }
0x2a9: {  	[sflag:s9] =	ssyncset.done $0x0  }
0x2aa: {  	[sflag:s9] =	ssyncadd.s32 $0xFFFFF000  }
0x2ab: {  	_ =	swait.ge [sflag:s9], $0x1000  }
0x2ac: {  	[sflag:s9] =	ssyncset.done $0x0  }
0x2ad: {  	[sflag:s9] =	ssyncadd.s32 $0xFFFFF000  }
0x2ae: {  	_ =	swait.ge [sflag:s9], $0x1000  }
0x2af: {  	[sflag:s9] =	ssyncset.done $0x0  }
0x2b0: {  	[sflag:s9] =	ssyncadd.s32 $0xFFFFF000  }
0x2b1: {  	_ =	swait.ge [sflag:s9], $0x1000  }
0x2b2: {  	[sflag:s9] =	ssyncset.done $0x0  }
0x2b3: {  	[sflag:s9] =	ssyncadd.s32 $0xFFFFF000  }
0x2b4: {  	_ =	swait.ge [sflag:s9], $0x1000  }
0x2b5: {  	[sflag:s9] =	ssyncset.done $0x0  }
0x2b6: {  	[sflag:s9] =	ssyncadd.s32 $0xFFFFF000  }
0x2b7: {  	_ =	swait.ge [sflag:s9], $0x1000  }
0x2b8: {  	[sflag:s9] =	ssyncset.done $0x0  }
0x2b9: {  	[sflag:s9] =	ssyncadd.s32 $0xFFFFF000  }
0x2ba: {  	_ =	swait.ge [sflag:s9], $0x1000  }
0x2bb: {  	[sflag:s9] =	ssyncset.done $0x0  }
0x2bc: {  	[sflag:s9] =	ssyncadd.s32 $0xFFFFF000  }
0x2bd: {  	_ =	swait.ge [sflag:s9], $0x1000  }
0x2be: {  	[sflag:s9] =	ssyncset.done $0x0  }
0x2bf: {  	s15 =	rddreg [dreg:$0xc];
	[sflag:s9] =	ssyncadd.s32 $0xFFFFF000  }
0x2c0: {  	[hbm4b:s15+s6] =	stream.strided.scatter [tilespmem:s22], [sflag:$0x4], $0xA000, s7, s6, $0x38;
	[tilespmem:$0x15400] =	vst v63  }
0x2c1: {  	_ =	swait.ge [sflag:s8], $0xA000  }
0x2c2: {  	[sflag:s8] =	ssyncset.done $0x0  }
0x2c3: {  	s17 =	simm.s32 $0xF00;
	s16 =	sld [smem:$0x7F7];
	[sflag:s8] =	ssyncadd.s32 $0xFFFF6000  }
0x2c4: {  	[tilespmem:s22], [sflag:$0x2] =	stream.indirect.gather [hbm4b:s2+s11], $0x20, s17, s11, $0xb8;
	[tilespmem:$0x15400] =	vst v63  }
0x2c5: {  	_ = 	snop  }
0x2c6: {  	[tilespmem:s30], [sflag:$0x2] =	stream.indirect.gather [hbm4b:s2+s11], $0x20, s16, s11, $0xb8;
	[tilespmem:$0x15400] =	vst v63  }
0x2c7: {  	s18 =	sld [smem:$0x7F8]  }
0x2c8: {  	[tilespmem:s1], [sflag:$0x2] =	stream.indirect.gather [hbm4b:s2+s11], $0x20, s6, s11, $0xb8;
	[tilespmem:$0x15400] =	vst v63  }
0x2c9: {  	s21 =	simm.s32 $0xE400;
	s19 =	sld [smem:$0x7F9]  }
0x2ca: {  	[tilespmem:s21], [sflag:$0x2] =	stream.indirect.gather [hbm4b:s2+s11], $0x20, s18, s11, $0xb8;
	[tilespmem:$0x15400] =	vst v63  }
0x2cb: {  	s20 =	sld [smem:$0x7FA]  }
0x2cc: {  	[tilespmem:s31], [sflag:$0x2] =	stream.indirect.gather [hbm4b:s2+s11], $0x20, s19, s11, $0xb8;
	[tilespmem:$0x15400] =	vst v63  }
0x2cd: {  	s21 =	sld [smem:$0x7FB]  }
0x2ce: {  	[tilespmem:s29], [sflag:$0x2] =	stream.indirect.gather [hbm4b:s2+s11], $0x20, s20, s11, $0xb8;
	[tilespmem:$0x15400] =	vst v63  }
0x2cf: {  	s23 =	sld [smem:$0x7FC]  }
0x2d0: {  	[tilespmem:s26], [sflag:$0x2] =	stream.indirect.gather [hbm4b:s2+s11], $0x20, s21, s11, $0xb8;
	[tilespmem:$0x15400] =	vst v63  }
0x2d1: {  	_ = 	snop  }
0x2d2: {  	[tilespmem:s28], [sflag:$0x2] =	stream.indirect.gather [hbm4b:s2+s11], $0x20, s23, s11, $0xb8;
	[tilespmem:$0x15400] =	vst v63  }
0x2d3: {  	s26 =	sld [smem:$0x7FD];
	s28 =	simm.s32 $0x1300  }
0x2d4: {  	[tilespmem:s24], [sflag:$0x2] =	stream.indirect.gather [hbm4b:s2+s11], $0x20, s28, s11, $0xb8;
	[tilespmem:$0x15400] =	vst v63  }
0x2d5: {  	_ = 	snop  }
0x2d6: {  	[tilespmem:s25], [sflag:$0x2] =	stream.indirect.gather [hbm4b:s2+s11], $0x20, s26, s11, $0xb8;
	[tilespmem:$0x15400] =	vst v63  }
0x2d7: {  	_ =	swait.ge [sflag:s13], $0x1000  }
0x2d8: {  	[sflag:s13] =	ssyncset.done $0x0  }
0x2d9: {  	[sflag:s13] =	ssyncadd.s32 $0xFFFFF000  }
0x2da: {  	_ =	swait.ge [sflag:s13], $0x1000  }
0x2db: {  	[sflag:s13] =	ssyncset.done $0x0  }
0x2dc: {  	[sflag:s13] =	ssyncadd.s32 $0xFFFFF000  }
0x2dd: {  	_ =	swait.ge [sflag:s13], $0x1000  }
0x2de: {  	[sflag:s13] =	ssyncset.done $0x0  }
0x2df: {  	[sflag:s13] =	ssyncadd.s32 $0xFFFFF000  }
0x2e0: {  	_ =	swait.ge [sflag:s13], $0x1000  }
0x2e1: {  	[sflag:s13] =	ssyncset.done $0x0  }
0x2e2: {  	[sflag:s13] =	ssyncadd.s32 $0xFFFFF000  }
0x2e3: {  	_ =	swait.ge [sflag:s13], $0x1000  }
0x2e4: {  	[sflag:s13] =	ssyncset.done $0x0  }
0x2e5: {  	[sflag:s13] =	ssyncadd.s32 $0xFFFFF000  }
0x2e6: {  	_ =	swait.ge [sflag:s13], $0x1000  }
0x2e7: {  	[sflag:s13] =	ssyncset.done $0x0  }
0x2e8: {  	[sflag:s13] =	ssyncadd.s32 $0xFFFFF000  }
0x2e9: {  	_ =	swait.ge [sflag:s13], $0x1000  }
0x2ea: {  	[sflag:s13] =	ssyncset.done $0x0  }
0x2eb: {  	[sflag:s13] =	ssyncadd.s32 $0xFFFFF000  }
0x2ec: {  	_ =	swait.ge [sflag:s13], $0x1000  }
0x2ed: {  	[sflag:s13] =	ssyncset.done $0x0  }
0x2ee: {  	[sflag:s13] =	ssyncadd.s32 $0xFFFFF000  }
0x2ef: {  	_ =	swait.ge [sflag:s13], $0x1000  }
0x2f0: {  	[sflag:s13] =	ssyncset.done $0x0  }
0x2f1: {  	[sflag:s13] =	ssyncadd.s32 $0xFFFFF000  }
0x2f2: {  	_ =	swait.ge [sflag:s13], $0x1000  }
0x2f3: {  	[sflag:s13] =	ssyncset.done $0x0  }
0x2f4: {  	s29 =	rddreg [dreg:$0xd];
	[sflag:s13] =	ssyncadd.s32 $0xFFFFF000  }
0x2f5: {  	[hbm4b:s29+s6] =	stream.strided.scatter [tilespmem:s4], [sflag:$0x3], $0xA000, s7, s6, $0x38;
	[tilespmem:$0x15400] =	vst v63  }
0x2f6: {  	_ =	swait.ge [sflag:s9], $0x1000  }
0x2f7: {  	[sflag:s9] =	ssyncset.done $0x0  }
0x2f8: {  	[sflag:s9] =	ssyncadd.s32 $0xFFFFF000  }
0x2f9: {  	_ =	swait.ge [sflag:s9], $0x1000  }
0x2fa: {  	[sflag:s9] =	ssyncset.done $0x0  }
0x2fb: {  	[sflag:s9] =	ssyncadd.s32 $0xFFFFF000  }
0x2fc: {  	_ =	swait.ge [sflag:s9], $0x1000  }
0x2fd: {  	[sflag:s9] =	ssyncset.done $0x0  }
0x2fe: {  	[sflag:s9] =	ssyncadd.s32 $0xFFFFF000  }
0x2ff: {  	_ =	swait.ge [sflag:s9], $0x1000  }
0x300: {  	[sflag:s9] =	ssyncset.done $0x0  }
0x301: {  	[sflag:s9] =	ssyncadd.s32 $0xFFFFF000  }
0x302: {  	_ =	swait.ge [sflag:s9], $0x1000  }
0x303: {  	[sflag:s9] =	ssyncset.done $0x0  }
0x304: {  	[sflag:s9] =	ssyncadd.s32 $0xFFFFF000  }
0x305: {  	_ =	swait.ge [sflag:s9], $0x1000  }
0x306: {  	[sflag:s9] =	ssyncset.done $0x0  }
0x307: {  	[sflag:s9] =	ssyncadd.s32 $0xFFFFF000  }
0x308: {  	_ =	swait.ge [sflag:s9], $0x1000  }
0x309: {  	[sflag:s9] =	ssyncset.done $0x0  }
0x30a: {  	[sflag:s9] =	ssyncadd.s32 $0xFFFFF000  }
0x30b: {  	_ =	swait.ge [sflag:s9], $0x1000  }
0x30c: {  	[sflag:s9] =	ssyncset.done $0x0  }
0x30d: {  	[sflag:s9] =	ssyncadd.s32 $0xFFFFF000  }
0x30e: {  	_ =	swait.ge [sflag:s9], $0x1000  }
0x30f: {  	[sflag:s9] =	ssyncset.done $0x0  }
0x310: {  	[sflag:s9] =	ssyncadd.s32 $0xFFFFF000  }
0x311: {  	_ =	swait.ge [sflag:s9], $0x1000  }
0x312: {  	[sflag:s9] =	ssyncset.done $0x0  }
0x313: {  	s30 =	rddreg [dreg:$0xe];
	[sflag:s9] =	ssyncadd.s32 $0xFFFFF000  }
0x314: {  	[hbm4b:s30+s6] =	stream.strided.scatter [tilespmem:s22], [sflag:$0x4], $0xA000, s7, s6, $0x38;
	[tilespmem:$0x15400] =	vst v63  }
0x315: {  	_ =	swait.ge [sflag:s8], $0xA000  }
0x316: {  	[sflag:s8] =	ssyncset.done $0x0  }
0x317: {  	[sflag:s8] =	ssyncadd.s32 $0xFFFF6000  }
0x318: {  	_ =	swait.ge [sflag:s5], $0xA000  }
0x319: {  	[sflag:s5] =	ssyncset.done $0x0  }
0x31a: {  	[sflag:s5] =	ssyncadd.s32 $0xFFFF6000  }
0x31b: {  	_ =	sfence.sel $0x180000  }
0x31c: {  	[bflag:$0x0] =	sbarrier.arrive $0xFFFF  }
0x31d: {  	_ =	strace $0x90000047  }
0x31e: {  	s31 =	stileid.u32;
	[bflag:$0x2] =	sbarrier.arrive $0xFFFF  }
0x31f: {  	p0 =	sne.s32 s31, $0x0;
	s0 =	rddreg [dreg:$0x2]  }
0x320: {  	s0 =	sadd.s32 @!p0 $0x100000, s0  }
0x321: {  	[sflag:s0] =	ssyncadd.tile.s32 @!p0 $0x1;
	_ =	shalt  }
.LBB2_1:
.Ltmp3:
0x322: {  	(pc) =	sbr.rel .LBB2_6-.Ltmp3, $2  }
0x323: {  	_ =	sdelay $0x2  }
0x324: {  	s3 =	simm.s32 $0xF00;
	s4 =	simm.s32 $0x1400  }
.LBB2_7:
0x325: {  	s3 =	simm.s32 $0xF00;
	s23 =	simm.s32 $0xE00;
	s24 =	simm.s32 $0x13400  }
.Ltmp4:
0x326: {  	s25 =	simm.s32 $0x14400;
	s26 =	simm.s32 $0x11400;
	(pc) =	sbr.rel .LBB2_6-.Ltmp4, $4  }
0x327: {  	s28 =	simm.s32 $0x12400;
	s29 =	simm.s32 $0x10400;
	s30 =	simm.s32 $0xC400  }
0x328: {  	s31 =	simm.s32 $0xF400;
	s0 =	simm.s32 $0xE400;
	s1 =	simm.s32 $0xD400  }
0x329: {  	s10 =	simm.s32 $0xA00;
	s12 =	simm.s32 $0x2400;
	s15 =	simm.s32 $0x3400  }
0x32a: {  	s16 =	simm.s32 $0x4400;
	s17 =	simm.s32 $0x5400;
	s14 =	simm.s32 $0x0  }
.Lfunc_end2:
_tile_overlayer_lowered:
.L_overlay_start_2:
0x32b: {  	(tag) =	ssettag $0x2  }
0x32c: {  	s0 =	rddreg [dreg:$0x0];
	s2 =	stileid.u32  }
0x32d: {  	s1 =	rddreg [dreg:$0x1];
	p0 =	sne.s32 s2, $0x0  }
0x32e: {  	s3 =	rddreg [dreg:$0x2];
	[bflag:$0x3] =	sbarrier.arrive $0xFFFF;
	s2 =	simm.s32 @!p0 $0x1C05  }
0x32f: {  	[timem:s3], [sflag:s2] =	dma.local @!p0 [hbm:s0], s1  }
0x330: {  	s0 =	simm.s32 @!p0 $0x5  }
0x331: {  	_ =	swait.ge @!p0 [sflag:s0], s1  }
0x332: {  	s1 =	ssub.s32 @!p0 $0x0, s1;
	[sflag:s0] =	ssyncset.done @!p0 $0x0  }
0x333: {  	[sflag:s0] =	ssyncadd.s32 @!p0 s1  }
0x334: {  	[bflag:$0x3] =	sbarrier.arrive $0xFFFF  }
0x335: {  	_ =	shalt  }

</sc_bundles>
